<compile_context>
chip_gen: v7x
topology: tpu7x:2x2x1
jax: 0.10.2.dev20260603
libtpu: 0.0.44.dev20260713+nightly
codegen_flags: <defaults>
</compile_context>

<pallas_src>
import functools

import jax
import jax.numpy as jnp
from jax import lax
from jax.experimental import pallas as pl
from jax.experimental.pallas import tpu as pltpu
from jax.experimental.pallas import tpu_sc as plsc

EMBED = 32
LANES = 16
B = 16384
L = 50

_info = plsc.get_sparse_core_info()
_NC = _info.num_cores
_NS = _info.num_subcores
NW = _NC * _NS

ROWS_TOTAL = B * L
IDX_COLS = 128
IDX_ROWS = ROWS_TOTAL // IDX_COLS
IDXROWS_PER_W = IDX_ROWS // NW
CH_IDX_ROWS = 8
CHUNK = CH_IDX_ROWS * IDX_COLS
N_CHUNKS = IDXROWS_PER_W // CH_IDX_ROWS
N_GROUPS = CHUNK // LANES

_mesh = plsc.VectorSubcoreMesh(core_axis_name="c", subcore_axis_name="s")


def _pad_fix(idx_v, rows_v):
    lanes = lax.iota(jnp.int32, LANES)
    gpr = IDX_COLS // LANES

    def scan_zero(k, acc):
        r = k // gpr
        c = (k % gpr) * LANES
        v = idx_v[r, pl.ds(c, LANES)]
        return acc + jnp.where(v == 0, 1, 0).astype(jnp.int32)

    acc = lax.fori_loop(0, N_GROUPS, scan_zero,
                        jnp.zeros((LANES,), jnp.int32))
    n_pad = acc[0]
    for i in range(1, LANES):
        n_pad = n_pad + acc[i]

    @pl.when(n_pad > 0)
    def _():
        zeros16 = jnp.zeros((LANES,), jnp.float32)

        def fix_group(k, carry):
            r = k // gpr
            c = (k % gpr) * LANES
            v = idx_v[r, pl.ds(c, LANES)]
            z = jnp.where(v == 0, 1, 0).astype(jnp.int32)
            for l in range(LANES):
                row = r * IDX_COLS + c + l

                @pl.when(z[l] > 0)
                def _zero(row=row):
                    rows_v[row, pl.ds(0, LANES)] = zeros16
                    rows_v[row, pl.ds(LANES, LANES)] = zeros16

            return carry

        lax.fori_loop(0, N_GROUPS, fix_group, 0)


@functools.partial(
    pl.kernel,
    mesh=_mesh,
    out_type=[
        jax.ShapeDtypeStruct((ROWS_TOTAL, EMBED), jnp.float32),
        jax.ShapeDtypeStruct((ROWS_TOTAL, EMBED), jnp.float32),
    ],
    scratch_types=[
        pltpu.VMEM((CH_IDX_ROWS, IDX_COLS), jnp.int32),
        pltpu.VMEM((CHUNK, EMBED), jnp.float32),
        pltpu.SemaphoreType.DMA,
    ],
    compiler_params=pltpu.CompilerParams(use_tc_tiling_on_sc=False),
)
def _emb_lookup(src_tab, tgt_tab, src_idx, tgt_idx, src_out, tgt_out,
                idx_v, rows_v, sem):
    wid = lax.axis_index("s") * _NC + lax.axis_index("c")
    base = wid * IDXROWS_PER_W

    for tab, idx_hbm, out_hbm in ((src_tab, src_idx, src_out),
                                  (tgt_tab, tgt_idx, tgt_out)):
        def chunk_body(i, carry, tab=tab, idx_hbm=idx_hbm, out_hbm=out_hbm):
            row0 = base + i * CH_IDX_ROWS
            pltpu.sync_copy(idx_hbm.at[pl.ds(row0, CH_IDX_ROWS)], idx_v)

            def fire(j, c):
                pltpu.async_copy(tab.at[idx_v.at[j]],
                                 rows_v.at[pl.ds(j * IDX_COLS, IDX_COLS)],
                                 sem)
                return c

            lax.fori_loop(0, CH_IDX_ROWS, fire, 0)

            def drain(j, c):
                pltpu.make_async_copy(
                    tab.at[idx_v.at[j]],
                    rows_v.at[pl.ds(j * IDX_COLS, IDX_COLS)], sem).wait()
                return c

            lax.fori_loop(0, CH_IDX_ROWS, drain, 0)

            _pad_fix(idx_v, rows_v)
            pltpu.sync_copy(rows_v, out_hbm.at[pl.ds(row0 * IDX_COLS, CHUNK)])
            return carry

        lax.fori_loop(0, N_CHUNKS, chunk_body, 0)


def kernel(src_table, tgt_table, src_indices, tgt_indices):
    si = src_indices.reshape(-1).astype(jnp.int32).reshape(IDX_ROWS, IDX_COLS)
    ti = tgt_indices.reshape(-1).astype(jnp.int32).reshape(IDX_ROWS, IDX_COLS)
    so, to = _emb_lookup(src_table, tgt_table, si, ti)
    return (so.reshape(B, L, EMBED), to.reshape(B, L, EMBED))

# --- scband reference (transcript-rebuilt; emitter-appended) ---
"""Pipeline reference for scband-model-embeddings-2628519985212 (READ-ONLY COPY).

The authoritative reference and input builder live on the scoring server;
editing this copy changes nothing except your own understanding.
"""

import jax, jax.numpy as jnp
import numpy as np

VOCAB_SRC = 1000000
VOCAB_TGT = 1000000
EMBED = 32
B = 16384
L = 50


def setup_inputs(seed: int = 0) -> dict:
    key = jax.random.key(seed)
    k1, k2, k3, k4 = jax.random.split(key, 4)
    src_table = jax.random.normal(k1, (VOCAB_SRC, EMBED), dtype=jnp.float32)
    tgt_table = jax.random.normal(k2, (VOCAB_TGT, EMBED), dtype=jnp.float32)
    src_indices = jax.random.randint(k3, (B, L), 0, VOCAB_SRC, dtype=jnp.int32).astype(jnp.int64)
    tgt_indices = jax.random.randint(k4, (B, L), 0, VOCAB_TGT, dtype=jnp.int32).astype(jnp.int64)
    return {
        "src_table": src_table,
        "tgt_table": tgt_table,
        "src_indices": src_indices,
        "tgt_indices": tgt_indices,
    }


def reference(src_table, tgt_table, src_indices, tgt_indices):
    # nn.Embedding with padding_idx: the pad row is held at zero.
    src_table = src_table.at[0].set(0.0)
    tgt_table = tgt_table.at[0].set(0.0)
    src_emb = jnp.take(src_table, src_indices, axis=0)
    tgt_emb = jnp.take(tgt_table, tgt_indices, axis=0)
    return (src_emb, tgt_emb)

if __name__ == "__main__":
    import jax
    _d = setup_inputs()
    print(jax.jit(kernel)(*tuple(_d.values())))

</pallas_src>

<mosaic_0001>
#map = affine_map<(d0, d1) -> (0, 0)>
module attributes {stable_mosaic.version = 14 : i64} {
  func.func @_emb_lookup(%arg0: i32, %arg1: i32, %arg2: memref<1000000x32xf32, #tpu.memory_space<hbm>>, %arg3: memref<1000000x32xf32, #tpu.memory_space<hbm>>, %arg4: memref<6400x128xi32, #tpu.memory_space<hbm>>, %arg5: memref<6400x128xi32, #tpu.memory_space<hbm>>, %arg6: memref<819200x32xf32, #tpu.memory_space<hbm>>, %arg7: memref<819200x32xf32, #tpu.memory_space<hbm>>, %arg8: memref<8x128xi32, #tpu.memory_space<vmem>>, %arg9: memref<1024x32xf32, #tpu.memory_space<vmem>>, %arg10: memref<!tpu.dma_semaphore, #tpu.memory_space<semaphore_mem>>) attributes {dimension_semantics = [#tpu.dimension_semantics<core_parallel>, #tpu.dimension_semantics<subcore_parallel>], iteration_bounds = array<i64: 2, 16>, scalar_prefetch = 0 : i64, scratch_operands = 3 : i64, tpu.core_type = #tpu.core_type<sc_vector_subcore>, window_params = [{transform_indices = #map}, {transform_indices = #map}, {transform_indices = #map}, {transform_indices = #map}, {transform_indices = #map}, {transform_indices = #map}]} {
    %mul3A = arith.constant 2 : i32
    %mul3A_0 = arith.muli %arg1, %mul3A : i32
    %add3A = arith.addi %mul3A_0, %arg0 : i32
    %mul3A_1 = arith.constant 200 : i32
    %mul3A_2 = arith.muli %add3A, %mul3A_1 : i32
    %scan3A = arith.constant 0 : i32
    %scan3A_3 = arith.constant 0 : i32
    %scan3A_4 = arith.constant 25 : i32
    %scan3A_5 = arith.addi %scan3A_3, %scan3A_4 : i32
    %scan3A_6 = arith.constant 1 : i32
    scf.for %scan3A_14 = %scan3A_3 to %scan3A_5 step %scan3A_6  : i32 {
      %mul3A_15 = arith.constant 8 : i32
      %mul3A_16 = arith.muli %scan3A_14, %mul3A_15 : i32
      %add3A_17 = arith.addi %mul3A_2, %mul3A_16 : i32
      "tpu.region"() ({
        %run_scoped3A = tpu.sem_alloc : memref<!tpu.dma_semaphore, #tpu.memory_space<semaphore_mem>>
        %dma_start3A = arith.constant 0 : i32
        %dma_start3A_86 = tpu.memref_slice %arg4[%add3A_17, %dma_start3A] : memref<6400x128xi32, #tpu.memory_space<hbm>> -> memref<8x128xi32, #tpu.memory_space<hbm>>
        %dma_start3A_87 = arith.constant 0 : i32
        %dma_start3A_88 = tpu.memref_slice %arg4[%add3A_17, %dma_start3A_87] : memref<6400x128xi32, #tpu.memory_space<hbm>> -> memref<8x128xi32, #tpu.memory_space<hbm>>
        tpu.enqueue_dma source(%dma_start3A_88 : memref<8x128xi32, #tpu.memory_space<hbm>>) target(%arg8 : memref<8x128xi32, #tpu.memory_space<vmem>>) target_semaphore(%run_scoped3A : memref<!tpu.dma_semaphore, #tpu.memory_space<semaphore_mem>>)
        %dma_wait3A = arith.constant 0 : i32
        %dma_wait3A_89 = tpu.memref_slice %arg4[%add3A_17, %dma_wait3A] : memref<6400x128xi32, #tpu.memory_space<hbm>> -> memref<8x128xi32, #tpu.memory_space<hbm>>
        %dma_wait3A_90 = arith.constant 0 : i32
        %dma_wait3A_91 = tpu.memref_slice %arg4[%add3A_17, %dma_wait3A_90] : memref<6400x128xi32, #tpu.memory_space<hbm>> -> memref<8x128xi32, #tpu.memory_space<hbm>>
        tpu.wait_dma2 semaphore(%run_scoped3A : memref<!tpu.dma_semaphore, #tpu.memory_space<semaphore_mem>>) src(%dma_wait3A_91 : memref<8x128xi32, #tpu.memory_space<hbm>>) dst(%arg8 : memref<8x128xi32, #tpu.memory_space<vmem>>)
        tpu.yield
      }) : () -> ()
      %scan3A_18 = arith.constant 0 : i32
      %scan3A_19 = arith.constant 0 : i32
      %scan3A_20 = arith.constant 8 : i32
      %scan3A_21 = arith.addi %scan3A_19, %scan3A_20 : i32
      %scan3A_22 = arith.constant 1 : i32
      scf.for %scan3A_86 = %scan3A_19 to %scan3A_21 step %scan3A_22  : i32 {
        %mul3A_87 = arith.constant 128 : i32
        %mul3A_88 = arith.muli %scan3A_86, %mul3A_87 : i32
        %dma_start3A = arith.constant 0 : i32
        %dma_start3A_89 = tpu.memref_slice %arg9[%mul3A_88, %dma_start3A] : memref<1024x32xf32, #tpu.memory_space<vmem>> -> memref<128x32xf32, #tpu.memory_space<vmem>>
        %dma_start3A_90 = arith.constant 0 : i32
        %dma_start3A_91 = tpu.memref_slice %arg8[%scan3A_86, %dma_start3A_90] : memref<8x128xi32, #tpu.memory_space<vmem>> -> memref<1x128xi32, #tpu.memory_space<vmem>>
        %dma_start3A_92 = tpu.memref_squeeze %dma_start3A_91 : memref<1x128xi32, #tpu.memory_space<vmem>> -> memref<128xi32, #tpu.memory_space<vmem>>
        %dma_start3A_93 = arith.constant 0 : i32
        %dma_start3A_94 = arith.constant 0 : i32
        %dma_start3A_95 = tpu.memref_slice %arg2[%dma_start3A_93, %dma_start3A_94] : memref<1000000x32xf32, #tpu.memory_space<hbm>> -> memref<1000000x32xf32, #tpu.memory_space<hbm>>
        tpu.enqueue_indirect_dma source(%dma_start3A_95 : memref<1000000x32xf32, #tpu.memory_space<hbm>>) target(%dma_start3A_89 : memref<128x32xf32, #tpu.memory_space<vmem>>) offsets(%dma_start3A_92 : memref<128xi32, #tpu.memory_space<vmem>>) semaphore(%arg10 : memref<!tpu.dma_semaphore, #tpu.memory_space<semaphore_mem>>)
      }
      %scan3A_23 = arith.constant 8 : i32
      %scan3A_24 = arith.constant 0 : i32
      %scan3A_25 = arith.constant 0 : i32
      %scan3A_26 = arith.constant 8 : i32
      %scan3A_27 = arith.addi %scan3A_25, %scan3A_26 : i32
      %scan3A_28 = arith.constant 1 : i32
      scf.for %scan3A_86 = %scan3A_25 to %scan3A_27 step %scan3A_28  : i32 {
        %mul3A_87 = arith.constant 128 : i32
        %mul3A_88 = arith.muli %scan3A_86, %mul3A_87 : i32
        %dma_wait3A = arith.constant 0 : i32
        %dma_wait3A_89 = tpu.memref_slice %arg9[%mul3A_88, %dma_wait3A] : memref<1024x32xf32, #tpu.memory_space<vmem>> -> memref<128x32xf32, #tpu.memory_space<vmem>>
        %dma_wait3A_90 = arith.constant 0 : i32
        %dma_wait3A_91 = tpu.memref_slice %arg8[%scan3A_86, %dma_wait3A_90] : memref<8x128xi32, #tpu.memory_space<vmem>> -> memref<1x128xi32, #tpu.memory_space<vmem>>
        %dma_wait3A_92 = tpu.memref_squeeze %dma_wait3A_91 : memref<1x128xi32, #tpu.memory_space<vmem>> -> memref<128xi32, #tpu.memory_space<vmem>>
        %dma_wait3A_93 = arith.constant 0 : i32
        %dma_wait3A_94 = arith.constant 0 : i32
        %dma_wait3A_95 = tpu.memref_slice %arg2[%dma_wait3A_93, %dma_wait3A_94] : memref<1000000x32xf32, #tpu.memory_space<hbm>> -> memref<1000000x32xf32, #tpu.memory_space<hbm>>
        tpu.wait_indirect_dma semaphore(%arg10 : memref<!tpu.dma_semaphore, #tpu.memory_space<semaphore_mem>>) src(%dma_wait3A_95 : memref<1000000x32xf32, #tpu.memory_space<hbm>>) dst(%dma_wait3A_89 : memref<128x32xf32, #tpu.memory_space<vmem>>)
      }
      %scan3A_29 = arith.constant 8 : i32
      %iota3A = tpu.iota {dimensions = array<i32: 0>} : vector<16xi32>
      %broadcast_in_dim3A = arith.constant 0 : i32
      %broadcast_in_dim3A_30 = vector.broadcast %broadcast_in_dim3A : i32 to vector<16xi32>
      %scan3A_31 = arith.constant 0 : i32
      %scan3A_32 = arith.constant 64 : i32
      %scan3A_33 = arith.addi %scan3A_31, %scan3A_32 : i32
      %scan3A_34 = arith.constant 1 : i32
      %scan3A_35 = scf.for %scan3A_86 = %scan3A_31 to %scan3A_33 step %scan3A_34 iter_args(%scan3A_87 = %broadcast_in_dim3A_30) -> (vector<16xi32>)  : i32 {
        %jit3A = arith.constant 8 : i32
        %div3A = arith.divsi %scan3A_86, %jit3A : i32
        %sign3A = arith.constant 0 : i32
        %sign3A_88 = arith.cmpi sgt, %scan3A_86, %sign3A : i32
        %sign3A_89 = arith.extui %sign3A_88 : i1 to i32
        %sign3A_90 = arith.constant 0 : i32
        %sign3A_91 = arith.cmpi slt, %scan3A_86, %sign3A_90 : i32
        %sign3A_92 = arith.extui %sign3A_91 : i1 to i32
        %sign3A_93 = arith.subi %sign3A_89, %sign3A_92 : i32
        %sign3A_94 = arith.constant 0 : i32
        %sign3A_95 = arith.cmpi sgt, %jit3A, %sign3A_94 : i32
        %sign3A_96 = arith.extui %sign3A_95 : i1 to i32
        %sign3A_97 = arith.constant 0 : i32
        %sign3A_98 = arith.cmpi slt, %jit3A, %sign3A_97 : i32
        %sign3A_99 = arith.extui %sign3A_98 : i1 to i32
        %sign3A_100 = arith.subi %sign3A_96, %sign3A_99 : i32
        %ne3A = arith.cmpi ne, %sign3A_93, %sign3A_100 : i32
        %rem3A = arith.remsi %scan3A_86, %jit3A : i32
        %ne3A_101 = arith.constant 0 : i32
        %ne3A_102 = arith.cmpi ne, %rem3A, %ne3A_101 : i32
        %and3A = arith.andi %ne3A, %ne3A_102 : i1
        %sub3A = arith.constant 1 : i32
        %sub3A_103 = arith.subi %div3A, %sub3A : i32
        %select_n3A = arith.select %and3A, %sub3A_103, %div3A : i32
        %jit3A_104 = arith.constant 8 : i32
        %eq3A = arith.constant 0 : i32
        %eq3A_105 = arith.cmpi eq, %jit3A_104, %eq3A : i32
        %jit3A_106 = arith.constant 1 : i32
        %select_n3A_107 = arith.select %eq3A_105, %jit3A_106, %jit3A_104 : i32
        %rem3A_108 = arith.remsi %scan3A_86, %select_n3A_107 : i32
        %ne3A_109 = arith.constant 0 : i32
        %ne3A_110 = arith.cmpi ne, %rem3A_108, %ne3A_109 : i32
        %lt3A = arith.constant 0 : i32
        %lt3A_111 = arith.cmpi slt, %rem3A_108, %lt3A : i32
        %lt3A_112 = arith.constant 0 : i32
        %lt3A_113 = arith.cmpi slt, %select_n3A_107, %lt3A_112 : i32
        %ne3A_114 = arith.xori %lt3A_111, %lt3A_113 : i1
        %and3A_115 = arith.andi %ne3A_114, %ne3A_110 : i1
        %add3A_116 = arith.addi %rem3A_108, %select_n3A_107 : i32
        %select_n3A_117 = arith.select %and3A_115, %add3A_116, %rem3A_108 : i32
        %mul3A_118 = arith.constant 16 : i32
        %mul3A_119 = arith.muli %select_n3A_117, %mul3A_118 : i32
        %get3A = arith.index_cast %select_n3A : i32 to index
        %get3A_120 = arith.index_cast %mul3A_119 : i32 to index
        %get3A_121 = tpu.vector_load %arg8[%get3A, %get3A_120] {strides = array<i32>} : memref<8x128xi32, #tpu.memory_space<vmem>>, vector<1x16xi32>,
        %get3A_122 = vector.shape_cast %get3A_121 : vector<1x16xi32> to vector<16xi32>
        %eq3A_123 = arith.constant 0 : i32
        %eq3A_124 = vector.broadcast %eq3A_123 : i32 to vector<16xi32>
        %eq3A_125 = arith.cmpi eq, %get3A_122, %eq3A_124 : vector<16xi32>
        %jit3A_126 = arith.constant 1 : i32
        %jit3A_127 = arith.constant 0 : i32
        %broadcast_in_dim3A_128 = vector.broadcast %jit3A_126 : i32 to vector<16xi32>
        %broadcast_in_dim3A_129 = vector.broadcast %jit3A_127 : i32 to vector<16xi32>
        %select_n3A_130 = arith.select %eq3A_125, %broadcast_in_dim3A_128, %broadcast_in_dim3A_129 : vector<16xi1>, vector<16xi32>
        %add3A_131 = arith.addi %scan3A_87, %select_n3A_130 : vector<16xi32>
        scf.yield %add3A_131 : vector<16xi32>
      }
      %scan3A_36 = arith.constant 64 : i32
      %slice3A = vector.extract_strided_slice %scan3A_35 {offsets = [0], sizes = [1], strides = [1]} : vector<16xi32> to vector<1xi32>
      %squeeze3A = vector.extract %slice3A[0] : i32 from vector<1xi32>
      %slice3A_37 = vector.extract_strided_slice %scan3A_35 {offsets = [1], sizes = [1], strides = [1]} : vector<16xi32> to vector<1xi32>
      %squeeze3A_38 = vector.extract %slice3A_37[0] : i32 from vector<1xi32>
      %add3A_39 = arith.addi %squeeze3A, %squeeze3A_38 : i32
      %slice3A_40 = vector.extract_strided_slice %scan3A_35 {offsets = [2], sizes = [1], strides = [1]} : vector<16xi32> to vector<1xi32>
      %squeeze3A_41 = vector.extract %slice3A_40[0] : i32 from vector<1xi32>
      %add3A_42 = arith.addi %add3A_39, %squeeze3A_41 : i32
      %slice3A_43 = vector.extract_strided_slice %scan3A_35 {offsets = [3], sizes = [1], strides = [1]} : vector<16xi32> to vector<1xi32>
      %squeeze3A_44 = vector.extract %slice3A_43[0] : i32 from vector<1xi32>
      %add3A_45 = arith.addi %add3A_42, %squeeze3A_44 : i32
      %slice3A_46 = vector.extract_strided_slice %scan3A_35 {offsets = [4], sizes = [1], strides = [1]} : vector<16xi32> to vector<1xi32>
      %squeeze3A_47 = vector.extract %slice3A_46[0] : i32 from vector<1xi32>
      %add3A_48 = arith.addi %add3A_45, %squeeze3A_47 : i32
      %slice3A_49 = vector.extract_strided_slice %scan3A_35 {offsets = [5], sizes = [1], strides = [1]} : vector<16xi32> to vector<1xi32>
      %squeeze3A_50 = vector.extract %slice3A_49[0] : i32 from vector<1xi32>
      %add3A_51 = arith.addi %add3A_48, %squeeze3A_50 : i32
      %slice3A_52 = vector.extract_strided_slice %scan3A_35 {offsets = [6], sizes = [1], strides = [1]} : vector<16xi32> to vector<1xi32>
      %squeeze3A_53 = vector.extract %slice3A_52[0] : i32 from vector<1xi32>
      %add3A_54 = arith.addi %add3A_51, %squeeze3A_53 : i32
      %slice3A_55 = vector.extract_strided_slice %scan3A_35 {offsets = [7], sizes = [1], strides = [1]} : vector<16xi32> to vector<1xi32>
      %squeeze3A_56 = vector.extract %slice3A_55[0] : i32 from vector<1xi32>
      %add3A_57 = arith.addi %add3A_54, %squeeze3A_56 : i32
      %slice3A_58 = vector.extract_strided_slice %scan3A_35 {offsets = [8], sizes = [1], strides = [1]} : vector<16xi32> to vector<1xi32>
      %squeeze3A_59 = vector.extract %slice3A_58[0] : i32 from vector<1xi32>
      %add3A_60 = arith.addi %add3A_57, %squeeze3A_59 : i32
      %slice3A_61 = vector.extract_strided_slice %scan3A_35 {offsets = [9], sizes = [1], strides = [1]} : vector<16xi32> to vector<1xi32>
      %squeeze3A_62 = vector.extract %slice3A_61[0] : i32 from vector<1xi32>
      %add3A_63 = arith.addi %add3A_60, %squeeze3A_62 : i32
      %slice3A_64 = vector.extract_strided_slice %scan3A_35 {offsets = [10], sizes = [1], strides = [1]} : vector<16xi32> to vector<1xi32>
      %squeeze3A_65 = vector.extract %slice3A_64[0] : i32 from vector<1xi32>
      %add3A_66 = arith.addi %add3A_63, %squeeze3A_65 : i32
      %slice3A_67 = vector.extract_strided_slice %scan3A_35 {offsets = [11], sizes = [1], strides = [1]} : vector<16xi32> to vector<1xi32>
      %squeeze3A_68 = vector.extract %slice3A_67[0] : i32 from vector<1xi32>
      %add3A_69 = arith.addi %add3A_66, %squeeze3A_68 : i32
      %slice3A_70 = vector.extract_strided_slice %scan3A_35 {offsets = [12], sizes = [1], strides = [1]} : vector<16xi32> to vector<1xi32>
      %squeeze3A_71 = vector.extract %slice3A_70[0] : i32 from vector<1xi32>
      %add3A_72 = arith.addi %add3A_69, %squeeze3A_71 : i32
      %slice3A_73 = vector.extract_strided_slice %scan3A_35 {offsets = [13], sizes = [1], strides = [1]} : vector<16xi32> to vector<1xi32>
      %squeeze3A_74 = vector.extract %slice3A_73[0] : i32 from vector<1xi32>
      %add3A_75 = arith.addi %add3A_72, %squeeze3A_74 : i32
      %slice3A_76 = vector.extract_strided_slice %scan3A_35 {offsets = [14], sizes = [1], strides = [1]} : vector<16xi32> to vector<1xi32>
      %squeeze3A_77 = vector.extract %slice3A_76[0] : i32 from vector<1xi32>
      %add3A_78 = arith.addi %add3A_75, %squeeze3A_77 : i32
      %slice3A_79 = vector.extract_strided_slice %scan3A_35 {offsets = [15], sizes = [1], strides = [1]} : vector<16xi32> to vector<1xi32>
      %squeeze3A_80 = vector.extract %slice3A_79[0] : i32 from vector<1xi32>
      %add3A_81 = arith.addi %add3A_78, %squeeze3A_80 : i32
      %gt3A = arith.constant 0 : i32
      %gt3A_82 = arith.cmpi sgt, %add3A_81, %gt3A : i32
      %convert_element_type3A = arith.extui %gt3A_82 : i1 to i32
      %cond3A = arith.constant 0 : i32
      %cond3A_83 = arith.cmpi ne, %convert_element_type3A, %cond3A : i32
      scf.if %cond3A_83 {
        %broadcast_in_dim3A_86 = arith.constant 0.000000e+00 : f32
        %broadcast_in_dim3A_87 = vector.broadcast %broadcast_in_dim3A_86 : f32 to vector<16xf32>
        %scan3A_88 = arith.constant 0 : i32
        %scan3A_89 = arith.constant 0 : i32
        %scan3A_90 = arith.constant 64 : i32
        %scan3A_91 = arith.addi %scan3A_89, %scan3A_90 : i32
        %scan3A_92 = arith.constant 1 : i32
        scf.for %scan3A_94 = %scan3A_89 to %scan3A_91 step %scan3A_92  : i32 {
          %jit3A = arith.constant 8 : i32
          %div3A = arith.divsi %scan3A_94, %jit3A : i32
          %sign3A = arith.constant 0 : i32
          %sign3A_95 = arith.cmpi sgt, %scan3A_94, %sign3A : i32
          %sign3A_96 = arith.extui %sign3A_95 : i1 to i32
          %sign3A_97 = arith.constant 0 : i32
          %sign3A_98 = arith.cmpi slt, %scan3A_94, %sign3A_97 : i32
          %sign3A_99 = arith.extui %sign3A_98 : i1 to i32
          %sign3A_100 = arith.subi %sign3A_96, %sign3A_99 : i32
          %sign3A_101 = arith.constant 0 : i32
          %sign3A_102 = arith.cmpi sgt, %jit3A, %sign3A_101 : i32
          %sign3A_103 = arith.extui %sign3A_102 : i1 to i32
          %sign3A_104 = arith.constant 0 : i32
          %sign3A_105 = arith.cmpi slt, %jit3A, %sign3A_104 : i32
          %sign3A_106 = arith.extui %sign3A_105 : i1 to i32
          %sign3A_107 = arith.subi %sign3A_103, %sign3A_106 : i32
          %ne3A = arith.cmpi ne, %sign3A_100, %sign3A_107 : i32
          %rem3A = arith.remsi %scan3A_94, %jit3A : i32
          %ne3A_108 = arith.constant 0 : i32
          %ne3A_109 = arith.cmpi ne, %rem3A, %ne3A_108 : i32
          %and3A = arith.andi %ne3A, %ne3A_109 : i1
          %sub3A = arith.constant 1 : i32
          %sub3A_110 = arith.subi %div3A, %sub3A : i32
          %select_n3A = arith.select %and3A, %sub3A_110, %div3A : i32
          %jit3A_111 = arith.constant 8 : i32
          %eq3A = arith.constant 0 : i32
          %eq3A_112 = arith.cmpi eq, %jit3A_111, %eq3A : i32
          %jit3A_113 = arith.constant 1 : i32
          %select_n3A_114 = arith.select %eq3A_112, %jit3A_113, %jit3A_111 : i32
          %rem3A_115 = arith.remsi %scan3A_94, %select_n3A_114 : i32
          %ne3A_116 = arith.constant 0 : i32
          %ne3A_117 = arith.cmpi ne, %rem3A_115, %ne3A_116 : i32
          %lt3A = arith.constant 0 : i32
          %lt3A_118 = arith.cmpi slt, %rem3A_115, %lt3A : i32
          %lt3A_119 = arith.constant 0 : i32
          %lt3A_120 = arith.cmpi slt, %select_n3A_114, %lt3A_119 : i32
          %ne3A_121 = arith.xori %lt3A_118, %lt3A_120 : i1
          %and3A_122 = arith.andi %ne3A_121, %ne3A_117 : i1
          %add3A_123 = arith.addi %rem3A_115, %select_n3A_114 : i32
          %select_n3A_124 = arith.select %and3A_122, %add3A_123, %rem3A_115 : i32
          %mul3A_125 = arith.constant 16 : i32
          %mul3A_126 = arith.muli %select_n3A_124, %mul3A_125 : i32
          %get3A = arith.index_cast %select_n3A : i32 to index
          %get3A_127 = arith.index_cast %mul3A_126 : i32 to index
          %get3A_128 = tpu.vector_load %arg8[%get3A, %get3A_127] {strides = array<i32>} : memref<8x128xi32, #tpu.memory_space<vmem>>, vector<1x16xi32>,
          %get3A_129 = vector.shape_cast %get3A_128 : vector<1x16xi32> to vector<16xi32>
          %eq3A_130 = arith.constant 0 : i32
          %eq3A_131 = vector.broadcast %eq3A_130 : i32 to vector<16xi32>
          %eq3A_132 = arith.cmpi eq, %get3A_129, %eq3A_131 : vector<16xi32>
          %jit3A_133 = arith.constant 1 : i32
          %jit3A_134 = arith.constant 0 : i32
          %broadcast_in_dim3A_135 = vector.broadcast %jit3A_133 : i32 to vector<16xi32>
          %broadcast_in_dim3A_136 = vector.broadcast %jit3A_134 : i32 to vector<16xi32>
          %select_n3A_137 = arith.select %eq3A_132, %broadcast_in_dim3A_135, %broadcast_in_dim3A_136 : vector<16xi1>, vector<16xi32>
          %mul3A_138 = arith.constant 128 : i32
          %mul3A_139 = arith.muli %select_n3A, %mul3A_138 : i32
          %add3A_140 = arith.addi %mul3A_139, %mul3A_126 : i32
          %add3A_141 = arith.constant 0 : i32
          %add3A_142 = arith.addi %add3A_140, %add3A_141 : i32
          %slice3A_143 = vector.extract_strided_slice %select_n3A_137 {offsets = [0], sizes = [1], strides = [1]} : vector<16xi32> to vector<1xi32>
          %squeeze3A_144 = vector.extract %slice3A_143[0] : i32 from vector<1xi32>
          %gt3A_145 = arith.constant 0 : i32
          %gt3A_146 = arith.cmpi sgt, %squeeze3A_144, %gt3A_145 : i32
          %convert_element_type3A_147 = arith.extui %gt3A_146 : i1 to i32
          %cond3A_148 = arith.constant 0 : i32
          %cond3A_149 = arith.cmpi ne, %convert_element_type3A_147, %cond3A_148 : i32
          scf.if %cond3A_149 {
            %swap3A = arith.index_cast %add3A_142 : i32 to index
            %swap3A_330 = arith.constant 0 : index
            %swap3A_331 = tpu.vector_load %arg9[%swap3A, %swap3A_330] {strides = array<i32>} : memref<1024x32xf32, #tpu.memory_space<vmem>>, vector<1x16xf32>,
            %swap3A_332 = vector.shape_cast %swap3A_331 : vector<1x16xf32> to vector<16xf32>
            %swap3A_333 = vector.shape_cast %broadcast_in_dim3A_87 : vector<16xf32> to vector<1x16xf32>
            tpu.vector_store %arg9[%swap3A, %swap3A_330], %swap3A_333 {strides = array<i32>} : memref<1024x32xf32, #tpu.memory_space<vmem>>, vector<1x16xf32>,
            %swap3A_334 = arith.index_cast %add3A_142 : i32 to index
            %swap3A_335 = arith.constant 16 : index
            %swap3A_336 = tpu.vector_load %arg9[%swap3A_334, %swap3A_335] {strides = array<i32>} : memref<1024x32xf32, #tpu.memory_space<vmem>>, vector<1x16xf32>,
            %swap3A_337 = vector.shape_cast %swap3A_336 : vector<1x16xf32> to vector<16xf32>
            %swap3A_338 = vector.shape_cast %broadcast_in_dim3A_87 : vector<16xf32> to vector<1x16xf32>
            tpu.vector_store %arg9[%swap3A_334, %swap3A_335], %swap3A_338 {strides = array<i32>} : memref<1024x32xf32, #tpu.memory_space<vmem>>, vector<1x16xf32>,
          } else {
          }
          %mul3A_150 = arith.constant 128 : i32
          %mul3A_151 = arith.muli %select_n3A, %mul3A_150 : i32
          %add3A_152 = arith.addi %mul3A_151, %mul3A_126 : i32
          %add3A_153 = arith.constant 1 : i32
          %add3A_154 = arith.addi %add3A_152, %add3A_153 : i32
          %slice3A_155 = vector.extract_strided_slice %select_n3A_137 {offsets = [1], sizes = [1], strides = [1]} : vector<16xi32> to vector<1xi32>
          %squeeze3A_156 = vector.extract %slice3A_155[0] : i32 from vector<1xi32>
          %gt3A_157 = arith.constant 0 : i32
          %gt3A_158 = arith.cmpi sgt, %squeeze3A_156, %gt3A_157 : i32
          %convert_element_type3A_159 = arith.extui %gt3A_158 : i1 to i32
          %cond3A_160 = arith.constant 0 : i32
          %cond3A_161 = arith.cmpi ne, %convert_element_type3A_159, %cond3A_160 : i32
          scf.if %cond3A_161 {
            %swap3A = arith.index_cast %add3A_154 : i32 to index
            %swap3A_330 = arith.constant 0 : index
            %swap3A_331 = tpu.vector_load %arg9[%swap3A, %swap3A_330] {strides = array<i32>} : memref<1024x32xf32, #tpu.memory_space<vmem>>, vector<1x16xf32>,
            %swap3A_332 = vector.shape_cast %swap3A_331 : vector<1x16xf32> to vector<16xf32>
            %swap3A_333 = vector.shape_cast %broadcast_in_dim3A_87 : vector<16xf32> to vector<1x16xf32>
            tpu.vector_store %arg9[%swap3A, %swap3A_330], %swap3A_333 {strides = array<i32>} : memref<1024x32xf32, #tpu.memory_space<vmem>>, vector<1x16xf32>,
            %swap3A_334 = arith.index_cast %add3A_154 : i32 to index
            %swap3A_335 = arith.constant 16 : index
            %swap3A_336 = tpu.vector_load %arg9[%swap3A_334, %swap3A_335] {strides = array<i32>} : memref<1024x32xf32, #tpu.memory_space<vmem>>, vector<1x16xf32>,
            %swap3A_337 = vector.shape_cast %swap3A_336 : vector<1x16xf32> to vector<16xf32>
            %swap3A_338 = vector.shape_cast %broadcast_in_dim3A_87 : vector<16xf32> to vector<1x16xf32>
            tpu.vector_store %arg9[%swap3A_334, %swap3A_335], %swap3A_338 {strides = array<i32>} : memref<1024x32xf32, #tpu.memory_space<vmem>>, vector<1x16xf32>,
          } else {
          }
          %mul3A_162 = arith.constant 128 : i32
          %mul3A_163 = arith.muli %select_n3A, %mul3A_162 : i32
          %add3A_164 = arith.addi %mul3A_163, %mul3A_126 : i32
          %add3A_165 = arith.constant 2 : i32
          %add3A_166 = arith.addi %add3A_164, %add3A_165 : i32
          %slice3A_167 = vector.extract_strided_slice %select_n3A_137 {offsets = [2], sizes = [1], strides = [1]} : vector<16xi32> to vector<1xi32>
          %squeeze3A_168 = vector.extract %slice3A_167[0] : i32 from vector<1xi32>
          %gt3A_169 = arith.constant 0 : i32
          %gt3A_170 = arith.cmpi sgt, %squeeze3A_168, %gt3A_169 : i32
          %convert_element_type3A_171 = arith.extui %gt3A_170 : i1 to i32
          %cond3A_172 = arith.constant 0 : i32
          %cond3A_173 = arith.cmpi ne, %convert_element_type3A_171, %cond3A_172 : i32
          scf.if %cond3A_173 {
            %swap3A = arith.index_cast %add3A_166 : i32 to index
            %swap3A_330 = arith.constant 0 : index
            %swap3A_331 = tpu.vector_load %arg9[%swap3A, %swap3A_330] {strides = array<i32>} : memref<1024x32xf32, #tpu.memory_space<vmem>>, vector<1x16xf32>,
            %swap3A_332 = vector.shape_cast %swap3A_331 : vector<1x16xf32> to vector<16xf32>
            %swap3A_333 = vector.shape_cast %broadcast_in_dim3A_87 : vector<16xf32> to vector<1x16xf32>
            tpu.vector_store %arg9[%swap3A, %swap3A_330], %swap3A_333 {strides = array<i32>} : memref<1024x32xf32, #tpu.memory_space<vmem>>, vector<1x16xf32>,
            %swap3A_334 = arith.index_cast %add3A_166 : i32 to index
            %swap3A_335 = arith.constant 16 : index
            %swap3A_336 = tpu.vector_load %arg9[%swap3A_334, %swap3A_335] {strides = array<i32>} : memref<1024x32xf32, #tpu.memory_space<vmem>>, vector<1x16xf32>,
            %swap3A_337 = vector.shape_cast %swap3A_336 : vector<1x16xf32> to vector<16xf32>
            %swap3A_338 = vector.shape_cast %broadcast_in_dim3A_87 : vector<16xf32> to vector<1x16xf32>
            tpu.vector_store %arg9[%swap3A_334, %swap3A_335], %swap3A_338 {strides = array<i32>} : memref<1024x32xf32, #tpu.memory_space<vmem>>, vector<1x16xf32>,
          } else {
          }
          %mul3A_174 = arith.constant 128 : i32
          %mul3A_175 = arith.muli %select_n3A, %mul3A_174 : i32
          %add3A_176 = arith.addi %mul3A_175, %mul3A_126 : i32
          %add3A_177 = arith.constant 3 : i32
          %add3A_178 = arith.addi %add3A_176, %add3A_177 : i32
          %slice3A_179 = vector.extract_strided_slice %select_n3A_137 {offsets = [3], sizes = [1], strides = [1]} : vector<16xi32> to vector<1xi32>
          %squeeze3A_180 = vector.extract %slice3A_179[0] : i32 from vector<1xi32>
          %gt3A_181 = arith.constant 0 : i32
          %gt3A_182 = arith.cmpi sgt, %squeeze3A_180, %gt3A_181 : i32
          %convert_element_type3A_183 = arith.extui %gt3A_182 : i1 to i32
          %cond3A_184 = arith.constant 0 : i32
          %cond3A_185 = arith.cmpi ne, %convert_element_type3A_183, %cond3A_184 : i32
          scf.if %cond3A_185 {
            %swap3A = arith.index_cast %add3A_178 : i32 to index
            %swap3A_330 = arith.constant 0 : index
            %swap3A_331 = tpu.vector_load %arg9[%swap3A, %swap3A_330] {strides = array<i32>} : memref<1024x32xf32, #tpu.memory_space<vmem>>, vector<1x16xf32>,
            %swap3A_332 = vector.shape_cast %swap3A_331 : vector<1x16xf32> to vector<16xf32>
            %swap3A_333 = vector.shape_cast %broadcast_in_dim3A_87 : vector<16xf32> to vector<1x16xf32>
            tpu.vector_store %arg9[%swap3A, %swap3A_330], %swap3A_333 {strides = array<i32>} : memref<1024x32xf32, #tpu.memory_space<vmem>>, vector<1x16xf32>,
            %swap3A_334 = arith.index_cast %add3A_178 : i32 to index
            %swap3A_335 = arith.constant 16 : index
            %swap3A_336 = tpu.vector_load %arg9[%swap3A_334, %swap3A_335] {strides = array<i32>} : memref<1024x32xf32, #tpu.memory_space<vmem>>, vector<1x16xf32>,
            %swap3A_337 = vector.shape_cast %swap3A_336 : vector<1x16xf32> to vector<16xf32>
            %swap3A_338 = vector.shape_cast %broadcast_in_dim3A_87 : vector<16xf32> to vector<1x16xf32>
            tpu.vector_store %arg9[%swap3A_334, %swap3A_335], %swap3A_338 {strides = array<i32>} : memref<1024x32xf32, #tpu.memory_space<vmem>>, vector<1x16xf32>,
          } else {
          }
          %mul3A_186 = arith.constant 128 : i32
          %mul3A_187 = arith.muli %select_n3A, %mul3A_186 : i32
          %add3A_188 = arith.addi %mul3A_187, %mul3A_126 : i32
          %add3A_189 = arith.constant 4 : i32
          %add3A_190 = arith.addi %add3A_188, %add3A_189 : i32
          %slice3A_191 = vector.extract_strided_slice %select_n3A_137 {offsets = [4], sizes = [1], strides = [1]} : vector<16xi32> to vector<1xi32>
          %squeeze3A_192 = vector.extract %slice3A_191[0] : i32 from vector<1xi32>
          %gt3A_193 = arith.constant 0 : i32
          %gt3A_194 = arith.cmpi sgt, %squeeze3A_192, %gt3A_193 : i32
          %convert_element_type3A_195 = arith.extui %gt3A_194 : i1 to i32
          %cond3A_196 = arith.constant 0 : i32
          %cond3A_197 = arith.cmpi ne, %convert_element_type3A_195, %cond3A_196 : i32
          scf.if %cond3A_197 {
            %swap3A = arith.index_cast %add3A_190 : i32 to index
            %swap3A_330 = arith.constant 0 : index
            %swap3A_331 = tpu.vector_load %arg9[%swap3A, %swap3A_330] {strides = array<i32>} : memref<1024x32xf32, #tpu.memory_space<vmem>>, vector<1x16xf32>,
            %swap3A_332 = vector.shape_cast %swap3A_331 : vector<1x16xf32> to vector<16xf32>
            %swap3A_333 = vector.shape_cast %broadcast_in_dim3A_87 : vector<16xf32> to vector<1x16xf32>
            tpu.vector_store %arg9[%swap3A, %swap3A_330], %swap3A_333 {strides = array<i32>} : memref<1024x32xf32, #tpu.memory_space<vmem>>, vector<1x16xf32>,
            %swap3A_334 = arith.index_cast %add3A_190 : i32 to index
            %swap3A_335 = arith.constant 16 : index
            %swap3A_336 = tpu.vector_load %arg9[%swap3A_334, %swap3A_335] {strides = array<i32>} : memref<1024x32xf32, #tpu.memory_space<vmem>>, vector<1x16xf32>,
            %swap3A_337 = vector.shape_cast %swap3A_336 : vector<1x16xf32> to vector<16xf32>
            %swap3A_338 = vector.shape_cast %broadcast_in_dim3A_87 : vector<16xf32> to vector<1x16xf32>
            tpu.vector_store %arg9[%swap3A_334, %swap3A_335], %swap3A_338 {strides = array<i32>} : memref<1024x32xf32, #tpu.memory_space<vmem>>, vector<1x16xf32>,
          } else {
          }
          %mul3A_198 = arith.constant 128 : i32
          %mul3A_199 = arith.muli %select_n3A, %mul3A_198 : i32
          %add3A_200 = arith.addi %mul3A_199, %mul3A_126 : i32
          %add3A_201 = arith.constant 5 : i32
          %add3A_202 = arith.addi %add3A_200, %add3A_201 : i32
          %slice3A_203 = vector.extract_strided_slice %select_n3A_137 {offsets = [5], sizes = [1], strides = [1]} : vector<16xi32> to vector<1xi32>
          %squeeze3A_204 = vector.extract %slice3A_203[0] : i32 from vector<1xi32>
          %gt3A_205 = arith.constant 0 : i32
          %gt3A_206 = arith.cmpi sgt, %squeeze3A_204, %gt3A_205 : i32
          %convert_element_type3A_207 = arith.extui %gt3A_206 : i1 to i32
          %cond3A_208 = arith.constant 0 : i32
          %cond3A_209 = arith.cmpi ne, %convert_element_type3A_207, %cond3A_208 : i32
          scf.if %cond3A_209 {
            %swap3A = arith.index_cast %add3A_202 : i32 to index
            %swap3A_330 = arith.constant 0 : index
            %swap3A_331 = tpu.vector_load %arg9[%swap3A, %swap3A_330] {strides = array<i32>} : memref<1024x32xf32, #tpu.memory_space<vmem>>, vector<1x16xf32>,
            %swap3A_332 = vector.shape_cast %swap3A_331 : vector<1x16xf32> to vector<16xf32>
            %swap3A_333 = vector.shape_cast %broadcast_in_dim3A_87 : vector<16xf32> to vector<1x16xf32>
            tpu.vector_store %arg9[%swap3A, %swap3A_330], %swap3A_333 {strides = array<i32>} : memref<1024x32xf32, #tpu.memory_space<vmem>>, vector<1x16xf32>,
            %swap3A_334 = arith.index_cast %add3A_202 : i32 to index
            %swap3A_335 = arith.constant 16 : index
            %swap3A_336 = tpu.vector_load %arg9[%swap3A_334, %swap3A_335] {strides = array<i32>} : memref<1024x32xf32, #tpu.memory_space<vmem>>, vector<1x16xf32>,
            %swap3A_337 = vector.shape_cast %swap3A_336 : vector<1x16xf32> to vector<16xf32>
            %swap3A_338 = vector.shape_cast %broadcast_in_dim3A_87 : vector<16xf32> to vector<1x16xf32>
            tpu.vector_store %arg9[%swap3A_334, %swap3A_335], %swap3A_338 {strides = array<i32>} : memref<1024x32xf32, #tpu.memory_space<vmem>>, vector<1x16xf32>,
          } else {
          }
          %mul3A_210 = arith.constant 128 : i32
          %mul3A_211 = arith.muli %select_n3A, %mul3A_210 : i32
          %add3A_212 = arith.addi %mul3A_211, %mul3A_126 : i32
          %add3A_213 = arith.constant 6 : i32
          %add3A_214 = arith.addi %add3A_212, %add3A_213 : i32
          %slice3A_215 = vector.extract_strided_slice %select_n3A_137 {offsets = [6], sizes = [1], strides = [1]} : vector<16xi32> to vector<1xi32>
          %squeeze3A_216 = vector.extract %slice3A_215[0] : i32 from vector<1xi32>
          %gt3A_217 = arith.constant 0 : i32
          %gt3A_218 = arith.cmpi sgt, %squeeze3A_216, %gt3A_217 : i32
          %convert_element_type3A_219 = arith.extui %gt3A_218 : i1 to i32
          %cond3A_220 = arith.constant 0 : i32
          %cond3A_221 = arith.cmpi ne, %convert_element_type3A_219, %cond3A_220 : i32
          scf.if %cond3A_221 {
            %swap3A = arith.index_cast %add3A_214 : i32 to index
            %swap3A_330 = arith.constant 0 : index
            %swap3A_331 = tpu.vector_load %arg9[%swap3A, %swap3A_330] {strides = array<i32>} : memref<1024x32xf32, #tpu.memory_space<vmem>>, vector<1x16xf32>,
            %swap3A_332 = vector.shape_cast %swap3A_331 : vector<1x16xf32> to vector<16xf32>
            %swap3A_333 = vector.shape_cast %broadcast_in_dim3A_87 : vector<16xf32> to vector<1x16xf32>
            tpu.vector_store %arg9[%swap3A, %swap3A_330], %swap3A_333 {strides = array<i32>} : memref<1024x32xf32, #tpu.memory_space<vmem>>, vector<1x16xf32>,
            %swap3A_334 = arith.index_cast %add3A_214 : i32 to index
            %swap3A_335 = arith.constant 16 : index
            %swap3A_336 = tpu.vector_load %arg9[%swap3A_334, %swap3A_335] {strides = array<i32>} : memref<1024x32xf32, #tpu.memory_space<vmem>>, vector<1x16xf32>,
            %swap3A_337 = vector.shape_cast %swap3A_336 : vector<1x16xf32> to vector<16xf32>
            %swap3A_338 = vector.shape_cast %broadcast_in_dim3A_87 : vector<16xf32> to vector<1x16xf32>
            tpu.vector_store %arg9[%swap3A_334, %swap3A_335], %swap3A_338 {strides = array<i32>} : memref<1024x32xf32, #tpu.memory_space<vmem>>, vector<1x16xf32>,
          } else {
          }
          %mul3A_222 = arith.constant 128 : i32
          %mul3A_223 = arith.muli %select_n3A, %mul3A_222 : i32
          %add3A_224 = arith.addi %mul3A_223, %mul3A_126 : i32
          %add3A_225 = arith.constant 7 : i32
          %add3A_226 = arith.addi %add3A_224, %add3A_225 : i32
          %slice3A_227 = vector.extract_strided_slice %select_n3A_137 {offsets = [7], sizes = [1], strides = [1]} : vector<16xi32> to vector<1xi32>
          %squeeze3A_228 = vector.extract %slice3A_227[0] : i32 from vector<1xi32>
          %gt3A_229 = arith.constant 0 : i32
          %gt3A_230 = arith.cmpi sgt, %squeeze3A_228, %gt3A_229 : i32
          %convert_element_type3A_231 = arith.extui %gt3A_230 : i1 to i32
          %cond3A_232 = arith.constant 0 : i32
          %cond3A_233 = arith.cmpi ne, %convert_element_type3A_231, %cond3A_232 : i32
          scf.if %cond3A_233 {
            %swap3A = arith.index_cast %add3A_226 : i32 to index
            %swap3A_330 = arith.constant 0 : index
            %swap3A_331 = tpu.vector_load %arg9[%swap3A, %swap3A_330] {strides = array<i32>} : memref<1024x32xf32, #tpu.memory_space<vmem>>, vector<1x16xf32>,
            %swap3A_332 = vector.shape_cast %swap3A_331 : vector<1x16xf32> to vector<16xf32>
            %swap3A_333 = vector.shape_cast %broadcast_in_dim3A_87 : vector<16xf32> to vector<1x16xf32>
            tpu.vector_store %arg9[%swap3A, %swap3A_330], %swap3A_333 {strides = array<i32>} : memref<1024x32xf32, #tpu.memory_space<vmem>>, vector<1x16xf32>,
            %swap3A_334 = arith.index_cast %add3A_226 : i32 to index
            %swap3A_335 = arith.constant 16 : index
            %swap3A_336 = tpu.vector_load %arg9[%swap3A_334, %swap3A_335] {strides = array<i32>} : memref<1024x32xf32, #tpu.memory_space<vmem>>, vector<1x16xf32>,
            %swap3A_337 = vector.shape_cast %swap3A_336 : vector<1x16xf32> to vector<16xf32>
            %swap3A_338 = vector.shape_cast %broadcast_in_dim3A_87 : vector<16xf32> to vector<1x16xf32>
            tpu.vector_store %arg9[%swap3A_334, %swap3A_335], %swap3A_338 {strides = array<i32>} : memref<1024x32xf32, #tpu.memory_space<vmem>>, vector<1x16xf32>,
          } else {
          }
          %mul3A_234 = arith.constant 128 : i32
          %mul3A_235 = arith.muli %select_n3A, %mul3A_234 : i32
          %add3A_236 = arith.addi %mul3A_235, %mul3A_126 : i32
          %add3A_237 = arith.constant 8 : i32
          %add3A_238 = arith.addi %add3A_236, %add3A_237 : i32
          %slice3A_239 = vector.extract_strided_slice %select_n3A_137 {offsets = [8], sizes = [1], strides = [1]} : vector<16xi32> to vector<1xi32>
          %squeeze3A_240 = vector.extract %slice3A_239[0] : i32 from vector<1xi32>
          %gt3A_241 = arith.constant 0 : i32
          %gt3A_242 = arith.cmpi sgt, %squeeze3A_240, %gt3A_241 : i32
          %convert_element_type3A_243 = arith.extui %gt3A_242 : i1 to i32
          %cond3A_244 = arith.constant 0 : i32
          %cond3A_245 = arith.cmpi ne, %convert_element_type3A_243, %cond3A_244 : i32
          scf.if %cond3A_245 {
            %swap3A = arith.index_cast %add3A_238 : i32 to index
            %swap3A_330 = arith.constant 0 : index
            %swap3A_331 = tpu.vector_load %arg9[%swap3A, %swap3A_330] {strides = array<i32>} : memref<1024x32xf32, #tpu.memory_space<vmem>>, vector<1x16xf32>,
            %swap3A_332 = vector.shape_cast %swap3A_331 : vector<1x16xf32> to vector<16xf32>
            %swap3A_333 = vector.shape_cast %broadcast_in_dim3A_87 : vector<16xf32> to vector<1x16xf32>
            tpu.vector_store %arg9[%swap3A, %swap3A_330], %swap3A_333 {strides = array<i32>} : memref<1024x32xf32, #tpu.memory_space<vmem>>, vector<1x16xf32>,
            %swap3A_334 = arith.index_cast %add3A_238 : i32 to index
            %swap3A_335 = arith.constant 16 : index
            %swap3A_336 = tpu.vector_load %arg9[%swap3A_334, %swap3A_335] {strides = array<i32>} : memref<1024x32xf32, #tpu.memory_space<vmem>>, vector<1x16xf32>,
            %swap3A_337 = vector.shape_cast %swap3A_336 : vector<1x16xf32> to vector<16xf32>
            %swap3A_338 = vector.shape_cast %broadcast_in_dim3A_87 : vector<16xf32> to vector<1x16xf32>
            tpu.vector_store %arg9[%swap3A_334, %swap3A_335], %swap3A_338 {strides = array<i32>} : memref<1024x32xf32, #tpu.memory_space<vmem>>, vector<1x16xf32>,
          } else {
          }
          %mul3A_246 = arith.constant 128 : i32
          %mul3A_247 = arith.muli %select_n3A, %mul3A_246 : i32
          %add3A_248 = arith.addi %mul3A_247, %mul3A_126 : i32
          %add3A_249 = arith.constant 9 : i32
          %add3A_250 = arith.addi %add3A_248, %add3A_249 : i32
          %slice3A_251 = vector.extract_strided_slice %select_n3A_137 {offsets = [9], sizes = [1], strides = [1]} : vector<16xi32> to vector<1xi32>
          %squeeze3A_252 = vector.extract %slice3A_251[0] : i32 from vector<1xi32>
          %gt3A_253 = arith.constant 0 : i32
          %gt3A_254 = arith.cmpi sgt, %squeeze3A_252, %gt3A_253 : i32
          %convert_element_type3A_255 = arith.extui %gt3A_254 : i1 to i32
          %cond3A_256 = arith.constant 0 : i32
          %cond3A_257 = arith.cmpi ne, %convert_element_type3A_255, %cond3A_256 : i32
          scf.if %cond3A_257 {
            %swap3A = arith.index_cast %add3A_250 : i32 to index
            %swap3A_330 = arith.constant 0 : index
            %swap3A_331 = tpu.vector_load %arg9[%swap3A, %swap3A_330] {strides = array<i32>} : memref<1024x32xf32, #tpu.memory_space<vmem>>, vector<1x16xf32>,
            %swap3A_332 = vector.shape_cast %swap3A_331 : vector<1x16xf32> to vector<16xf32>
            %swap3A_333 = vector.shape_cast %broadcast_in_dim3A_87 : vector<16xf32> to vector<1x16xf32>
            tpu.vector_store %arg9[%swap3A, %swap3A_330], %swap3A_333 {strides = array<i32>} : memref<1024x32xf32, #tpu.memory_space<vmem>>, vector<1x16xf32>,
            %swap3A_334 = arith.index_cast %add3A_250 : i32 to index
            %swap3A_335 = arith.constant 16 : index
            %swap3A_336 = tpu.vector_load %arg9[%swap3A_334, %swap3A_335] {strides = array<i32>} : memref<1024x32xf32, #tpu.memory_space<vmem>>, vector<1x16xf32>,
            %swap3A_337 = vector.shape_cast %swap3A_336 : vector<1x16xf32> to vector<16xf32>
            %swap3A_338 = vector.shape_cast %broadcast_in_dim3A_87 : vector<16xf32> to vector<1x16xf32>
            tpu.vector_store %arg9[%swap3A_334, %swap3A_335], %swap3A_338 {strides = array<i32>} : memref<1024x32xf32, #tpu.memory_space<vmem>>, vector<1x16xf32>,
          } else {
          }
          %mul3A_258 = arith.constant 128 : i32
          %mul3A_259 = arith.muli %select_n3A, %mul3A_258 : i32
          %add3A_260 = arith.addi %mul3A_259, %mul3A_126 : i32
          %add3A_261 = arith.constant 10 : i32
          %add3A_262 = arith.addi %add3A_260, %add3A_261 : i32
          %slice3A_263 = vector.extract_strided_slice %select_n3A_137 {offsets = [10], sizes = [1], strides = [1]} : vector<16xi32> to vector<1xi32>
          %squeeze3A_264 = vector.extract %slice3A_263[0] : i32 from vector<1xi32>
          %gt3A_265 = arith.constant 0 : i32
          %gt3A_266 = arith.cmpi sgt, %squeeze3A_264, %gt3A_265 : i32
          %convert_element_type3A_267 = arith.extui %gt3A_266 : i1 to i32
          %cond3A_268 = arith.constant 0 : i32
          %cond3A_269 = arith.cmpi ne, %convert_element_type3A_267, %cond3A_268 : i32
          scf.if %cond3A_269 {
            %swap3A = arith.index_cast %add3A_262 : i32 to index
            %swap3A_330 = arith.constant 0 : index
            %swap3A_331 = tpu.vector_load %arg9[%swap3A, %swap3A_330] {strides = array<i32>} : memref<1024x32xf32, #tpu.memory_space<vmem>>, vector<1x16xf32>,
            %swap3A_332 = vector.shape_cast %swap3A_331 : vector<1x16xf32> to vector<16xf32>
            %swap3A_333 = vector.shape_cast %broadcast_in_dim3A_87 : vector<16xf32> to vector<1x16xf32>
            tpu.vector_store %arg9[%swap3A, %swap3A_330], %swap3A_333 {strides = array<i32>} : memref<1024x32xf32, #tpu.memory_space<vmem>>, vector<1x16xf32>,
            %swap3A_334 = arith.index_cast %add3A_262 : i32 to index
            %swap3A_335 = arith.constant 16 : index
            %swap3A_336 = tpu.vector_load %arg9[%swap3A_334, %swap3A_335] {strides = array<i32>} : memref<1024x32xf32, #tpu.memory_space<vmem>>, vector<1x16xf32>,
            %swap3A_337 = vector.shape_cast %swap3A_336 : vector<1x16xf32> to vector<16xf32>
            %swap3A_338 = vector.shape_cast %broadcast_in_dim3A_87 : vector<16xf32> to vector<1x16xf32>
            tpu.vector_store %arg9[%swap3A_334, %swap3A_335], %swap3A_338 {strides = array<i32>} : memref<1024x32xf32, #tpu.memory_space<vmem>>, vector<1x16xf32>,
          } else {
          }
          %mul3A_270 = arith.constant 128 : i32
          %mul3A_271 = arith.muli %select_n3A, %mul3A_270 : i32
          %add3A_272 = arith.addi %mul3A_271, %mul3A_126 : i32
          %add3A_273 = arith.constant 11 : i32
          %add3A_274 = arith.addi %add3A_272, %add3A_273 : i32
          %slice3A_275 = vector.extract_strided_slice %select_n3A_137 {offsets = [11], sizes = [1], strides = [1]} : vector<16xi32> to vector<1xi32>
          %squeeze3A_276 = vector.extract %slice3A_275[0] : i32 from vector<1xi32>
          %gt3A_277 = arith.constant 0 : i32
          %gt3A_278 = arith.cmpi sgt, %squeeze3A_276, %gt3A_277 : i32
          %convert_element_type3A_279 = arith.extui %gt3A_278 : i1 to i32
          %cond3A_280 = arith.constant 0 : i32
          %cond3A_281 = arith.cmpi ne, %convert_element_type3A_279, %cond3A_280 : i32
          scf.if %cond3A_281 {
            %swap3A = arith.index_cast %add3A_274 : i32 to index
            %swap3A_330 = arith.constant 0 : index
            %swap3A_331 = tpu.vector_load %arg9[%swap3A, %swap3A_330] {strides = array<i32>} : memref<1024x32xf32, #tpu.memory_space<vmem>>, vector<1x16xf32>,
            %swap3A_332 = vector.shape_cast %swap3A_331 : vector<1x16xf32> to vector<16xf32>
            %swap3A_333 = vector.shape_cast %broadcast_in_dim3A_87 : vector<16xf32> to vector<1x16xf32>
            tpu.vector_store %arg9[%swap3A, %swap3A_330], %swap3A_333 {strides = array<i32>} : memref<1024x32xf32, #tpu.memory_space<vmem>>, vector<1x16xf32>,
            %swap3A_334 = arith.index_cast %add3A_274 : i32 to index
            %swap3A_335 = arith.constant 16 : index
            %swap3A_336 = tpu.vector_load %arg9[%swap3A_334, %swap3A_335] {strides = array<i32>} : memref<1024x32xf32, #tpu.memory_space<vmem>>, vector<1x16xf32>,
            %swap3A_337 = vector.shape_cast %swap3A_336 : vector<1x16xf32> to vector<16xf32>
            %swap3A_338 = vector.shape_cast %broadcast_in_dim3A_87 : vector<16xf32> to vector<1x16xf32>
            tpu.vector_store %arg9[%swap3A_334, %swap3A_335], %swap3A_338 {strides = array<i32>} : memref<1024x32xf32, #tpu.memory_space<vmem>>, vector<1x16xf32>,
          } else {
          }
          %mul3A_282 = arith.constant 128 : i32
          %mul3A_283 = arith.muli %select_n3A, %mul3A_282 : i32
          %add3A_284 = arith.addi %mul3A_283, %mul3A_126 : i32
          %add3A_285 = arith.constant 12 : i32
          %add3A_286 = arith.addi %add3A_284, %add3A_285 : i32
          %slice3A_287 = vector.extract_strided_slice %select_n3A_137 {offsets = [12], sizes = [1], strides = [1]} : vector<16xi32> to vector<1xi32>
          %squeeze3A_288 = vector.extract %slice3A_287[0] : i32 from vector<1xi32>
          %gt3A_289 = arith.constant 0 : i32
          %gt3A_290 = arith.cmpi sgt, %squeeze3A_288, %gt3A_289 : i32
          %convert_element_type3A_291 = arith.extui %gt3A_290 : i1 to i32
          %cond3A_292 = arith.constant 0 : i32
          %cond3A_293 = arith.cmpi ne, %convert_element_type3A_291, %cond3A_292 : i32
          scf.if %cond3A_293 {
            %swap3A = arith.index_cast %add3A_286 : i32 to index
            %swap3A_330 = arith.constant 0 : index
            %swap3A_331 = tpu.vector_load %arg9[%swap3A, %swap3A_330] {strides = array<i32>} : memref<1024x32xf32, #tpu.memory_space<vmem>>, vector<1x16xf32>,
            %swap3A_332 = vector.shape_cast %swap3A_331 : vector<1x16xf32> to vector<16xf32>
            %swap3A_333 = vector.shape_cast %broadcast_in_dim3A_87 : vector<16xf32> to vector<1x16xf32>
            tpu.vector_store %arg9[%swap3A, %swap3A_330], %swap3A_333 {strides = array<i32>} : memref<1024x32xf32, #tpu.memory_space<vmem>>, vector<1x16xf32>,
            %swap3A_334 = arith.index_cast %add3A_286 : i32 to index
            %swap3A_335 = arith.constant 16 : index
            %swap3A_336 = tpu.vector_load %arg9[%swap3A_334, %swap3A_335] {strides = array<i32>} : memref<1024x32xf32, #tpu.memory_space<vmem>>, vector<1x16xf32>,
            %swap3A_337 = vector.shape_cast %swap3A_336 : vector<1x16xf32> to vector<16xf32>
            %swap3A_338 = vector.shape_cast %broadcast_in_dim3A_87 : vector<16xf32> to vector<1x16xf32>
            tpu.vector_store %arg9[%swap3A_334, %swap3A_335], %swap3A_338 {strides = array<i32>} : memref<1024x32xf32, #tpu.memory_space<vmem>>, vector<1x16xf32>,
          } else {
          }
          %mul3A_294 = arith.constant 128 : i32
          %mul3A_295 = arith.muli %select_n3A, %mul3A_294 : i32
          %add3A_296 = arith.addi %mul3A_295, %mul3A_126 : i32
          %add3A_297 = arith.constant 13 : i32
          %add3A_298 = arith.addi %add3A_296, %add3A_297 : i32
          %slice3A_299 = vector.extract_strided_slice %select_n3A_137 {offsets = [13], sizes = [1], strides = [1]} : vector<16xi32> to vector<1xi32>
          %squeeze3A_300 = vector.extract %slice3A_299[0] : i32 from vector<1xi32>
          %gt3A_301 = arith.constant 0 : i32
          %gt3A_302 = arith.cmpi sgt, %squeeze3A_300, %gt3A_301 : i32
          %convert_element_type3A_303 = arith.extui %gt3A_302 : i1 to i32
          %cond3A_304 = arith.constant 0 : i32
          %cond3A_305 = arith.cmpi ne, %convert_element_type3A_303, %cond3A_304 : i32
          scf.if %cond3A_305 {
            %swap3A = arith.index_cast %add3A_298 : i32 to index
            %swap3A_330 = arith.constant 0 : index
            %swap3A_331 = tpu.vector_load %arg9[%swap3A, %swap3A_330] {strides = array<i32>} : memref<1024x32xf32, #tpu.memory_space<vmem>>, vector<1x16xf32>,
            %swap3A_332 = vector.shape_cast %swap3A_331 : vector<1x16xf32> to vector<16xf32>
            %swap3A_333 = vector.shape_cast %broadcast_in_dim3A_87 : vector<16xf32> to vector<1x16xf32>
            tpu.vector_store %arg9[%swap3A, %swap3A_330], %swap3A_333 {strides = array<i32>} : memref<1024x32xf32, #tpu.memory_space<vmem>>, vector<1x16xf32>,
            %swap3A_334 = arith.index_cast %add3A_298 : i32 to index
            %swap3A_335 = arith.constant 16 : index
            %swap3A_336 = tpu.vector_load %arg9[%swap3A_334, %swap3A_335] {strides = array<i32>} : memref<1024x32xf32, #tpu.memory_space<vmem>>, vector<1x16xf32>,
            %swap3A_337 = vector.shape_cast %swap3A_336 : vector<1x16xf32> to vector<16xf32>
            %swap3A_338 = vector.shape_cast %broadcast_in_dim3A_87 : vector<16xf32> to vector<1x16xf32>
            tpu.vector_store %arg9[%swap3A_334, %swap3A_335], %swap3A_338 {strides = array<i32>} : memref<1024x32xf32, #tpu.memory_space<vmem>>, vector<1x16xf32>,
          } else {
          }
          %mul3A_306 = arith.constant 128 : i32
          %mul3A_307 = arith.muli %select_n3A, %mul3A_306 : i32
          %add3A_308 = arith.addi %mul3A_307, %mul3A_126 : i32
          %add3A_309 = arith.constant 14 : i32
          %add3A_310 = arith.addi %add3A_308, %add3A_309 : i32
          %slice3A_311 = vector.extract_strided_slice %select_n3A_137 {offsets = [14], sizes = [1], strides = [1]} : vector<16xi32> to vector<1xi32>
          %squeeze3A_312 = vector.extract %slice3A_311[0] : i32 from vector<1xi32>
          %gt3A_313 = arith.constant 0 : i32
          %gt3A_314 = arith.cmpi sgt, %squeeze3A_312, %gt3A_313 : i32
          %convert_element_type3A_315 = arith.extui %gt3A_314 : i1 to i32
          %cond3A_316 = arith.constant 0 : i32
          %cond3A_317 = arith.cmpi ne, %convert_element_type3A_315, %cond3A_316 : i32
          scf.if %cond3A_317 {
            %swap3A = arith.index_cast %add3A_310 : i32 to index
            %swap3A_330 = arith.constant 0 : index
            %swap3A_331 = tpu.vector_load %arg9[%swap3A, %swap3A_330] {strides = array<i32>} : memref<1024x32xf32, #tpu.memory_space<vmem>>, vector<1x16xf32>,
            %swap3A_332 = vector.shape_cast %swap3A_331 : vector<1x16xf32> to vector<16xf32>
            %swap3A_333 = vector.shape_cast %broadcast_in_dim3A_87 : vector<16xf32> to vector<1x16xf32>
            tpu.vector_store %arg9[%swap3A, %swap3A_330], %swap3A_333 {strides = array<i32>} : memref<1024x32xf32, #tpu.memory_space<vmem>>, vector<1x16xf32>,
            %swap3A_334 = arith.index_cast %add3A_310 : i32 to index
            %swap3A_335 = arith.constant 16 : index
            %swap3A_336 = tpu.vector_load %arg9[%swap3A_334, %swap3A_335] {strides = array<i32>} : memref<1024x32xf32, #tpu.memory_space<vmem>>, vector<1x16xf32>,
            %swap3A_337 = vector.shape_cast %swap3A_336 : vector<1x16xf32> to vector<16xf32>
            %swap3A_338 = vector.shape_cast %broadcast_in_dim3A_87 : vector<16xf32> to vector<1x16xf32>
            tpu.vector_store %arg9[%swap3A_334, %swap3A_335], %swap3A_338 {strides = array<i32>} : memref<1024x32xf32, #tpu.memory_space<vmem>>, vector<1x16xf32>,
          } else {
          }
          %mul3A_318 = arith.constant 128 : i32
          %mul3A_319 = arith.muli %select_n3A, %mul3A_318 : i32
          %add3A_320 = arith.addi %mul3A_319, %mul3A_126 : i32
          %add3A_321 = arith.constant 15 : i32
          %add3A_322 = arith.addi %add3A_320, %add3A_321 : i32
          %slice3A_323 = vector.extract_strided_slice %select_n3A_137 {offsets = [15], sizes = [1], strides = [1]} : vector<16xi32> to vector<1xi32>
          %squeeze3A_324 = vector.extract %slice3A_323[0] : i32 from vector<1xi32>
          %gt3A_325 = arith.constant 0 : i32
          %gt3A_326 = arith.cmpi sgt, %squeeze3A_324, %gt3A_325 : i32
          %convert_element_type3A_327 = arith.extui %gt3A_326 : i1 to i32
          %cond3A_328 = arith.constant 0 : i32
          %cond3A_329 = arith.cmpi ne, %convert_element_type3A_327, %cond3A_328 : i32
          scf.if %cond3A_329 {
            %swap3A = arith.index_cast %add3A_322 : i32 to index
            %swap3A_330 = arith.constant 0 : index
            %swap3A_331 = tpu.vector_load %arg9[%swap3A, %swap3A_330] {strides = array<i32>} : memref<1024x32xf32, #tpu.memory_space<vmem>>, vector<1x16xf32>,
            %swap3A_332 = vector.shape_cast %swap3A_331 : vector<1x16xf32> to vector<16xf32>
            %swap3A_333 = vector.shape_cast %broadcast_in_dim3A_87 : vector<16xf32> to vector<1x16xf32>
            tpu.vector_store %arg9[%swap3A, %swap3A_330], %swap3A_333 {strides = array<i32>} : memref<1024x32xf32, #tpu.memory_space<vmem>>, vector<1x16xf32>,
            %swap3A_334 = arith.index_cast %add3A_322 : i32 to index
            %swap3A_335 = arith.constant 16 : index
            %swap3A_336 = tpu.vector_load %arg9[%swap3A_334, %swap3A_335] {strides = array<i32>} : memref<1024x32xf32, #tpu.memory_space<vmem>>, vector<1x16xf32>,
            %swap3A_337 = vector.shape_cast %swap3A_336 : vector<1x16xf32> to vector<16xf32>
            %swap3A_338 = vector.shape_cast %broadcast_in_dim3A_87 : vector<16xf32> to vector<1x16xf32>
            tpu.vector_store %arg9[%swap3A_334, %swap3A_335], %swap3A_338 {strides = array<i32>} : memref<1024x32xf32, #tpu.memory_space<vmem>>, vector<1x16xf32>,
          } else {
          }
        }
        %scan3A_93 = arith.constant 64 : i32
      } else {
      }
      %mul3A_84 = arith.constant 128 : i32
      %mul3A_85 = arith.muli %add3A_17, %mul3A_84 : i32
      "tpu.region"() ({
        %run_scoped3A = tpu.sem_alloc : memref<!tpu.dma_semaphore, #tpu.memory_space<semaphore_mem>>
        %dma_start3A = arith.constant 0 : i32
        %dma_start3A_86 = tpu.memref_slice %arg6[%mul3A_85, %dma_start3A] : memref<819200x32xf32, #tpu.memory_space<hbm>> -> memref<1024x32xf32, #tpu.memory_space<hbm>>
        %dma_start3A_87 = arith.constant 0 : i32
        %dma_start3A_88 = tpu.memref_slice %arg6[%mul3A_85, %dma_start3A_87] : memref<819200x32xf32, #tpu.memory_space<hbm>> -> memref<1024x32xf32, #tpu.memory_space<hbm>>
        tpu.enqueue_dma source(%arg9 : memref<1024x32xf32, #tpu.memory_space<vmem>>) target(%dma_start3A_88 : memref<1024x32xf32, #tpu.memory_space<hbm>>) target_semaphore(%run_scoped3A : memref<!tpu.dma_semaphore, #tpu.memory_space<semaphore_mem>>)
        %dma_wait3A = arith.constant 0 : i32
        %dma_wait3A_89 = tpu.memref_slice %arg6[%mul3A_85, %dma_wait3A] : memref<819200x32xf32, #tpu.memory_space<hbm>> -> memref<1024x32xf32, #tpu.memory_space<hbm>>
        %dma_wait3A_90 = arith.constant 0 : i32
        %dma_wait3A_91 = tpu.memref_slice %arg6[%mul3A_85, %dma_wait3A_90] : memref<819200x32xf32, #tpu.memory_space<hbm>> -> memref<1024x32xf32, #tpu.memory_space<hbm>>
        tpu.wait_dma2 semaphore(%run_scoped3A : memref<!tpu.dma_semaphore, #tpu.memory_space<semaphore_mem>>) src(%arg9 : memref<1024x32xf32, #tpu.memory_space<vmem>>) dst(%dma_wait3A_91 : memref<1024x32xf32, #tpu.memory_space<hbm>>)
        tpu.yield
      }) : () -> ()
    }
    %scan3A_7 = arith.constant 25 : i32
    %scan3A_8 = arith.constant 0 : i32
    %scan3A_9 = arith.constant 0 : i32
    %scan3A_10 = arith.constant 25 : i32
    %scan3A_11 = arith.addi %scan3A_9, %scan3A_10 : i32
    %scan3A_12 = arith.constant 1 : i32
    scf.for %scan3A_14 = %scan3A_9 to %scan3A_11 step %scan3A_12  : i32 {
      %mul3A_15 = arith.constant 8 : i32
      %mul3A_16 = arith.muli %scan3A_14, %mul3A_15 : i32
      %add3A_17 = arith.addi %mul3A_2, %mul3A_16 : i32
      "tpu.region"() ({
        %run_scoped3A = tpu.sem_alloc : memref<!tpu.dma_semaphore, #tpu.memory_space<semaphore_mem>>
        %dma_start3A = arith.constant 0 : i32
        %dma_start3A_86 = tpu.memref_slice %arg5[%add3A_17, %dma_start3A] : memref<6400x128xi32, #tpu.memory_space<hbm>> -> memref<8x128xi32, #tpu.memory_space<hbm>>
        %dma_start3A_87 = arith.constant 0 : i32
        %dma_start3A_88 = tpu.memref_slice %arg5[%add3A_17, %dma_start3A_87] : memref<6400x128xi32, #tpu.memory_space<hbm>> -> memref<8x128xi32, #tpu.memory_space<hbm>>
        tpu.enqueue_dma source(%dma_start3A_88 : memref<8x128xi32, #tpu.memory_space<hbm>>) target(%arg8 : memref<8x128xi32, #tpu.memory_space<vmem>>) target_semaphore(%run_scoped3A : memref<!tpu.dma_semaphore, #tpu.memory_space<semaphore_mem>>)
        %dma_wait3A = arith.constant 0 : i32
        %dma_wait3A_89 = tpu.memref_slice %arg5[%add3A_17, %dma_wait3A] : memref<6400x128xi32, #tpu.memory_space<hbm>> -> memref<8x128xi32, #tpu.memory_space<hbm>>
        %dma_wait3A_90 = arith.constant 0 : i32
        %dma_wait3A_91 = tpu.memref_slice %arg5[%add3A_17, %dma_wait3A_90] : memref<6400x128xi32, #tpu.memory_space<hbm>> -> memref<8x128xi32, #tpu.memory_space<hbm>>
        tpu.wait_dma2 semaphore(%run_scoped3A : memref<!tpu.dma_semaphore, #tpu.memory_space<semaphore_mem>>) src(%dma_wait3A_91 : memref<8x128xi32, #tpu.memory_space<hbm>>) dst(%arg8 : memref<8x128xi32, #tpu.memory_space<vmem>>)
        tpu.yield
      }) : () -> ()
      %scan3A_18 = arith.constant 0 : i32
      %scan3A_19 = arith.constant 0 : i32
      %scan3A_20 = arith.constant 8 : i32
      %scan3A_21 = arith.addi %scan3A_19, %scan3A_20 : i32
      %scan3A_22 = arith.constant 1 : i32
      scf.for %scan3A_86 = %scan3A_19 to %scan3A_21 step %scan3A_22  : i32 {
        %mul3A_87 = arith.constant 128 : i32
        %mul3A_88 = arith.muli %scan3A_86, %mul3A_87 : i32
        %dma_start3A = arith.constant 0 : i32
        %dma_start3A_89 = tpu.memref_slice %arg9[%mul3A_88, %dma_start3A] : memref<1024x32xf32, #tpu.memory_space<vmem>> -> memref<128x32xf32, #tpu.memory_space<vmem>>
        %dma_start3A_90 = arith.constant 0 : i32
        %dma_start3A_91 = tpu.memref_slice %arg8[%scan3A_86, %dma_start3A_90] : memref<8x128xi32, #tpu.memory_space<vmem>> -> memref<1x128xi32, #tpu.memory_space<vmem>>
        %dma_start3A_92 = tpu.memref_squeeze %dma_start3A_91 : memref<1x128xi32, #tpu.memory_space<vmem>> -> memref<128xi32, #tpu.memory_space<vmem>>
        %dma_start3A_93 = arith.constant 0 : i32
        %dma_start3A_94 = arith.constant 0 : i32
        %dma_start3A_95 = tpu.memref_slice %arg3[%dma_start3A_93, %dma_start3A_94] : memref<1000000x32xf32, #tpu.memory_space<hbm>> -> memref<1000000x32xf32, #tpu.memory_space<hbm>>
        tpu.enqueue_indirect_dma source(%dma_start3A_95 : memref<1000000x32xf32, #tpu.memory_space<hbm>>) target(%dma_start3A_89 : memref<128x32xf32, #tpu.memory_space<vmem>>) offsets(%dma_start3A_92 : memref<128xi32, #tpu.memory_space<vmem>>) semaphore(%arg10 : memref<!tpu.dma_semaphore, #tpu.memory_space<semaphore_mem>>)
      }
      %scan3A_23 = arith.constant 8 : i32
      %scan3A_24 = arith.constant 0 : i32
      %scan3A_25 = arith.constant 0 : i32
      %scan3A_26 = arith.constant 8 : i32
      %scan3A_27 = arith.addi %scan3A_25, %scan3A_26 : i32
      %scan3A_28 = arith.constant 1 : i32
      scf.for %scan3A_86 = %scan3A_25 to %scan3A_27 step %scan3A_28  : i32 {
        %mul3A_87 = arith.constant 128 : i32
        %mul3A_88 = arith.muli %scan3A_86, %mul3A_87 : i32
        %dma_wait3A = arith.constant 0 : i32
        %dma_wait3A_89 = tpu.memref_slice %arg9[%mul3A_88, %dma_wait3A] : memref<1024x32xf32, #tpu.memory_space<vmem>> -> memref<128x32xf32, #tpu.memory_space<vmem>>
        %dma_wait3A_90 = arith.constant 0 : i32
        %dma_wait3A_91 = tpu.memref_slice %arg8[%scan3A_86, %dma_wait3A_90] : memref<8x128xi32, #tpu.memory_space<vmem>> -> memref<1x128xi32, #tpu.memory_space<vmem>>
        %dma_wait3A_92 = tpu.memref_squeeze %dma_wait3A_91 : memref<1x128xi32, #tpu.memory_space<vmem>> -> memref<128xi32, #tpu.memory_space<vmem>>
        %dma_wait3A_93 = arith.constant 0 : i32
        %dma_wait3A_94 = arith.constant 0 : i32
        %dma_wait3A_95 = tpu.memref_slice %arg3[%dma_wait3A_93, %dma_wait3A_94] : memref<1000000x32xf32, #tpu.memory_space<hbm>> -> memref<1000000x32xf32, #tpu.memory_space<hbm>>
        tpu.wait_indirect_dma semaphore(%arg10 : memref<!tpu.dma_semaphore, #tpu.memory_space<semaphore_mem>>) src(%dma_wait3A_95 : memref<1000000x32xf32, #tpu.memory_space<hbm>>) dst(%dma_wait3A_89 : memref<128x32xf32, #tpu.memory_space<vmem>>)
      }
      %scan3A_29 = arith.constant 8 : i32
      %iota3A = tpu.iota {dimensions = array<i32: 0>} : vector<16xi32>
      %broadcast_in_dim3A = arith.constant 0 : i32
      %broadcast_in_dim3A_30 = vector.broadcast %broadcast_in_dim3A : i32 to vector<16xi32>
      %scan3A_31 = arith.constant 0 : i32
      %scan3A_32 = arith.constant 64 : i32
      %scan3A_33 = arith.addi %scan3A_31, %scan3A_32 : i32
      %scan3A_34 = arith.constant 1 : i32
      %scan3A_35 = scf.for %scan3A_86 = %scan3A_31 to %scan3A_33 step %scan3A_34 iter_args(%scan3A_87 = %broadcast_in_dim3A_30) -> (vector<16xi32>)  : i32 {
        %jit3A = arith.constant 8 : i32
        %div3A = arith.divsi %scan3A_86, %jit3A : i32
        %sign3A = arith.constant 0 : i32
        %sign3A_88 = arith.cmpi sgt, %scan3A_86, %sign3A : i32
        %sign3A_89 = arith.extui %sign3A_88 : i1 to i32
        %sign3A_90 = arith.constant 0 : i32
        %sign3A_91 = arith.cmpi slt, %scan3A_86, %sign3A_90 : i32
        %sign3A_92 = arith.extui %sign3A_91 : i1 to i32
        %sign3A_93 = arith.subi %sign3A_89, %sign3A_92 : i32
        %sign3A_94 = arith.constant 0 : i32
        %sign3A_95 = arith.cmpi sgt, %jit3A, %sign3A_94 : i32
        %sign3A_96 = arith.extui %sign3A_95 : i1 to i32
        %sign3A_97 = arith.constant 0 : i32
        %sign3A_98 = arith.cmpi slt, %jit3A, %sign3A_97 : i32
        %sign3A_99 = arith.extui %sign3A_98 : i1 to i32
        %sign3A_100 = arith.subi %sign3A_96, %sign3A_99 : i32
        %ne3A = arith.cmpi ne, %sign3A_93, %sign3A_100 : i32
        %rem3A = arith.remsi %scan3A_86, %jit3A : i32
        %ne3A_101 = arith.constant 0 : i32
        %ne3A_102 = arith.cmpi ne, %rem3A, %ne3A_101 : i32
        %and3A = arith.andi %ne3A, %ne3A_102 : i1
        %sub3A = arith.constant 1 : i32
        %sub3A_103 = arith.subi %div3A, %sub3A : i32
        %select_n3A = arith.select %and3A, %sub3A_103, %div3A : i32
        %jit3A_104 = arith.constant 8 : i32
        %eq3A = arith.constant 0 : i32
        %eq3A_105 = arith.cmpi eq, %jit3A_104, %eq3A : i32
        %jit3A_106 = arith.constant 1 : i32
        %select_n3A_107 = arith.select %eq3A_105, %jit3A_106, %jit3A_104 : i32
        %rem3A_108 = arith.remsi %scan3A_86, %select_n3A_107 : i32
        %ne3A_109 = arith.constant 0 : i32
        %ne3A_110 = arith.cmpi ne, %rem3A_108, %ne3A_109 : i32
        %lt3A = arith.constant 0 : i32
        %lt3A_111 = arith.cmpi slt, %rem3A_108, %lt3A : i32
        %lt3A_112 = arith.constant 0 : i32
        %lt3A_113 = arith.cmpi slt, %select_n3A_107, %lt3A_112 : i32
        %ne3A_114 = arith.xori %lt3A_111, %lt3A_113 : i1
        %and3A_115 = arith.andi %ne3A_114, %ne3A_110 : i1
        %add3A_116 = arith.addi %rem3A_108, %select_n3A_107 : i32
        %select_n3A_117 = arith.select %and3A_115, %add3A_116, %rem3A_108 : i32
        %mul3A_118 = arith.constant 16 : i32
        %mul3A_119 = arith.muli %select_n3A_117, %mul3A_118 : i32
        %get3A = arith.index_cast %select_n3A : i32 to index
        %get3A_120 = arith.index_cast %mul3A_119 : i32 to index
        %get3A_121 = tpu.vector_load %arg8[%get3A, %get3A_120] {strides = array<i32>} : memref<8x128xi32, #tpu.memory_space<vmem>>, vector<1x16xi32>,
        %get3A_122 = vector.shape_cast %get3A_121 : vector<1x16xi32> to vector<16xi32>
        %eq3A_123 = arith.constant 0 : i32
        %eq3A_124 = vector.broadcast %eq3A_123 : i32 to vector<16xi32>
        %eq3A_125 = arith.cmpi eq, %get3A_122, %eq3A_124 : vector<16xi32>
        %jit3A_126 = arith.constant 1 : i32
        %jit3A_127 = arith.constant 0 : i32
        %broadcast_in_dim3A_128 = vector.broadcast %jit3A_126 : i32 to vector<16xi32>
        %broadcast_in_dim3A_129 = vector.broadcast %jit3A_127 : i32 to vector<16xi32>
        %select_n3A_130 = arith.select %eq3A_125, %broadcast_in_dim3A_128, %broadcast_in_dim3A_129 : vector<16xi1>, vector<16xi32>
        %add3A_131 = arith.addi %scan3A_87, %select_n3A_130 : vector<16xi32>
        scf.yield %add3A_131 : vector<16xi32>
      }
      %scan3A_36 = arith.constant 64 : i32
      %slice3A = vector.extract_strided_slice %scan3A_35 {offsets = [0], sizes = [1], strides = [1]} : vector<16xi32> to vector<1xi32>
      %squeeze3A = vector.extract %slice3A[0] : i32 from vector<1xi32>
      %slice3A_37 = vector.extract_strided_slice %scan3A_35 {offsets = [1], sizes = [1], strides = [1]} : vector<16xi32> to vector<1xi32>
      %squeeze3A_38 = vector.extract %slice3A_37[0] : i32 from vector<1xi32>
      %add3A_39 = arith.addi %squeeze3A, %squeeze3A_38 : i32
      %slice3A_40 = vector.extract_strided_slice %scan3A_35 {offsets = [2], sizes = [1], strides = [1]} : vector<16xi32> to vector<1xi32>
      %squeeze3A_41 = vector.extract %slice3A_40[0] : i32 from vector<1xi32>
      %add3A_42 = arith.addi %add3A_39, %squeeze3A_41 : i32
      %slice3A_43 = vector.extract_strided_slice %scan3A_35 {offsets = [3], sizes = [1], strides = [1]} : vector<16xi32> to vector<1xi32>
      %squeeze3A_44 = vector.extract %slice3A_43[0] : i32 from vector<1xi32>
      %add3A_45 = arith.addi %add3A_42, %squeeze3A_44 : i32
      %slice3A_46 = vector.extract_strided_slice %scan3A_35 {offsets = [4], sizes = [1], strides = [1]} : vector<16xi32> to vector<1xi32>
      %squeeze3A_47 = vector.extract %slice3A_46[0] : i32 from vector<1xi32>
      %add3A_48 = arith.addi %add3A_45, %squeeze3A_47 : i32
      %slice3A_49 = vector.extract_strided_slice %scan3A_35 {offsets = [5], sizes = [1], strides = [1]} : vector<16xi32> to vector<1xi32>
      %squeeze3A_50 = vector.extract %slice3A_49[0] : i32 from vector<1xi32>
      %add3A_51 = arith.addi %add3A_48, %squeeze3A_50 : i32
      %slice3A_52 = vector.extract_strided_slice %scan3A_35 {offsets = [6], sizes = [1], strides = [1]} : vector<16xi32> to vector<1xi32>
      %squeeze3A_53 = vector.extract %slice3A_52[0] : i32 from vector<1xi32>
      %add3A_54 = arith.addi %add3A_51, %squeeze3A_53 : i32
      %slice3A_55 = vector.extract_strided_slice %scan3A_35 {offsets = [7], sizes = [1], strides = [1]} : vector<16xi32> to vector<1xi32>
      %squeeze3A_56 = vector.extract %slice3A_55[0] : i32 from vector<1xi32>
      %add3A_57 = arith.addi %add3A_54, %squeeze3A_56 : i32
      %slice3A_58 = vector.extract_strided_slice %scan3A_35 {offsets = [8], sizes = [1], strides = [1]} : vector<16xi32> to vector<1xi32>
      %squeeze3A_59 = vector.extract %slice3A_58[0] : i32 from vector<1xi32>
      %add3A_60 = arith.addi %add3A_57, %squeeze3A_59 : i32
      %slice3A_61 = vector.extract_strided_slice %scan3A_35 {offsets = [9], sizes = [1], strides = [1]} : vector<16xi32> to vector<1xi32>
      %squeeze3A_62 = vector.extract %slice3A_61[0] : i32 from vector<1xi32>
      %add3A_63 = arith.addi %add3A_60, %squeeze3A_62 : i32
      %slice3A_64 = vector.extract_strided_slice %scan3A_35 {offsets = [10], sizes = [1], strides = [1]} : vector<16xi32> to vector<1xi32>
      %squeeze3A_65 = vector.extract %slice3A_64[0] : i32 from vector<1xi32>
      %add3A_66 = arith.addi %add3A_63, %squeeze3A_65 : i32
      %slice3A_67 = vector.extract_strided_slice %scan3A_35 {offsets = [11], sizes = [1], strides = [1]} : vector<16xi32> to vector<1xi32>
      %squeeze3A_68 = vector.extract %slice3A_67[0] : i32 from vector<1xi32>
      %add3A_69 = arith.addi %add3A_66, %squeeze3A_68 : i32
      %slice3A_70 = vector.extract_strided_slice %scan3A_35 {offsets = [12], sizes = [1], strides = [1]} : vector<16xi32> to vector<1xi32>
      %squeeze3A_71 = vector.extract %slice3A_70[0] : i32 from vector<1xi32>
      %add3A_72 = arith.addi %add3A_69, %squeeze3A_71 : i32
      %slice3A_73 = vector.extract_strided_slice %scan3A_35 {offsets = [13], sizes = [1], strides = [1]} : vector<16xi32> to vector<1xi32>
      %squeeze3A_74 = vector.extract %slice3A_73[0] : i32 from vector<1xi32>
      %add3A_75 = arith.addi %add3A_72, %squeeze3A_74 : i32
      %slice3A_76 = vector.extract_strided_slice %scan3A_35 {offsets = [14], sizes = [1], strides = [1]} : vector<16xi32> to vector<1xi32>
      %squeeze3A_77 = vector.extract %slice3A_76[0] : i32 from vector<1xi32>
      %add3A_78 = arith.addi %add3A_75, %squeeze3A_77 : i32
      %slice3A_79 = vector.extract_strided_slice %scan3A_35 {offsets = [15], sizes = [1], strides = [1]} : vector<16xi32> to vector<1xi32>
      %squeeze3A_80 = vector.extract %slice3A_79[0] : i32 from vector<1xi32>
      %add3A_81 = arith.addi %add3A_78, %squeeze3A_80 : i32
      %gt3A = arith.constant 0 : i32
      %gt3A_82 = arith.cmpi sgt, %add3A_81, %gt3A : i32
      %convert_element_type3A = arith.extui %gt3A_82 : i1 to i32
      %cond3A = arith.constant 0 : i32
      %cond3A_83 = arith.cmpi ne, %convert_element_type3A, %cond3A : i32
      scf.if %cond3A_83 {
        %broadcast_in_dim3A_86 = arith.constant 0.000000e+00 : f32
        %broadcast_in_dim3A_87 = vector.broadcast %broadcast_in_dim3A_86 : f32 to vector<16xf32>
        %scan3A_88 = arith.constant 0 : i32
        %scan3A_89 = arith.constant 0 : i32
        %scan3A_90 = arith.constant 64 : i32
        %scan3A_91 = arith.addi %scan3A_89, %scan3A_90 : i32
        %scan3A_92 = arith.constant 1 : i32
        scf.for %scan3A_94 = %scan3A_89 to %scan3A_91 step %scan3A_92  : i32 {
          %jit3A = arith.constant 8 : i32
          %div3A = arith.divsi %scan3A_94, %jit3A : i32
          %sign3A = arith.constant 0 : i32
          %sign3A_95 = arith.cmpi sgt, %scan3A_94, %sign3A : i32
          %sign3A_96 = arith.extui %sign3A_95 : i1 to i32
          %sign3A_97 = arith.constant 0 : i32
          %sign3A_98 = arith.cmpi slt, %scan3A_94, %sign3A_97 : i32
          %sign3A_99 = arith.extui %sign3A_98 : i1 to i32
          %sign3A_100 = arith.subi %sign3A_96, %sign3A_99 : i32
          %sign3A_101 = arith.constant 0 : i32
          %sign3A_102 = arith.cmpi sgt, %jit3A, %sign3A_101 : i32
          %sign3A_103 = arith.extui %sign3A_102 : i1 to i32
          %sign3A_104 = arith.constant 0 : i32
          %sign3A_105 = arith.cmpi slt, %jit3A, %sign3A_104 : i32
          %sign3A_106 = arith.extui %sign3A_105 : i1 to i32
          %sign3A_107 = arith.subi %sign3A_103, %sign3A_106 : i32
          %ne3A = arith.cmpi ne, %sign3A_100, %sign3A_107 : i32
          %rem3A = arith.remsi %scan3A_94, %jit3A : i32
          %ne3A_108 = arith.constant 0 : i32
          %ne3A_109 = arith.cmpi ne, %rem3A, %ne3A_108 : i32
          %and3A = arith.andi %ne3A, %ne3A_109 : i1
          %sub3A = arith.constant 1 : i32
          %sub3A_110 = arith.subi %div3A, %sub3A : i32
          %select_n3A = arith.select %and3A, %sub3A_110, %div3A : i32
          %jit3A_111 = arith.constant 8 : i32
          %eq3A = arith.constant 0 : i32
          %eq3A_112 = arith.cmpi eq, %jit3A_111, %eq3A : i32
          %jit3A_113 = arith.constant 1 : i32
          %select_n3A_114 = arith.select %eq3A_112, %jit3A_113, %jit3A_111 : i32
          %rem3A_115 = arith.remsi %scan3A_94, %select_n3A_114 : i32
          %ne3A_116 = arith.constant 0 : i32
          %ne3A_117 = arith.cmpi ne, %rem3A_115, %ne3A_116 : i32
          %lt3A = arith.constant 0 : i32
          %lt3A_118 = arith.cmpi slt, %rem3A_115, %lt3A : i32
          %lt3A_119 = arith.constant 0 : i32
          %lt3A_120 = arith.cmpi slt, %select_n3A_114, %lt3A_119 : i32
          %ne3A_121 = arith.xori %lt3A_118, %lt3A_120 : i1
          %and3A_122 = arith.andi %ne3A_121, %ne3A_117 : i1
          %add3A_123 = arith.addi %rem3A_115, %select_n3A_114 : i32
          %select_n3A_124 = arith.select %and3A_122, %add3A_123, %rem3A_115 : i32
          %mul3A_125 = arith.constant 16 : i32
          %mul3A_126 = arith.muli %select_n3A_124, %mul3A_125 : i32
          %get3A = arith.index_cast %select_n3A : i32 to index
          %get3A_127 = arith.index_cast %mul3A_126 : i32 to index
          %get3A_128 = tpu.vector_load %arg8[%get3A, %get3A_127] {strides = array<i32>} : memref<8x128xi32, #tpu.memory_space<vmem>>, vector<1x16xi32>,
          %get3A_129 = vector.shape_cast %get3A_128 : vector<1x16xi32> to vector<16xi32>
          %eq3A_130 = arith.constant 0 : i32
          %eq3A_131 = vector.broadcast %eq3A_130 : i32 to vector<16xi32>
          %eq3A_132 = arith.cmpi eq, %get3A_129, %eq3A_131 : vector<16xi32>
          %jit3A_133 = arith.constant 1 : i32
          %jit3A_134 = arith.constant 0 : i32
          %broadcast_in_dim3A_135 = vector.broadcast %jit3A_133 : i32 to vector<16xi32>
          %broadcast_in_dim3A_136 = vector.broadcast %jit3A_134 : i32 to vector<16xi32>
          %select_n3A_137 = arith.select %eq3A_132, %broadcast_in_dim3A_135, %broadcast_in_dim3A_136 : vector<16xi1>, vector<16xi32>
          %mul3A_138 = arith.constant 128 : i32
          %mul3A_139 = arith.muli %select_n3A, %mul3A_138 : i32
          %add3A_140 = arith.addi %mul3A_139, %mul3A_126 : i32
          %add3A_141 = arith.constant 0 : i32
          %add3A_142 = arith.addi %add3A_140, %add3A_141 : i32
          %slice3A_143 = vector.extract_strided_slice %select_n3A_137 {offsets = [0], sizes = [1], strides = [1]} : vector<16xi32> to vector<1xi32>
          %squeeze3A_144 = vector.extract %slice3A_143[0] : i32 from vector<1xi32>
          %gt3A_145 = arith.constant 0 : i32
          %gt3A_146 = arith.cmpi sgt, %squeeze3A_144, %gt3A_145 : i32
          %convert_element_type3A_147 = arith.extui %gt3A_146 : i1 to i32
          %cond3A_148 = arith.constant 0 : i32
          %cond3A_149 = arith.cmpi ne, %convert_element_type3A_147, %cond3A_148 : i32
          scf.if %cond3A_149 {
            %swap3A = arith.index_cast %add3A_142 : i32 to index
            %swap3A_330 = arith.constant 0 : index
            %swap3A_331 = tpu.vector_load %arg9[%swap3A, %swap3A_330] {strides = array<i32>} : memref<1024x32xf32, #tpu.memory_space<vmem>>, vector<1x16xf32>,
            %swap3A_332 = vector.shape_cast %swap3A_331 : vector<1x16xf32> to vector<16xf32>
            %swap3A_333 = vector.shape_cast %broadcast_in_dim3A_87 : vector<16xf32> to vector<1x16xf32>
            tpu.vector_store %arg9[%swap3A, %swap3A_330], %swap3A_333 {strides = array<i32>} : memref<1024x32xf32, #tpu.memory_space<vmem>>, vector<1x16xf32>,
            %swap3A_334 = arith.index_cast %add3A_142 : i32 to index
            %swap3A_335 = arith.constant 16 : index
            %swap3A_336 = tpu.vector_load %arg9[%swap3A_334, %swap3A_335] {strides = array<i32>} : memref<1024x32xf32, #tpu.memory_space<vmem>>, vector<1x16xf32>,
            %swap3A_337 = vector.shape_cast %swap3A_336 : vector<1x16xf32> to vector<16xf32>
            %swap3A_338 = vector.shape_cast %broadcast_in_dim3A_87 : vector<16xf32> to vector<1x16xf32>
            tpu.vector_store %arg9[%swap3A_334, %swap3A_335], %swap3A_338 {strides = array<i32>} : memref<1024x32xf32, #tpu.memory_space<vmem>>, vector<1x16xf32>,
          } else {
          }
          %mul3A_150 = arith.constant 128 : i32
          %mul3A_151 = arith.muli %select_n3A, %mul3A_150 : i32
          %add3A_152 = arith.addi %mul3A_151, %mul3A_126 : i32
          %add3A_153 = arith.constant 1 : i32
          %add3A_154 = arith.addi %add3A_152, %add3A_153 : i32
          %slice3A_155 = vector.extract_strided_slice %select_n3A_137 {offsets = [1], sizes = [1], strides = [1]} : vector<16xi32> to vector<1xi32>
          %squeeze3A_156 = vector.extract %slice3A_155[0] : i32 from vector<1xi32>
          %gt3A_157 = arith.constant 0 : i32
          %gt3A_158 = arith.cmpi sgt, %squeeze3A_156, %gt3A_157 : i32
          %convert_element_type3A_159 = arith.extui %gt3A_158 : i1 to i32
          %cond3A_160 = arith.constant 0 : i32
          %cond3A_161 = arith.cmpi ne, %convert_element_type3A_159, %cond3A_160 : i32
          scf.if %cond3A_161 {
            %swap3A = arith.index_cast %add3A_154 : i32 to index
            %swap3A_330 = arith.constant 0 : index
            %swap3A_331 = tpu.vector_load %arg9[%swap3A, %swap3A_330] {strides = array<i32>} : memref<1024x32xf32, #tpu.memory_space<vmem>>, vector<1x16xf32>,
            %swap3A_332 = vector.shape_cast %swap3A_331 : vector<1x16xf32> to vector<16xf32>
            %swap3A_333 = vector.shape_cast %broadcast_in_dim3A_87 : vector<16xf32> to vector<1x16xf32>
            tpu.vector_store %arg9[%swap3A, %swap3A_330], %swap3A_333 {strides = array<i32>} : memref<1024x32xf32, #tpu.memory_space<vmem>>, vector<1x16xf32>,
            %swap3A_334 = arith.index_cast %add3A_154 : i32 to index
            %swap3A_335 = arith.constant 16 : index
            %swap3A_336 = tpu.vector_load %arg9[%swap3A_334, %swap3A_335] {strides = array<i32>} : memref<1024x32xf32, #tpu.memory_space<vmem>>, vector<1x16xf32>,
            %swap3A_337 = vector.shape_cast %swap3A_336 : vector<1x16xf32> to vector<16xf32>
            %swap3A_338 = vector.shape_cast %broadcast_in_dim3A_87 : vector<16xf32> to vector<1x16xf32>
            tpu.vector_store %arg9[%swap3A_334, %swap3A_335], %swap3A_338 {strides = array<i32>} : memref<1024x32xf32, #tpu.memory_space<vmem>>, vector<1x16xf32>,
          } else {
          }
          %mul3A_162 = arith.constant 128 : i32
          %mul3A_163 = arith.muli %select_n3A, %mul3A_162 : i32
          %add3A_164 = arith.addi %mul3A_163, %mul3A_126 : i32
          %add3A_165 = arith.constant 2 : i32
          %add3A_166 = arith.addi %add3A_164, %add3A_165 : i32
          %slice3A_167 = vector.extract_strided_slice %select_n3A_137 {offsets = [2], sizes = [1], strides = [1]} : vector<16xi32> to vector<1xi32>
          %squeeze3A_168 = vector.extract %slice3A_167[0] : i32 from vector<1xi32>
          %gt3A_169 = arith.constant 0 : i32
          %gt3A_170 = arith.cmpi sgt, %squeeze3A_168, %gt3A_169 : i32
          %convert_element_type3A_171 = arith.extui %gt3A_170 : i1 to i32
          %cond3A_172 = arith.constant 0 : i32
          %cond3A_173 = arith.cmpi ne, %convert_element_type3A_171, %cond3A_172 : i32
          scf.if %cond3A_173 {
            %swap3A = arith.index_cast %add3A_166 : i32 to index
            %swap3A_330 = arith.constant 0 : index
            %swap3A_331 = tpu.vector_load %arg9[%swap3A, %swap3A_330] {strides = array<i32>} : memref<1024x32xf32, #tpu.memory_space<vmem>>, vector<1x16xf32>,
            %swap3A_332 = vector.shape_cast %swap3A_331 : vector<1x16xf32> to vector<16xf32>
            %swap3A_333 = vector.shape_cast %broadcast_in_dim3A_87 : vector<16xf32> to vector<1x16xf32>
            tpu.vector_store %arg9[%swap3A, %swap3A_330], %swap3A_333 {strides = array<i32>} : memref<1024x32xf32, #tpu.memory_space<vmem>>, vector<1x16xf32>,
            %swap3A_334 = arith.index_cast %add3A_166 : i32 to index
            %swap3A_335 = arith.constant 16 : index
            %swap3A_336 = tpu.vector_load %arg9[%swap3A_334, %swap3A_335] {strides = array<i32>} : memref<1024x32xf32, #tpu.memory_space<vmem>>, vector<1x16xf32>,
            %swap3A_337 = vector.shape_cast %swap3A_336 : vector<1x16xf32> to vector<16xf32>
            %swap3A_338 = vector.shape_cast %broadcast_in_dim3A_87 : vector<16xf32> to vector<1x16xf32>
            tpu.vector_store %arg9[%swap3A_334, %swap3A_335], %swap3A_338 {strides = array<i32>} : memref<1024x32xf32, #tpu.memory_space<vmem>>, vector<1x16xf32>,
          } else {
          }
          %mul3A_174 = arith.constant 128 : i32
          %mul3A_175 = arith.muli %select_n3A, %mul3A_174 : i32
          %add3A_176 = arith.addi %mul3A_175, %mul3A_126 : i32
          %add3A_177 = arith.constant 3 : i32
          %add3A_178 = arith.addi %add3A_176, %add3A_177 : i32
          %slice3A_179 = vector.extract_strided_slice %select_n3A_137 {offsets = [3], sizes = [1], strides = [1]} : vector<16xi32> to vector<1xi32>
          %squeeze3A_180 = vector.extract %slice3A_179[0] : i32 from vector<1xi32>
          %gt3A_181 = arith.constant 0 : i32
          %gt3A_182 = arith.cmpi sgt, %squeeze3A_180, %gt3A_181 : i32
          %convert_element_type3A_183 = arith.extui %gt3A_182 : i1 to i32
          %cond3A_184 = arith.constant 0 : i32
          %cond3A_185 = arith.cmpi ne, %convert_element_type3A_183, %cond3A_184 : i32
          scf.if %cond3A_185 {
            %swap3A = arith.index_cast %add3A_178 : i32 to index
            %swap3A_330 = arith.constant 0 : index
            %swap3A_331 = tpu.vector_load %arg9[%swap3A, %swap3A_330] {strides = array<i32>} : memref<1024x32xf32, #tpu.memory_space<vmem>>, vector<1x16xf32>,
            %swap3A_332 = vector.shape_cast %swap3A_331 : vector<1x16xf32> to vector<16xf32>
            %swap3A_333 = vector.shape_cast %broadcast_in_dim3A_87 : vector<16xf32> to vector<1x16xf32>
            tpu.vector_store %arg9[%swap3A, %swap3A_330], %swap3A_333 {strides = array<i32>} : memref<1024x32xf32, #tpu.memory_space<vmem>>, vector<1x16xf32>,
            %swap3A_334 = arith.index_cast %add3A_178 : i32 to index
            %swap3A_335 = arith.constant 16 : index
            %swap3A_336 = tpu.vector_load %arg9[%swap3A_334, %swap3A_335] {strides = array<i32>} : memref<1024x32xf32, #tpu.memory_space<vmem>>, vector<1x16xf32>,
            %swap3A_337 = vector.shape_cast %swap3A_336 : vector<1x16xf32> to vector<16xf32>
            %swap3A_338 = vector.shape_cast %broadcast_in_dim3A_87 : vector<16xf32> to vector<1x16xf32>
            tpu.vector_store %arg9[%swap3A_334, %swap3A_335], %swap3A_338 {strides = array<i32>} : memref<1024x32xf32, #tpu.memory_space<vmem>>, vector<1x16xf32>,
          } else {
          }
          %mul3A_186 = arith.constant 128 : i32
          %mul3A_187 = arith.muli %select_n3A, %mul3A_186 : i32
          %add3A_188 = arith.addi %mul3A_187, %mul3A_126 : i32
          %add3A_189 = arith.constant 4 : i32
          %add3A_190 = arith.addi %add3A_188, %add3A_189 : i32
          %slice3A_191 = vector.extract_strided_slice %select_n3A_137 {offsets = [4], sizes = [1], strides = [1]} : vector<16xi32> to vector<1xi32>
          %squeeze3A_192 = vector.extract %slice3A_191[0] : i32 from vector<1xi32>
          %gt3A_193 = arith.constant 0 : i32
          %gt3A_194 = arith.cmpi sgt, %squeeze3A_192, %gt3A_193 : i32
          %convert_element_type3A_195 = arith.extui %gt3A_194 : i1 to i32
          %cond3A_196 = arith.constant 0 : i32
          %cond3A_197 = arith.cmpi ne, %convert_element_type3A_195, %cond3A_196 : i32
          scf.if %cond3A_197 {
            %swap3A = arith.index_cast %add3A_190 : i32 to index
            %swap3A_330 = arith.constant 0 : index
            %swap3A_331 = tpu.vector_load %arg9[%swap3A, %swap3A_330] {strides = array<i32>} : memref<1024x32xf32, #tpu.memory_space<vmem>>, vector<1x16xf32>,
            %swap3A_332 = vector.shape_cast %swap3A_331 : vector<1x16xf32> to vector<16xf32>
            %swap3A_333 = vector.shape_cast %broadcast_in_dim3A_87 : vector<16xf32> to vector<1x16xf32>
            tpu.vector_store %arg9[%swap3A, %swap3A_330], %swap3A_333 {strides = array<i32>} : memref<1024x32xf32, #tpu.memory_space<vmem>>, vector<1x16xf32>,
            %swap3A_334 = arith.index_cast %add3A_190 : i32 to index
            %swap3A_335 = arith.constant 16 : index
            %swap3A_336 = tpu.vector_load %arg9[%swap3A_334, %swap3A_335] {strides = array<i32>} : memref<1024x32xf32, #tpu.memory_space<vmem>>, vector<1x16xf32>,
            %swap3A_337 = vector.shape_cast %swap3A_336 : vector<1x16xf32> to vector<16xf32>
            %swap3A_338 = vector.shape_cast %broadcast_in_dim3A_87 : vector<16xf32> to vector<1x16xf32>
            tpu.vector_store %arg9[%swap3A_334, %swap3A_335], %swap3A_338 {strides = array<i32>} : memref<1024x32xf32, #tpu.memory_space<vmem>>, vector<1x16xf32>,
          } else {
          }
          %mul3A_198 = arith.constant 128 : i32
          %mul3A_199 = arith.muli %select_n3A, %mul3A_198 : i32
          %add3A_200 = arith.addi %mul3A_199, %mul3A_126 : i32
          %add3A_201 = arith.constant 5 : i32
          %add3A_202 = arith.addi %add3A_200, %add3A_201 : i32
          %slice3A_203 = vector.extract_strided_slice %select_n3A_137 {offsets = [5], sizes = [1], strides = [1]} : vector<16xi32> to vector<1xi32>
          %squeeze3A_204 = vector.extract %slice3A_203[0] : i32 from vector<1xi32>
          %gt3A_205 = arith.constant 0 : i32
          %gt3A_206 = arith.cmpi sgt, %squeeze3A_204, %gt3A_205 : i32
          %convert_element_type3A_207 = arith.extui %gt3A_206 : i1 to i32
          %cond3A_208 = arith.constant 0 : i32
          %cond3A_209 = arith.cmpi ne, %convert_element_type3A_207, %cond3A_208 : i32
          scf.if %cond3A_209 {
            %swap3A = arith.index_cast %add3A_202 : i32 to index
            %swap3A_330 = arith.constant 0 : index
            %swap3A_331 = tpu.vector_load %arg9[%swap3A, %swap3A_330] {strides = array<i32>} : memref<1024x32xf32, #tpu.memory_space<vmem>>, vector<1x16xf32>,
            %swap3A_332 = vector.shape_cast %swap3A_331 : vector<1x16xf32> to vector<16xf32>
            %swap3A_333 = vector.shape_cast %broadcast_in_dim3A_87 : vector<16xf32> to vector<1x16xf32>
            tpu.vector_store %arg9[%swap3A, %swap3A_330], %swap3A_333 {strides = array<i32>} : memref<1024x32xf32, #tpu.memory_space<vmem>>, vector<1x16xf32>,
            %swap3A_334 = arith.index_cast %add3A_202 : i32 to index
            %swap3A_335 = arith.constant 16 : index
            %swap3A_336 = tpu.vector_load %arg9[%swap3A_334, %swap3A_335] {strides = array<i32>} : memref<1024x32xf32, #tpu.memory_space<vmem>>, vector<1x16xf32>,
            %swap3A_337 = vector.shape_cast %swap3A_336 : vector<1x16xf32> to vector<16xf32>
            %swap3A_338 = vector.shape_cast %broadcast_in_dim3A_87 : vector<16xf32> to vector<1x16xf32>
            tpu.vector_store %arg9[%swap3A_334, %swap3A_335], %swap3A_338 {strides = array<i32>} : memref<1024x32xf32, #tpu.memory_space<vmem>>, vector<1x16xf32>,
          } else {
          }
          %mul3A_210 = arith.constant 128 : i32
          %mul3A_211 = arith.muli %select_n3A, %mul3A_210 : i32
          %add3A_212 = arith.addi %mul3A_211, %mul3A_126 : i32
          %add3A_213 = arith.constant 6 : i32
          %add3A_214 = arith.addi %add3A_212, %add3A_213 : i32
          %slice3A_215 = vector.extract_strided_slice %select_n3A_137 {offsets = [6], sizes = [1], strides = [1]} : vector<16xi32> to vector<1xi32>
          %squeeze3A_216 = vector.extract %slice3A_215[0] : i32 from vector<1xi32>
          %gt3A_217 = arith.constant 0 : i32
          %gt3A_218 = arith.cmpi sgt, %squeeze3A_216, %gt3A_217 : i32
          %convert_element_type3A_219 = arith.extui %gt3A_218 : i1 to i32
          %cond3A_220 = arith.constant 0 : i32
          %cond3A_221 = arith.cmpi ne, %convert_element_type3A_219, %cond3A_220 : i32
          scf.if %cond3A_221 {
            %swap3A = arith.index_cast %add3A_214 : i32 to index
            %swap3A_330 = arith.constant 0 : index
            %swap3A_331 = tpu.vector_load %arg9[%swap3A, %swap3A_330] {strides = array<i32>} : memref<1024x32xf32, #tpu.memory_space<vmem>>, vector<1x16xf32>,
            %swap3A_332 = vector.shape_cast %swap3A_331 : vector<1x16xf32> to vector<16xf32>
            %swap3A_333 = vector.shape_cast %broadcast_in_dim3A_87 : vector<16xf32> to vector<1x16xf32>
            tpu.vector_store %arg9[%swap3A, %swap3A_330], %swap3A_333 {strides = array<i32>} : memref<1024x32xf32, #tpu.memory_space<vmem>>, vector<1x16xf32>,
            %swap3A_334 = arith.index_cast %add3A_214 : i32 to index
            %swap3A_335 = arith.constant 16 : index
            %swap3A_336 = tpu.vector_load %arg9[%swap3A_334, %swap3A_335] {strides = array<i32>} : memref<1024x32xf32, #tpu.memory_space<vmem>>, vector<1x16xf32>,
            %swap3A_337 = vector.shape_cast %swap3A_336 : vector<1x16xf32> to vector<16xf32>
            %swap3A_338 = vector.shape_cast %broadcast_in_dim3A_87 : vector<16xf32> to vector<1x16xf32>
            tpu.vector_store %arg9[%swap3A_334, %swap3A_335], %swap3A_338 {strides = array<i32>} : memref<1024x32xf32, #tpu.memory_space<vmem>>, vector<1x16xf32>,
          } else {
          }
          %mul3A_222 = arith.constant 128 : i32
          %mul3A_223 = arith.muli %select_n3A, %mul3A_222 : i32
          %add3A_224 = arith.addi %mul3A_223, %mul3A_126 : i32
          %add3A_225 = arith.constant 7 : i32
          %add3A_226 = arith.addi %add3A_224, %add3A_225 : i32
          %slice3A_227 = vector.extract_strided_slice %select_n3A_137 {offsets = [7], sizes = [1], strides = [1]} : vector<16xi32> to vector<1xi32>
          %squeeze3A_228 = vector.extract %slice3A_227[0] : i32 from vector<1xi32>
          %gt3A_229 = arith.constant 0 : i32
          %gt3A_230 = arith.cmpi sgt, %squeeze3A_228, %gt3A_229 : i32
          %convert_element_type3A_231 = arith.extui %gt3A_230 : i1 to i32
          %cond3A_232 = arith.constant 0 : i32
          %cond3A_233 = arith.cmpi ne, %convert_element_type3A_231, %cond3A_232 : i32
          scf.if %cond3A_233 {
            %swap3A = arith.index_cast %add3A_226 : i32 to index
            %swap3A_330 = arith.constant 0 : index
            %swap3A_331 = tpu.vector_load %arg9[%swap3A, %swap3A_330] {strides = array<i32>} : memref<1024x32xf32, #tpu.memory_space<vmem>>, vector<1x16xf32>,
            %swap3A_332 = vector.shape_cast %swap3A_331 : vector<1x16xf32> to vector<16xf32>
            %swap3A_333 = vector.shape_cast %broadcast_in_dim3A_87 : vector<16xf32> to vector<1x16xf32>
            tpu.vector_store %arg9[%swap3A, %swap3A_330], %swap3A_333 {strides = array<i32>} : memref<1024x32xf32, #tpu.memory_space<vmem>>, vector<1x16xf32>,
            %swap3A_334 = arith.index_cast %add3A_226 : i32 to index
            %swap3A_335 = arith.constant 16 : index
            %swap3A_336 = tpu.vector_load %arg9[%swap3A_334, %swap3A_335] {strides = array<i32>} : memref<1024x32xf32, #tpu.memory_space<vmem>>, vector<1x16xf32>,
            %swap3A_337 = vector.shape_cast %swap3A_336 : vector<1x16xf32> to vector<16xf32>
            %swap3A_338 = vector.shape_cast %broadcast_in_dim3A_87 : vector<16xf32> to vector<1x16xf32>
            tpu.vector_store %arg9[%swap3A_334, %swap3A_335], %swap3A_338 {strides = array<i32>} : memref<1024x32xf32, #tpu.memory_space<vmem>>, vector<1x16xf32>,
          } else {
          }
          %mul3A_234 = arith.constant 128 : i32
          %mul3A_235 = arith.muli %select_n3A, %mul3A_234 : i32
          %add3A_236 = arith.addi %mul3A_235, %mul3A_126 : i32
          %add3A_237 = arith.constant 8 : i32
          %add3A_238 = arith.addi %add3A_236, %add3A_237 : i32
          %slice3A_239 = vector.extract_strided_slice %select_n3A_137 {offsets = [8], sizes = [1], strides = [1]} : vector<16xi32> to vector<1xi32>
          %squeeze3A_240 = vector.extract %slice3A_239[0] : i32 from vector<1xi32>
          %gt3A_241 = arith.constant 0 : i32
          %gt3A_242 = arith.cmpi sgt, %squeeze3A_240, %gt3A_241 : i32
          %convert_element_type3A_243 = arith.extui %gt3A_242 : i1 to i32
          %cond3A_244 = arith.constant 0 : i32
          %cond3A_245 = arith.cmpi ne, %convert_element_type3A_243, %cond3A_244 : i32
          scf.if %cond3A_245 {
            %swap3A = arith.index_cast %add3A_238 : i32 to index
            %swap3A_330 = arith.constant 0 : index
            %swap3A_331 = tpu.vector_load %arg9[%swap3A, %swap3A_330] {strides = array<i32>} : memref<1024x32xf32, #tpu.memory_space<vmem>>, vector<1x16xf32>,
            %swap3A_332 = vector.shape_cast %swap3A_331 : vector<1x16xf32> to vector<16xf32>
            %swap3A_333 = vector.shape_cast %broadcast_in_dim3A_87 : vector<16xf32> to vector<1x16xf32>
            tpu.vector_store %arg9[%swap3A, %swap3A_330], %swap3A_333 {strides = array<i32>} : memref<1024x32xf32, #tpu.memory_space<vmem>>, vector<1x16xf32>,
            %swap3A_334 = arith.index_cast %add3A_238 : i32 to index
            %swap3A_335 = arith.constant 16 : index
            %swap3A_336 = tpu.vector_load %arg9[%swap3A_334, %swap3A_335] {strides = array<i32>} : memref<1024x32xf32, #tpu.memory_space<vmem>>, vector<1x16xf32>,
            %swap3A_337 = vector.shape_cast %swap3A_336 : vector<1x16xf32> to vector<16xf32>
            %swap3A_338 = vector.shape_cast %broadcast_in_dim3A_87 : vector<16xf32> to vector<1x16xf32>
            tpu.vector_store %arg9[%swap3A_334, %swap3A_335], %swap3A_338 {strides = array<i32>} : memref<1024x32xf32, #tpu.memory_space<vmem>>, vector<1x16xf32>,
          } else {
          }
          %mul3A_246 = arith.constant 128 : i32
          %mul3A_247 = arith.muli %select_n3A, %mul3A_246 : i32
          %add3A_248 = arith.addi %mul3A_247, %mul3A_126 : i32
          %add3A_249 = arith.constant 9 : i32
          %add3A_250 = arith.addi %add3A_248, %add3A_249 : i32
          %slice3A_251 = vector.extract_strided_slice %select_n3A_137 {offsets = [9], sizes = [1], strides = [1]} : vector<16xi32> to vector<1xi32>
          %squeeze3A_252 = vector.extract %slice3A_251[0] : i32 from vector<1xi32>
          %gt3A_253 = arith.constant 0 : i32
          %gt3A_254 = arith.cmpi sgt, %squeeze3A_252, %gt3A_253 : i32
          %convert_element_type3A_255 = arith.extui %gt3A_254 : i1 to i32
          %cond3A_256 = arith.constant 0 : i32
          %cond3A_257 = arith.cmpi ne, %convert_element_type3A_255, %cond3A_256 : i32
          scf.if %cond3A_257 {
            %swap3A = arith.index_cast %add3A_250 : i32 to index
            %swap3A_330 = arith.constant 0 : index
            %swap3A_331 = tpu.vector_load %arg9[%swap3A, %swap3A_330] {strides = array<i32>} : memref<1024x32xf32, #tpu.memory_space<vmem>>, vector<1x16xf32>,
            %swap3A_332 = vector.shape_cast %swap3A_331 : vector<1x16xf32> to vector<16xf32>
            %swap3A_333 = vector.shape_cast %broadcast_in_dim3A_87 : vector<16xf32> to vector<1x16xf32>
            tpu.vector_store %arg9[%swap3A, %swap3A_330], %swap3A_333 {strides = array<i32>} : memref<1024x32xf32, #tpu.memory_space<vmem>>, vector<1x16xf32>,
            %swap3A_334 = arith.index_cast %add3A_250 : i32 to index
            %swap3A_335 = arith.constant 16 : index
            %swap3A_336 = tpu.vector_load %arg9[%swap3A_334, %swap3A_335] {strides = array<i32>} : memref<1024x32xf32, #tpu.memory_space<vmem>>, vector<1x16xf32>,
            %swap3A_337 = vector.shape_cast %swap3A_336 : vector<1x16xf32> to vector<16xf32>
            %swap3A_338 = vector.shape_cast %broadcast_in_dim3A_87 : vector<16xf32> to vector<1x16xf32>
            tpu.vector_store %arg9[%swap3A_334, %swap3A_335], %swap3A_338 {strides = array<i32>} : memref<1024x32xf32, #tpu.memory_space<vmem>>, vector<1x16xf32>,
          } else {
          }
          %mul3A_258 = arith.constant 128 : i32
          %mul3A_259 = arith.muli %select_n3A, %mul3A_258 : i32
          %add3A_260 = arith.addi %mul3A_259, %mul3A_126 : i32
          %add3A_261 = arith.constant 10 : i32
          %add3A_262 = arith.addi %add3A_260, %add3A_261 : i32
          %slice3A_263 = vector.extract_strided_slice %select_n3A_137 {offsets = [10], sizes = [1], strides = [1]} : vector<16xi32> to vector<1xi32>
          %squeeze3A_264 = vector.extract %slice3A_263[0] : i32 from vector<1xi32>
          %gt3A_265 = arith.constant 0 : i32
          %gt3A_266 = arith.cmpi sgt, %squeeze3A_264, %gt3A_265 : i32
          %convert_element_type3A_267 = arith.extui %gt3A_266 : i1 to i32
          %cond3A_268 = arith.constant 0 : i32
          %cond3A_269 = arith.cmpi ne, %convert_element_type3A_267, %cond3A_268 : i32
          scf.if %cond3A_269 {
            %swap3A = arith.index_cast %add3A_262 : i32 to index
            %swap3A_330 = arith.constant 0 : index
            %swap3A_331 = tpu.vector_load %arg9[%swap3A, %swap3A_330] {strides = array<i32>} : memref<1024x32xf32, #tpu.memory_space<vmem>>, vector<1x16xf32>,
            %swap3A_332 = vector.shape_cast %swap3A_331 : vector<1x16xf32> to vector<16xf32>
            %swap3A_333 = vector.shape_cast %broadcast_in_dim3A_87 : vector<16xf32> to vector<1x16xf32>
            tpu.vector_store %arg9[%swap3A, %swap3A_330], %swap3A_333 {strides = array<i32>} : memref<1024x32xf32, #tpu.memory_space<vmem>>, vector<1x16xf32>,
            %swap3A_334 = arith.index_cast %add3A_262 : i32 to index
            %swap3A_335 = arith.constant 16 : index
            %swap3A_336 = tpu.vector_load %arg9[%swap3A_334, %swap3A_335] {strides = array<i32>} : memref<1024x32xf32, #tpu.memory_space<vmem>>, vector<1x16xf32>,
            %swap3A_337 = vector.shape_cast %swap3A_336 : vector<1x16xf32> to vector<16xf32>
            %swap3A_338 = vector.shape_cast %broadcast_in_dim3A_87 : vector<16xf32> to vector<1x16xf32>
            tpu.vector_store %arg9[%swap3A_334, %swap3A_335], %swap3A_338 {strides = array<i32>} : memref<1024x32xf32, #tpu.memory_space<vmem>>, vector<1x16xf32>,
          } else {
          }
          %mul3A_270 = arith.constant 128 : i32
          %mul3A_271 = arith.muli %select_n3A, %mul3A_270 : i32
          %add3A_272 = arith.addi %mul3A_271, %mul3A_126 : i32
          %add3A_273 = arith.constant 11 : i32
          %add3A_274 = arith.addi %add3A_272, %add3A_273 : i32
          %slice3A_275 = vector.extract_strided_slice %select_n3A_137 {offsets = [11], sizes = [1], strides = [1]} : vector<16xi32> to vector<1xi32>
          %squeeze3A_276 = vector.extract %slice3A_275[0] : i32 from vector<1xi32>
          %gt3A_277 = arith.constant 0 : i32
          %gt3A_278 = arith.cmpi sgt, %squeeze3A_276, %gt3A_277 : i32
          %convert_element_type3A_279 = arith.extui %gt3A_278 : i1 to i32
          %cond3A_280 = arith.constant 0 : i32
          %cond3A_281 = arith.cmpi ne, %convert_element_type3A_279, %cond3A_280 : i32
          scf.if %cond3A_281 {
            %swap3A = arith.index_cast %add3A_274 : i32 to index
            %swap3A_330 = arith.constant 0 : index
            %swap3A_331 = tpu.vector_load %arg9[%swap3A, %swap3A_330] {strides = array<i32>} : memref<1024x32xf32, #tpu.memory_space<vmem>>, vector<1x16xf32>,
            %swap3A_332 = vector.shape_cast %swap3A_331 : vector<1x16xf32> to vector<16xf32>
            %swap3A_333 = vector.shape_cast %broadcast_in_dim3A_87 : vector<16xf32> to vector<1x16xf32>
            tpu.vector_store %arg9[%swap3A, %swap3A_330], %swap3A_333 {strides = array<i32>} : memref<1024x32xf32, #tpu.memory_space<vmem>>, vector<1x16xf32>,
            %swap3A_334 = arith.index_cast %add3A_274 : i32 to index
            %swap3A_335 = arith.constant 16 : index
            %swap3A_336 = tpu.vector_load %arg9[%swap3A_334, %swap3A_335] {strides = array<i32>} : memref<1024x32xf32, #tpu.memory_space<vmem>>, vector<1x16xf32>,
            %swap3A_337 = vector.shape_cast %swap3A_336 : vector<1x16xf32> to vector<16xf32>
            %swap3A_338 = vector.shape_cast %broadcast_in_dim3A_87 : vector<16xf32> to vector<1x16xf32>
            tpu.vector_store %arg9[%swap3A_334, %swap3A_335], %swap3A_338 {strides = array<i32>} : memref<1024x32xf32, #tpu.memory_space<vmem>>, vector<1x16xf32>,
          } else {
          }
          %mul3A_282 = arith.constant 128 : i32
          %mul3A_283 = arith.muli %select_n3A, %mul3A_282 : i32
          %add3A_284 = arith.addi %mul3A_283, %mul3A_126 : i32
          %add3A_285 = arith.constant 12 : i32
          %add3A_286 = arith.addi %add3A_284, %add3A_285 : i32
          %slice3A_287 = vector.extract_strided_slice %select_n3A_137 {offsets = [12], sizes = [1], strides = [1]} : vector<16xi32> to vector<1xi32>
          %squeeze3A_288 = vector.extract %slice3A_287[0] : i32 from vector<1xi32>
          %gt3A_289 = arith.constant 0 : i32
          %gt3A_290 = arith.cmpi sgt, %squeeze3A_288, %gt3A_289 : i32
          %convert_element_type3A_291 = arith.extui %gt3A_290 : i1 to i32
          %cond3A_292 = arith.constant 0 : i32
          %cond3A_293 = arith.cmpi ne, %convert_element_type3A_291, %cond3A_292 : i32
          scf.if %cond3A_293 {
            %swap3A = arith.index_cast %add3A_286 : i32 to index
            %swap3A_330 = arith.constant 0 : index
            %swap3A_331 = tpu.vector_load %arg9[%swap3A, %swap3A_330] {strides = array<i32>} : memref<1024x32xf32, #tpu.memory_space<vmem>>, vector<1x16xf32>,
            %swap3A_332 = vector.shape_cast %swap3A_331 : vector<1x16xf32> to vector<16xf32>
            %swap3A_333 = vector.shape_cast %broadcast_in_dim3A_87 : vector<16xf32> to vector<1x16xf32>
            tpu.vector_store %arg9[%swap3A, %swap3A_330], %swap3A_333 {strides = array<i32>} : memref<1024x32xf32, #tpu.memory_space<vmem>>, vector<1x16xf32>,
            %swap3A_334 = arith.index_cast %add3A_286 : i32 to index
            %swap3A_335 = arith.constant 16 : index
            %swap3A_336 = tpu.vector_load %arg9[%swap3A_334, %swap3A_335] {strides = array<i32>} : memref<1024x32xf32, #tpu.memory_space<vmem>>, vector<1x16xf32>,
            %swap3A_337 = vector.shape_cast %swap3A_336 : vector<1x16xf32> to vector<16xf32>
            %swap3A_338 = vector.shape_cast %broadcast_in_dim3A_87 : vector<16xf32> to vector<1x16xf32>
            tpu.vector_store %arg9[%swap3A_334, %swap3A_335], %swap3A_338 {strides = array<i32>} : memref<1024x32xf32, #tpu.memory_space<vmem>>, vector<1x16xf32>,
          } else {
          }
          %mul3A_294 = arith.constant 128 : i32
          %mul3A_295 = arith.muli %select_n3A, %mul3A_294 : i32
          %add3A_296 = arith.addi %mul3A_295, %mul3A_126 : i32
          %add3A_297 = arith.constant 13 : i32
          %add3A_298 = arith.addi %add3A_296, %add3A_297 : i32
          %slice3A_299 = vector.extract_strided_slice %select_n3A_137 {offsets = [13], sizes = [1], strides = [1]} : vector<16xi32> to vector<1xi32>
          %squeeze3A_300 = vector.extract %slice3A_299[0] : i32 from vector<1xi32>
          %gt3A_301 = arith.constant 0 : i32
          %gt3A_302 = arith.cmpi sgt, %squeeze3A_300, %gt3A_301 : i32
          %convert_element_type3A_303 = arith.extui %gt3A_302 : i1 to i32
          %cond3A_304 = arith.constant 0 : i32
          %cond3A_305 = arith.cmpi ne, %convert_element_type3A_303, %cond3A_304 : i32
          scf.if %cond3A_305 {
            %swap3A = arith.index_cast %add3A_298 : i32 to index
            %swap3A_330 = arith.constant 0 : index
            %swap3A_331 = tpu.vector_load %arg9[%swap3A, %swap3A_330] {strides = array<i32>} : memref<1024x32xf32, #tpu.memory_space<vmem>>, vector<1x16xf32>,
            %swap3A_332 = vector.shape_cast %swap3A_331 : vector<1x16xf32> to vector<16xf32>
            %swap3A_333 = vector.shape_cast %broadcast_in_dim3A_87 : vector<16xf32> to vector<1x16xf32>
            tpu.vector_store %arg9[%swap3A, %swap3A_330], %swap3A_333 {strides = array<i32>} : memref<1024x32xf32, #tpu.memory_space<vmem>>, vector<1x16xf32>,
            %swap3A_334 = arith.index_cast %add3A_298 : i32 to index
            %swap3A_335 = arith.constant 16 : index
            %swap3A_336 = tpu.vector_load %arg9[%swap3A_334, %swap3A_335] {strides = array<i32>} : memref<1024x32xf32, #tpu.memory_space<vmem>>, vector<1x16xf32>,
            %swap3A_337 = vector.shape_cast %swap3A_336 : vector<1x16xf32> to vector<16xf32>
            %swap3A_338 = vector.shape_cast %broadcast_in_dim3A_87 : vector<16xf32> to vector<1x16xf32>
            tpu.vector_store %arg9[%swap3A_334, %swap3A_335], %swap3A_338 {strides = array<i32>} : memref<1024x32xf32, #tpu.memory_space<vmem>>, vector<1x16xf32>,
          } else {
          }
          %mul3A_306 = arith.constant 128 : i32
          %mul3A_307 = arith.muli %select_n3A, %mul3A_306 : i32
          %add3A_308 = arith.addi %mul3A_307, %mul3A_126 : i32
          %add3A_309 = arith.constant 14 : i32
          %add3A_310 = arith.addi %add3A_308, %add3A_309 : i32
          %slice3A_311 = vector.extract_strided_slice %select_n3A_137 {offsets = [14], sizes = [1], strides = [1]} : vector<16xi32> to vector<1xi32>
          %squeeze3A_312 = vector.extract %slice3A_311[0] : i32 from vector<1xi32>
          %gt3A_313 = arith.constant 0 : i32
          %gt3A_314 = arith.cmpi sgt, %squeeze3A_312, %gt3A_313 : i32
          %convert_element_type3A_315 = arith.extui %gt3A_314 : i1 to i32
          %cond3A_316 = arith.constant 0 : i32
          %cond3A_317 = arith.cmpi ne, %convert_element_type3A_315, %cond3A_316 : i32
          scf.if %cond3A_317 {
            %swap3A = arith.index_cast %add3A_310 : i32 to index
            %swap3A_330 = arith.constant 0 : index
            %swap3A_331 = tpu.vector_load %arg9[%swap3A, %swap3A_330] {strides = array<i32>} : memref<1024x32xf32, #tpu.memory_space<vmem>>, vector<1x16xf32>,
            %swap3A_332 = vector.shape_cast %swap3A_331 : vector<1x16xf32> to vector<16xf32>
            %swap3A_333 = vector.shape_cast %broadcast_in_dim3A_87 : vector<16xf32> to vector<1x16xf32>
            tpu.vector_store %arg9[%swap3A, %swap3A_330], %swap3A_333 {strides = array<i32>} : memref<1024x32xf32, #tpu.memory_space<vmem>>, vector<1x16xf32>,
            %swap3A_334 = arith.index_cast %add3A_310 : i32 to index
            %swap3A_335 = arith.constant 16 : index
            %swap3A_336 = tpu.vector_load %arg9[%swap3A_334, %swap3A_335] {strides = array<i32>} : memref<1024x32xf32, #tpu.memory_space<vmem>>, vector<1x16xf32>,
            %swap3A_337 = vector.shape_cast %swap3A_336 : vector<1x16xf32> to vector<16xf32>
            %swap3A_338 = vector.shape_cast %broadcast_in_dim3A_87 : vector<16xf32> to vector<1x16xf32>
            tpu.vector_store %arg9[%swap3A_334, %swap3A_335], %swap3A_338 {strides = array<i32>} : memref<1024x32xf32, #tpu.memory_space<vmem>>, vector<1x16xf32>,
          } else {
          }
          %mul3A_318 = arith.constant 128 : i32
          %mul3A_319 = arith.muli %select_n3A, %mul3A_318 : i32
          %add3A_320 = arith.addi %mul3A_319, %mul3A_126 : i32
          %add3A_321 = arith.constant 15 : i32
          %add3A_322 = arith.addi %add3A_320, %add3A_321 : i32
          %slice3A_323 = vector.extract_strided_slice %select_n3A_137 {offsets = [15], sizes = [1], strides = [1]} : vector<16xi32> to vector<1xi32>
          %squeeze3A_324 = vector.extract %slice3A_323[0] : i32 from vector<1xi32>
          %gt3A_325 = arith.constant 0 : i32
          %gt3A_326 = arith.cmpi sgt, %squeeze3A_324, %gt3A_325 : i32
          %convert_element_type3A_327 = arith.extui %gt3A_326 : i1 to i32
          %cond3A_328 = arith.constant 0 : i32
          %cond3A_329 = arith.cmpi ne, %convert_element_type3A_327, %cond3A_328 : i32
          scf.if %cond3A_329 {
            %swap3A = arith.index_cast %add3A_322 : i32 to index
            %swap3A_330 = arith.constant 0 : index
            %swap3A_331 = tpu.vector_load %arg9[%swap3A, %swap3A_330] {strides = array<i32>} : memref<1024x32xf32, #tpu.memory_space<vmem>>, vector<1x16xf32>,
            %swap3A_332 = vector.shape_cast %swap3A_331 : vector<1x16xf32> to vector<16xf32>
            %swap3A_333 = vector.shape_cast %broadcast_in_dim3A_87 : vector<16xf32> to vector<1x16xf32>
            tpu.vector_store %arg9[%swap3A, %swap3A_330], %swap3A_333 {strides = array<i32>} : memref<1024x32xf32, #tpu.memory_space<vmem>>, vector<1x16xf32>,
            %swap3A_334 = arith.index_cast %add3A_322 : i32 to index
            %swap3A_335 = arith.constant 16 : index
            %swap3A_336 = tpu.vector_load %arg9[%swap3A_334, %swap3A_335] {strides = array<i32>} : memref<1024x32xf32, #tpu.memory_space<vmem>>, vector<1x16xf32>,
            %swap3A_337 = vector.shape_cast %swap3A_336 : vector<1x16xf32> to vector<16xf32>
            %swap3A_338 = vector.shape_cast %broadcast_in_dim3A_87 : vector<16xf32> to vector<1x16xf32>
            tpu.vector_store %arg9[%swap3A_334, %swap3A_335], %swap3A_338 {strides = array<i32>} : memref<1024x32xf32, #tpu.memory_space<vmem>>, vector<1x16xf32>,
          } else {
          }
        }
        %scan3A_93 = arith.constant 64 : i32
      } else {
      }
      %mul3A_84 = arith.constant 128 : i32
      %mul3A_85 = arith.muli %add3A_17, %mul3A_84 : i32
      "tpu.region"() ({
        %run_scoped3A = tpu.sem_alloc : memref<!tpu.dma_semaphore, #tpu.memory_space<semaphore_mem>>
        %dma_start3A = arith.constant 0 : i32
        %dma_start3A_86 = tpu.memref_slice %arg7[%mul3A_85, %dma_start3A] : memref<819200x32xf32, #tpu.memory_space<hbm>> -> memref<1024x32xf32, #tpu.memory_space<hbm>>
        %dma_start3A_87 = arith.constant 0 : i32
        %dma_start3A_88 = tpu.memref_slice %arg7[%mul3A_85, %dma_start3A_87] : memref<819200x32xf32, #tpu.memory_space<hbm>> -> memref<1024x32xf32, #tpu.memory_space<hbm>>
        tpu.enqueue_dma source(%arg9 : memref<1024x32xf32, #tpu.memory_space<vmem>>) target(%dma_start3A_88 : memref<1024x32xf32, #tpu.memory_space<hbm>>) target_semaphore(%run_scoped3A : memref<!tpu.dma_semaphore, #tpu.memory_space<semaphore_mem>>)
        %dma_wait3A = arith.constant 0 : i32
        %dma_wait3A_89 = tpu.memref_slice %arg7[%mul3A_85, %dma_wait3A] : memref<819200x32xf32, #tpu.memory_space<hbm>> -> memref<1024x32xf32, #tpu.memory_space<hbm>>
        %dma_wait3A_90 = arith.constant 0 : i32
        %dma_wait3A_91 = tpu.memref_slice %arg7[%mul3A_85, %dma_wait3A_90] : memref<819200x32xf32, #tpu.memory_space<hbm>> -> memref<1024x32xf32, #tpu.memory_space<hbm>>
        tpu.wait_dma2 semaphore(%run_scoped3A : memref<!tpu.dma_semaphore, #tpu.memory_space<semaphore_mem>>) src(%arg9 : memref<1024x32xf32, #tpu.memory_space<vmem>>) dst(%dma_wait3A_91 : memref<1024x32xf32, #tpu.memory_space<hbm>>)
        tpu.yield
      }) : () -> ()
    }
    %scan3A_13 = arith.constant 25 : i32
    return
  }
}

</mosaic_0001>

<sc_bundles>
// kernel: kernel.3.cloned.1.call-start
scs
__scs_entry_jumppad:
0x0: {  	(pc) =	sbr.rel $0x88, $3  }
0x1: {  	(tag) =	ssettag $0x0;
	lr =	simm.s32 $0x1  }
0x2: {  	[smem:$0x3F9D] =	sst lr;
	_ =	strace $0xD0000000  }
0x3: {  	_ = 	snop  }
0x4: {  	_ = 	snop  }
0x5: {  	_ = 	snop  }
0x6: {  	_ = 	snop  }
0x7: {  	_ = 	snop  }
__scs_overlays_trampoline_lowered:
0x8: {  	[smem:$0x3FAC] =	sst s0  }
0x9: {  	[smem:$0x3FAD] =	sst s1  }
0xa: {  	[smem:$0x3FAE] =	sst s2  }
0xb: {  	[smem:$0x3FAF] =	sst s3  }
0xc: {  	[smem:$0x3FB0] =	sst s4  }
0xd: {  	[smem:$0x3FB1] =	sst s5  }
0xe: {  	[smem:$0x3FB2] =	sst s6  }
0xf: {  	[smem:$0x3FB3] =	sst s7  }
0x10: {  	[smem:$0x3FB4] =	sst s8  }
0x11: {  	[smem:$0x3FB5] =	sst s9;
	s0 =	simm.s32 @!p0 $0x0  }
0x12: {  	s1 =	sld [smem:$0x3F9B];
	s0 =	simm.s32 @p0 $0x1  }
0x13: {  	[smem:$0x3FB6] =	sst s0;
	s0 =	simm.s32 @!p1 $0x0  }
0x14: {  	s2 =	sld [smem:$0x3F9A];
	s0 =	simm.s32 @p1 $0x1  }
0x15: {  	[smem:$0x3FB7] =	sst s0;
	s0 =	simm.s32 @!p2 $0x0  }
0x16: {  	s3 =	sld [smem:$0x3FDB];
	s0 =	simm.s32 @p2 $0x1  }
0x17: {  	s4 =	simm.s32 $0x1BF5;
	[smem:$0x3FB9] =	sst s0  }
0x18: {  	s0 =	sld [smem:$0x3F9C];
	_ =	swait.ge [sflag:s4], $0x0  }
0x19: {  	s7 =	sld [smem:$0x3F9D]  }
0x1a: {  	s8 =	sadd.s32 $0xFFFFE003, lr  }
0x1b: {  	s9 =	sadd.s32 $0xFFFFFEF7, lr;
	s5 =	simm.s32 $0xFFFFFFFF;
	p2 =	slt.u32 s8, $0xFFFFF086  }
0x1c: {  	p1 =	slt.u32 s9, $0xF7A;
	s5 =	simm.s32 @!p2 $0x0  }
0x1d: {  	s5 =	simm.s32 @p1 $0x1;
	p0 =	seq.s32 s7, s2  }
0x1e: {  	s7 =	smul.u32 @!p0 $0xF7A, s2;
	p2 =	seq.s32 @!p0 s5, $0x0  }
0x1f: {  	s9 =	smul.u32 $0xF7A, s1;
	s8 =	simm.s32 @!p0 $0x1BF5;
	p2 =	por !p2, p0  }
0x20: {  	[sflag:s8] =	ssyncset.s32 @!p0 $0xFFFFF086;
	s6 =	sadd.s32 @!p0 s3, s7;
	s7 =	simm.s32 @!p0 $0x108  }
0x21: {  	s3 =	sadd.s32 s3, s9;
	s6 =	sadd.s32 @!p0 $0x88, s6;
	s7 =	simm.s32 @p2 $0x1082  }
0x22: {  	[simem:s7], [sflag:s8] =	dma.local @!p0 [hbm:s6], $0xF7A  }
0x23: {  	s9 =	sor.u32 $0xD0000000, s2;
	s6 =	simm.s32 $0x108;
	_ =	swait.ge @!p0 [sflag:s8], $0x0  }
0x24: {  	s3 =	sadd.s32 $0x88, s3;
	s6 =	simm.s32 @!p1 $0x1082;
	[sflag:s4] =	ssyncset.s32 $0xFFFFF086  }
0x25: {  	[simem:s6], [sflag:s4] =	dma.local [hbm:s3], $0xF7A  }
0x26: {  	[smem:$0x3F9D] =	sst s1;
	(tag) =	ssettag s2;
	_ =	strace s9  }
0x27: {  	s1 =	sld [smem:$0x3FAD]  }
0x28: {  	s2 =	sld [smem:$0x3FAE]  }
0x29: {  	s4 =	sld [smem:$0x3FB0]  }
0x2a: {  	p0 =	seq.s32 s5, $0x0;
	s5 =	sld [smem:$0x3FB1]  }
0x2b: {  	s6 =	sld [smem:$0x3FB2]  }
0x2c: {  	s7 =	sld [smem:$0x3FB3]  }
0x2d: {  	s3 =	simm.s32 $0x108;
	s8 =	sld [smem:$0x3FB4]  }
0x2e: {  	s3 =	simm.s32 @!p0 $0x1082;
	s9 =	sld [smem:$0x3FB5]  }
0x2f: {  	lr =	sadd.s32 s0, s3;
	s0 =	sld [smem:$0x3FAC]  }
0x30: {  	s3 =	sld [smem:$0x3FAF]  }
0x31: {  	[smem:$0x3FB8] =	sst s10  }
0x32: {  	s10 =	sld [smem:$0x3FB6];
	_ =	sdelay $0x3  }
0x33: {  	p0 =	seq.s32 s10, $0x1;
	s10 =	sld [smem:$0x3FB8];
	_ =	sdelay $0x3  }
0x34: {  	[smem:$0x3FB8] =	sst s10  }
0x35: {  	s10 =	sld [smem:$0x3FB7];
	_ =	sdelay $0x3  }
0x36: {  	p1 =	seq.s32 s10, $0x1;
	s10 =	sld [smem:$0x3FB8];
	_ =	sdelay $0x3  }
0x37: {  	[smem:$0x3FB8] =	sst s10  }
0x38: {  	s10 =	sld [smem:$0x3FB9]  }
0x39: {  	_ = 	snop;
	(pc) =	sbr.ind lr, $3  }
0x3a: {  	_ = 	snop  }
0x3b: {  	_ = 	snop  }
0x3c: {  	p2 =	seq.s32 s10, $0x1;
	s10 =	sld [smem:$0x3FB8]  }
0x3d: {  	_ =	shalt  }
0x3e: {  	_ =	shalt  }
0x3f: {  	_ =	shalt  }
0x40: {  	_ =	shalt  }
0x41: {  	_ =	shalt  }
0x42: {  	_ =	shalt  }
0x43: {  	_ =	shalt  }
0x44: {  	_ =	shalt  }
0x45: {  	_ =	shalt  }
0x46: {  	_ =	shalt  }
0x47: {  	_ =	shalt  }
0x48: {  	_ =	shalt  }
0x49: {  	_ =	shalt  }
0x4a: {  	_ =	shalt  }
0x4b: {  	_ =	shalt  }
0x4c: {  	_ =	shalt  }
0x4d: {  	_ =	shalt  }
0x4e: {  	_ =	shalt  }
0x4f: {  	_ =	shalt  }
0x50: {  	_ =	shalt  }
0x51: {  	_ =	shalt  }
0x52: {  	_ =	shalt  }
0x53: {  	_ =	shalt  }
0x54: {  	_ =	shalt  }
0x55: {  	_ =	shalt  }
0x56: {  	_ =	shalt  }
0x57: {  	_ =	shalt  }
0x58: {  	_ =	shalt  }
0x59: {  	_ =	shalt  }
0x5a: {  	_ =	shalt  }
0x5b: {  	_ =	shalt  }
0x5c: {  	_ =	shalt  }
0x5d: {  	_ =	shalt  }
0x5e: {  	_ =	shalt  }
0x5f: {  	_ =	shalt  }
0x60: {  	_ =	shalt  }
0x61: {  	_ =	shalt  }
0x62: {  	_ =	shalt  }
0x63: {  	_ =	shalt  }
0x64: {  	_ =	shalt  }
0x65: {  	_ =	shalt  }
0x66: {  	_ =	shalt  }
0x67: {  	_ =	shalt  }
0x68: {  	_ =	shalt  }
0x69: {  	_ =	shalt  }
0x6a: {  	_ =	shalt  }
0x6b: {  	_ =	shalt  }
0x6c: {  	_ =	shalt  }
0x6d: {  	_ =	shalt  }
0x6e: {  	_ =	shalt  }
0x6f: {  	_ =	shalt  }
0x70: {  	_ =	shalt  }
0x71: {  	_ =	shalt  }
0x72: {  	_ =	shalt  }
0x73: {  	_ =	shalt  }
0x74: {  	_ =	shalt  }
0x75: {  	_ =	shalt  }
0x76: {  	_ =	shalt  }
0x77: {  	_ =	shalt  }
0x78: {  	_ =	shalt  }
0x79: {  	_ =	shalt  }
0x7a: {  	_ =	shalt  }
0x7b: {  	_ =	shalt  }
0x7c: {  	_ =	shalt  }
0x7d: {  	_ =	shalt  }
0x7e: {  	_ =	shalt  }
0x7f: {  	_ =	shalt  }
0x80: {  	_ =	shalt  }
0x81: {  	_ =	shalt  }
0x82: {  	_ =	shalt  }
0x83: {  	_ =	shalt  }
0x84: {  	_ =	shalt  }
0x85: {  	_ =	shalt  }
0x86: {  	_ =	shalt  }
0x87: {  	_ =	shalt  }
.Lfunc_end0:
.L_simem_size_0:
called_computation.4_lowered:
.L_overlay_start_0:
0x88: {  	s2 =	sld [smem:$0x3FD9]  }
0x89: {  	s3 =	sld [smem:$0x3FFE];
	_ =	sdelay $0x1  }
0x8a: {  	s1 =	srdreg.scid  }
0x8b: {  	s0 =	sand.u32 $0x1, s1  }
0x8c: {  	s14 =	sshll.u32 s0, $0xA;
	s2 =	sadd.s32 s3, s2  }
0x8d: {  	s2 =	sadd.s32 s2, s14  }
0x8e: {  	[smem:$0x3FC4] =	sst s2  }
0x8f: {  	_ = 	snop  }
0x90: {  	s2 =	sld [smem:$0x3FD0];
	_ =	sdelay $0x2  }
0x91: {  	s15 =	simm.s32 $0xB;
	s4 =	simm.s32 $0x10  }
0x92: {  	[smem:s4], [sflag:s15] =	dma.local [hbm:s2], $0x1  }
0x93: {  	_ =	swait.eq [sflag:s15], $0x1  }
0x94: {  	[sflag:s15] =	ssyncset.done $0x0  }
0x95: {  	s16 =	sld [smem:$0x10];
	[sflag:s15] =	ssyncadd.s32 $0xFFFFFFFF  }
0x96: {  	s17 =	sld [smem:$0x11];
	(tm) =	ssettm $0x1  }
0x97: {  	s18 =	sld [smem:$0x3FFB];
	_ =	sdelay $0x3  }
0x98: {  	_ =	strace s18  }
0x99: {  	s4 =	sld [smem:$0x3FFC];
	_ =	sdelay $0x3  }
0x9a: {  	_ =	strace s4  }
0x9b: {  	s4 =	sld [smem:$0x3FFD];
	_ =	sdelay $0x3  }
0x9c: {  	_ =	strace s4  }
0x9d: {  	_ =	strace $0x8FFFFFFF  }
0x9e: {  	s19 =	sld [smem:$0x3FDB];
	_ =	sdelay $0x1  }
0x9f: {  	s5 =	simm.s32 $_scs_section_size  }
0xa0: {  	s6 =	simm.s32 $_size__tile_overlayer_lowered;
	s7 =	simm.s32 $_tile_overlayer_lowered  }
0xa1: {  	s22 =	simm.s32 $0x1BFF;
	s21 =	sshll.u32 s7, $0x1;
	s4 =	sadd.s32 s5, s19  }
0xa2: {  	s8 =	simm.s32 $0x0;
	s20 =	sshll.u32 s6, $0x1;
	s6 =	sadd.s32 s21, s4  }
0xa3: {  	[timem:s8], [sflag:s22] =	dma.local [hbm:s6], s20  }
0xa4: {  	_ =	swait.ge [sflag:s22], s20  }
0xa5: {  	s5 =	ssub.s32 $0x0, s20;
	[sflag:s22] =	ssyncset.done $0x0  }
0xa6: {  	[sflag:s22] =	ssyncadd.s32 s5;
	_ =	sdelay $0x1  }
0xa7: {  	s23 =	simm.s32 $0x1B8B  }
0xa8: {  	_ =	swait.ge [sflag:s23], $0x1  }
0xa9: {  	[sflag:s23] =	ssyncset.done $0x0  }
0xaa: {  	s25 =	simm.s32 $0x1B8E;
	s24 =	sld [smem:$0x3FFE];
	[sflag:s23] =	ssyncadd.s32 $0xFFFFFFFF  }
0xab: {  	s26 =	simm.s32 $execute0_lowered;
	[smem:$0x3FD2] =	sst s25  }
0xac: {  	s6 =	sshll.u32 s26, $0x1;
	_ =	strace $0x80000046;
	[dreg:$0x1] =	wrdreg $0xFFFFFFFF  }
0xad: {  	s28 =	simm.s32 $_size_execute0_lowered;
	s4 =	sadd.s32 s4, s6;
	[dreg:$0x0] =	wrdreg $0x0  }
0xae: {  	s6 =	sshll.u32 s28, $0x1;
	[dreg:$0x2] =	wrdreg s4  }
0xaf: {  	[dreg:$0x3] =	wrdreg s6  }
0xb0: {  	[dreg:$0x4] =	wrdreg $0xC0  }
0xb1: {  	_ =	task [dreg:s8], $0x5FFFF  }
0xb2: {  	[dreg:$0x1] =	wrdreg $0xFFFFFFFF  }
0xb3: {  	[dreg:$0x0] =	wrdreg $0x60  }
0xb4: {  	[dreg:$0x2] =	wrdreg s24  }
0xb5: {  	[dreg:$0x3] =	wrdreg s16  }
0xb6: {  	[dreg:$0x4] =	wrdreg s17  }
0xb7: {  	[dreg:$0x5] =	wrdreg $0x9  }
0xb8: {  	_ =	task.clear_ibuf [dreg:s8], $0x6FFFF;
	_ =	strace $0x90000046  }
0xb9: {  	s29 =	simm.s32 $0x9;
	_ =	strace $0x80000048  }
0xba: {  	_ =	swait.ge [sflag:s29], $0x1  }
0xbb: {  	[sflag:s29] =	ssyncadd.s32 $0xFFFFFFFF  }
0xbc: {  	_ =	strace $0x90000048  }
0xbd: {  	_ =	sfence  }
0xbe: {  	s30 =	sld [smem:$0x0];
	_ =	sdelay $0x2  }
0xbf: {  	s31 =	sshll.u32 s1, $0xD;
	s1 =	sshrl.u32 s1, $0x2  }
0xc0: {  	s3 =	sand.u32 $0x4000, s31;
	s1 =	sadd.s32 s1, s30  }
0xc1: {  	s0 =	sor.u32 s3, s0;
	s1 =	sshll.u32 s1, $0x11  }
0xc2: {  	s0 =	sor.u32 s1, s0  }
0xc3: {  	s0 =	sadd.s32 $0x8F2B, s0  }
0xc4: {  	[sflag:s0] =	ssyncadd.remote.s32 $0x1  }
0xc5: {  	_ =	sfence.sel $0xFFFF  }
0xc6: {  	[dreg:$0x0] =	wrdreg $0xFFFFFFFF;
	(pc) =	sbr.abs _section_cstart, $3  }
0xc7: {  	[dreg:$0x1] =	wrdreg $0xFFFFFFFF  }
0xc8: {  	_ =	task.clear_ibuf [dreg:s8], $0x2FFFF;
	_ =	strace $0x9FFFFFFF  }
0xc9: {  	(tm) =	ssettm $0x7FFFFFFF  }
tec
execute0_lowered:
.L_overlay_start_1:
0x0: {  	(tag) =	ssettag $0x1  }
0x1: {  	s0 =	rddreg [dreg:$0x0]  }
0x2: {  	s1 =	rddreg [dreg:$0x1]  }
0x3: {  	s2 =	rddreg [dreg:$0x2];
	s3 =	simm.s32 $0x0  }
0x4: {  	s4 =	srdreg.scid;
	s7 =	stileid.u32;
	s12 =	simm.s32 $0x80  }
0x5: {  	s13 =	simm.s32 $0x400;
	s14 =	simm.s32 $0x1400;
	s15 =	simm.s32 $0x100  }
0x6: {  	s16 =	simm.s32 $0x2400;
	s17 =	simm.s32 $0x180;
	s18 =	simm.s32 $0x3400  }
0x7: {  	s19 =	simm.s32 $0x200;
	s20 =	simm.s32 $0x4400;
	s21 =	simm.s32 $0x280  }
0x8: {  	s22 =	simm.s32 $0x5400;
	s23 =	simm.s32 $0x300;
	s24 =	simm.s32 $0x6400  }
0x9: {  	s25 =	simm.s32 $0x380;
	s26 =	simm.s32 $0x7400;
	s28 =	simm.s32 $0x1  }
0xa: {  	[smem:$0x7FF] =	sst s3;
	s4 =	sand.u32 $0x1, s4;
	s5 =	sadd.s32 $0x1314A00, s0  }
.Ltmp0:
0xb: {  	s6 =	sadd.s32 $0xF44000, s0;
	s8 =	ssub.s32 $0x2, s4;
	(pc) =	sbr.rel .LBB2_1-.Ltmp0, $4  }
0xc: {  	s10 =	sshll.u32 s7, $0x1;
	s7 =	sadd.s32 $0x1AC00, s0;
	s9 =	sshrl.u32 s8, $0x1  }
0xd: {  	_ =	strace $0x80000047;
	s4 =	sor.u32 s4, s10;
	s11 =	ssub.s32 s8, s9  }
0xe: {  	s8 =	sadd.s32 $0x1C00, s0;
	s9 =	smul.u32 $0x6400, s4;
	s31 =	smax.u32 s11, $0x1  }
0xf: {  	v0 =	vimm.s32 $0x0;
	s4 =	simm.s32 $0x0;
	s11 =	simm.s32 $0x2;
	[dreg:$0x4] =	wrdreg s31  }
.LBB2_17:
0x10: {  	s4 =	rddreg [dreg:$0x5]  }
0x11: {  	s0 =	rddreg [dreg:$0x4];
	s4 =	sadd.s32 $0x1, s4  }
0x12: {  	p0 =	sne.s32 s4, s0  }
.Ltmp1:
0x13: {  	_ = 	snop;
	(pc) =	sbr.rel @!p0 .LBB2_18-.Ltmp1, $2  }
0x14: {  	_ =	sdelay $0x2  }
0x15: {  	s1 =	rddreg [dreg:$0x1]  }
.LBB2_1:
.Ltmp2:
0x16: {  	(pc) =	sbr.rel .LBB2_2-.Ltmp2, $2  }
0x17: {  	_ =	sdelay $0x2  }
0x18: {  	[dreg:$0x5] =	wrdreg s4;
	s31 =	simm.s32 $0x0  }
.LBB2_8:
0x19: {  	s31 =	sadd.s32 $0x1, s31  }
0x1a: {  	s0 =	sshll.u32 s30, $0x2;
	p0 =	sne.s32 s31, $0x19  }
.Ltmp3:
0x1b: {  	s30 =	simm.s32 $0x0;
	s0 =	sadd.s32 s1, s0;
	(pc) =	sbr.rel @!p0 .LBB2_9-.Ltmp3, $4  }
0x1c: {  	[hbm4b:s0+s30] =	stream.linear.scatter [tilespmem:s13], [sflag:$0x2], $0x8000, $0x38;
	[tilespmem:$0x8400] =	vst v63  }
0x1d: {  	_ =	swait.ge [sflag:s11], $0x8000  }
0x1e: {  	[sflag:s11] =	ssyncset.done $0x0  }
0x1f: {  	[sflag:s11] =	ssyncadd.s32 $0xFFFF8000  }
.LBB2_2:
0x20: {  	s0 =	sshll.u32 s31, $0xA  }
0x21: {  	s30 =	sadd.s32 s9, s0  }
0x22: {  	s0 =	sshrl.u32 s30, $0x3  }
0x23: {  	s4 =	simm.s32 $0x0;
	s0 =	sadd.s32 s7, s0  }
0x24: {  	[tilespmem:s4], [sflag:$0x2] =	stream.linear.gather [hbm4b:s0+s4], $0x400, $0x38;
	[tilespmem:$0x8400] =	vst v63  }
0x25: {  	_ =	swait.ge [sflag:s11], $0x400  }
0x26: {  	[sflag:s11] =	ssyncset.done $0x0  }
0x27: {  	[sflag:s11] =	ssyncadd.s32 $0xFFFFFC00  }
0x28: {  	[tilespmem:s13], [sflag:$0x1] =	stream.indirect.gather [hbm4b:s5+s12], $0x20, s4, s12, $0xb8;
	[tilespmem:$0x8400] =	vst v63  }
0x29: {  	_ = 	snop  }
0x2a: {  	[tilespmem:s14], [sflag:$0x1] =	stream.indirect.gather [hbm4b:s5+s12], $0x20, s12, s12, $0xb8;
	[tilespmem:$0x8400] =	vst v63  }
0x2b: {  	_ = 	snop  }
0x2c: {  	[tilespmem:s16], [sflag:$0x1] =	stream.indirect.gather [hbm4b:s5+s12], $0x20, s15, s12, $0xb8;
	[tilespmem:$0x8400] =	vst v63  }
0x2d: {  	_ = 	snop  }
0x2e: {  	[tilespmem:s18], [sflag:$0x1] =	stream.indirect.gather [hbm4b:s5+s12], $0x20, s17, s12, $0xb8;
	[tilespmem:$0x8400] =	vst v63  }
0x2f: {  	_ = 	snop  }
0x30: {  	[tilespmem:s20], [sflag:$0x1] =	stream.indirect.gather [hbm4b:s5+s12], $0x20, s19, s12, $0xb8;
	[tilespmem:$0x8400] =	vst v63  }
0x31: {  	_ = 	snop  }
0x32: {  	[tilespmem:s22], [sflag:$0x1] =	stream.indirect.gather [hbm4b:s5+s12], $0x20, s21, s12, $0xb8;
	[tilespmem:$0x8400] =	vst v63  }
0x33: {  	_ = 	snop  }
0x34: {  	[tilespmem:s24], [sflag:$0x1] =	stream.indirect.gather [hbm4b:s5+s12], $0x20, s23, s12, $0xb8;
	[tilespmem:$0x8400] =	vst v63  }
0x35: {  	_ = 	snop  }
0x36: {  	[tilespmem:s26], [sflag:$0x1] =	stream.indirect.gather [hbm4b:s5+s12], $0x20, s25, s12, $0xb8;
	[tilespmem:$0x8400] =	vst v63  }
0x37: {  	_ =	swait.ge [sflag:s28], $0x1000  }
0x38: {  	[sflag:s28] =	ssyncset.done $0x0  }
0x39: {  	[sflag:s28] =	ssyncadd.s32 $0xFFFFF000  }
0x3a: {  	_ =	swait.ge [sflag:s28], $0x1000  }
0x3b: {  	[sflag:s28] =	ssyncset.done $0x0  }
0x3c: {  	[sflag:s28] =	ssyncadd.s32 $0xFFFFF000  }
0x3d: {  	_ =	swait.ge [sflag:s28], $0x1000  }
0x3e: {  	[sflag:s28] =	ssyncset.done $0x0  }
0x3f: {  	[sflag:s28] =	ssyncadd.s32 $0xFFFFF000  }
0x40: {  	_ =	swait.ge [sflag:s28], $0x1000  }
0x41: {  	[sflag:s28] =	ssyncset.done $0x0  }
0x42: {  	[sflag:s28] =	ssyncadd.s32 $0xFFFFF000  }
0x43: {  	_ =	swait.ge [sflag:s28], $0x1000  }
0x44: {  	[sflag:s28] =	ssyncset.done $0x0  }
0x45: {  	[sflag:s28] =	ssyncadd.s32 $0xFFFFF000  }
0x46: {  	_ =	swait.ge [sflag:s28], $0x1000  }
0x47: {  	[sflag:s28] =	ssyncset.done $0x0  }
0x48: {  	[sflag:s28] =	ssyncadd.s32 $0xFFFFF000  }
0x49: {  	_ =	swait.ge [sflag:s28], $0x1000  }
0x4a: {  	[sflag:s28] =	ssyncset.done $0x0  }
0x4b: {  	[sflag:s28] =	ssyncadd.s32 $0xFFFFF000  }
0x4c: {  	s29 =	sand.u32 $0xE00, s4;
	_ =	swait.ge [sflag:s28], $0x1000  }
0x4d: {  	s0 =	sshrl.u32 s29, $0x2;
	s4 =	sand.u32 $0x70, s4;
	[sflag:s28] =	ssyncset.done $0x0  }
0x4e: {  	s4 =	sor.u32 s4, s0;
	[sflag:s28] =	ssyncadd.s32 $0xFFFFF000  }
0x4f: {  	v2 =	vld [tilespmem:s4+$0x0];
	_ =	sdelay $0x1  }
0x50: {  	v1 =	vimm.s32 $0x0;
	s0 =	simm.s32 $0x40;
	s4 =	simm.s32 $0x10  }
.LBB2_3:
0x51: {  	s10 =	sand.u32 $0xE00, s0;
	p0 =	sne.s32 s0, $0xFC0;
	s0 =	sadd.s32 $0x40, s0  }
.Ltmp4:
0x52: {  	s29 =	sand.u32 $0x70, s4;
	s10 =	sshrl.u32 s10, $0x2;
	(pc) =	sbr.rel @p0 .LBB2_3-.Ltmp4, $4  }
0x53: {  	s10 =	sor.u32 s29, s10;
	vm0 =	veq.s32 v2, $0x0  }
0x54: {  	v2 =	vld [tilespmem:s10+$0x0];
	v3 =	vsel vm0, $0x1, v0  }
0x55: {  	v1 =	vadd.s32 v3, v1  }
0x56: {  	s4 =	sadd.s32 $0x10, s4  }
0x57: {  	_ =	sdelay $0x1  }
0x58: {  	vm0 =	veq.s32 v2, $0x0  }
0x59: {  	v2 =	vsel vm0, $0x1, v0  }
0x5a: {  	v1 =	vadd.s32 v2, v1  }
0x5b: {  	(v2sf) =	vpush v1, $0x0  }
0x5c: {  	(v2sf) =	vpush v1, $0x1  }
0x5d: {  	(v2sf) =	vpush v1, $0x2  }
0x5e: {  	(v2sf) =	vpush v1, $0x3  }
0x5f: {  	(v2sf) =	vpush v1, $0x4  }
0x60: {  	(v2sf) =	vpush v1, $0x5  }
0x61: {  	(v2sf) =	vpush v1, $0x6  }
0x62: {  	(v2sf) =	vpush v1, $0x7  }
0x63: {  	(v2sf) =	vpush v1, $0x8  }
0x64: {  	(v2sf) =	vpush v1, $0x9  }
0x65: {  	(v2sf) =	vpush v1, $0xA  }
0x66: {  	(v2sf) =	vpush v1, $0xB  }
0x67: {  	(v2sf) =	vpush v1, $0xC  }
0x68: {  	(v2sf) =	vpush v1, $0xD  }
0x69: {  	(v2sf) =	vpush v1, $0xE  }
0x6a: {  	s0 =	spop (v2sf);
	(v2sf) =	vpush v1, $0xF  }
0x6b: {  	s4 =	spop (v2sf)  }
0x6c: {  	s0 =	sadd.s32 s4, s0;
	s10 =	spop (v2sf)  }
0x6d: {  	s0 =	sadd.s32 s10, s0;
	s29 =	spop (v2sf)  }
0x6e: {  	s0 =	sadd.s32 s29, s0;
	s10 =	spop (v2sf)  }
0x6f: {  	s0 =	sadd.s32 s10, s0;
	s29 =	spop (v2sf)  }
0x70: {  	s0 =	sadd.s32 s29, s0;
	s10 =	spop (v2sf)  }
0x71: {  	s0 =	sadd.s32 s10, s0;
	s29 =	spop (v2sf)  }
0x72: {  	s0 =	sadd.s32 s29, s0;
	s10 =	spop (v2sf)  }
0x73: {  	s0 =	sadd.s32 s10, s0;
	s29 =	spop (v2sf)  }
0x74: {  	s0 =	sadd.s32 s29, s0;
	s10 =	spop (v2sf)  }
0x75: {  	s0 =	sadd.s32 s10, s0;
	s29 =	spop (v2sf)  }
0x76: {  	s0 =	sadd.s32 s29, s0;
	s10 =	spop (v2sf)  }
0x77: {  	s0 =	sadd.s32 s10, s0;
	s29 =	spop (v2sf)  }
0x78: {  	s0 =	sadd.s32 s29, s0;
	s10 =	spop (v2sf)  }
0x79: {  	s0 =	sadd.s32 s10, s0;
	s29 =	spop (v2sf)  }
0x7a: {  	s0 =	sadd.s32 s29, s0  }
0x7b: {  	p0 =	slt.s32 s0, $0x1  }
.Ltmp5:
0x7c: {  	_ = 	snop;
	(pc) =	sbr.rel @p0 .LBB2_8-.Ltmp5, $1  }
0x7d: {  	_ =	sdelay $0x3  }
0x7e: {  	s0 =	simm.s32 $0x0  }
0x7f: {  	s0 =	sand.u32 $0x3F0, s0  }
0x80: {  	v1 =	vld [tilespmem:s0+$0x0];
	_ =	sdelay $0x4  }
0x81: {  	vm0 =	veq.s32 v1, $0x0  }
0x82: {  	v1 =	vsel vm0, $0x1, v0  }
0x83: {  	(v2sf) =	vpush v1, $0x0;
	_ =	sdelay $0x1  }
0x84: {  	(v2sf) =	vpush v1, $0x1;
	_ =	sdelay $0x1  }
0x85: {  	(v2sf) =	vpush v1, $0x2;
	_ =	sdelay $0x1  }
0x86: {  	(v2sf) =	vpush v1, $0x3;
	_ =	sdelay $0x1  }
0x87: {  	(v2sf) =	vpush v1, $0x4;
	_ =	sdelay $0x1  }
0x88: {  	(v2sf) =	vpush v1, $0x5;
	_ =	sdelay $0x1  }
0x89: {  	(v2sf) =	vpush v1, $0x6;
	_ =	sdelay $0x1  }
0x8a: {  	(v2sf) =	vpush v1, $0x7  }
0x8b: {  	s4 =	spop (v2sf)  }
0x8c: {  	(v2sf) =	vpush v1, $0x8;
	p0 =	seq.s32 s4, $0x0  }
0x8d: {  	s0 =	simm.s32 $0x500;
	s4 =	spop (v2sf);
	v2 =	vimm.f32 @!p0 $0.0e+00  }
0x8e: {  	(v2sf) =	vpush v1, $0x9;
	p1 =	seq.s32 s4, $0x0;
	[tilespmem:s0+$0xFFFFFF00] =	vst @!p0 v2  }
0x8f: {  	s10 =	spop (v2sf);
	v3 =	vimm.f32 @!p1 $0.0e+00;
	[tilespmem:s0+$0xFFFFFF10] =	vst @!p0 v2  }
0x90: {  	(v2sf) =	vpush v1, $0xA;
	p0 =	seq.s32 s10, $0x0;
	[tilespmem:s0+$0xFFFFFF20] =	vst @!p1 v3  }
0x91: {  	s29 =	spop (v2sf);
	v2 =	vimm.f32 @!p0 $0.0e+00;
	[tilespmem:s0+$0xFFFFFF30] =	vst @!p1 v3  }
0x92: {  	(v2sf) =	vpush v1, $0xB;
	p1 =	seq.s32 s29, $0x0;
	[tilespmem:s0+$0xFFFFFF40] =	vst @!p0 v2  }
0x93: {  	s10 =	spop (v2sf);
	v3 =	vimm.f32 @!p1 $0.0e+00;
	[tilespmem:s0+$0xFFFFFF50] =	vst @!p0 v2  }
0x94: {  	(v2sf) =	vpush v1, $0xC;
	p0 =	seq.s32 s10, $0x0;
	[tilespmem:s0+$0xFFFFFF60] =	vst @!p1 v3  }
0x95: {  	s29 =	spop (v2sf);
	v2 =	vimm.f32 @!p0 $0.0e+00;
	[tilespmem:s0+$0xFFFFFF70] =	vst @!p1 v3  }
0x96: {  	(v2sf) =	vpush v1, $0xD;
	p1 =	seq.s32 s29, $0x0;
	[tilespmem:s0+$0xFFFFFF80] =	vst @!p0 v2  }
0x97: {  	s10 =	spop (v2sf);
	v3 =	vimm.f32 @!p1 $0.0e+00;
	[tilespmem:s0+$0xFFFFFF90] =	vst @!p0 v2  }
0x98: {  	(v2sf) =	vpush v1, $0xE;
	p0 =	seq.s32 s10, $0x0;
	[tilespmem:s0+$0xFFFFFFA0] =	vst @!p1 v3  }
0x99: {  	s29 =	spop (v2sf);
	v2 =	vimm.f32 @!p0 $0.0e+00;
	[tilespmem:s0+$0xFFFFFFB0] =	vst @!p1 v3  }
0x9a: {  	(v2sf) =	vpush v1, $0xF;
	p1 =	seq.s32 s29, $0x0;
	[tilespmem:s0+$0xFFFFFFC0] =	vst @!p0 v2  }
0x9b: {  	v1 =	vimm.f32 @!p1 $0.0e+00;
	[tilespmem:s0+$0xFFFFFFD0] =	vst @!p0 v2;
	s10 =	spop (v2sf)  }
0x9c: {  	[tilespmem:s0+$0xFFFFFFE0] =	vst @!p1 v1;
	p0 =	seq.s32 s10, $0x0  }
0x9d: {  	[tilespmem:s0+$0xFFFFFFF0] =	vst @!p1 v1;
	s29 =	spop (v2sf);
	v2 =	vimm.f32 @!p0 $0.0e+00  }
0x9e: {  	p1 =	seq.s32 s29, $0x0;
	[tilespmem:s0+$0x0] =	vst @!p0 v2  }
0x9f: {  	s10 =	spop (v2sf);
	v1 =	vimm.f32 @!p1 $0.0e+00;
	[tilespmem:s0+$0x10] =	vst @!p0 v2  }
0xa0: {  	p0 =	seq.s32 s10, $0x0;
	[tilespmem:s0+$0x20] =	vst @!p1 v1  }
0xa1: {  	s29 =	spop (v2sf);
	v2 =	vimm.f32 @!p0 $0.0e+00;
	[tilespmem:s0+$0x30] =	vst @!p1 v1  }
0xa2: {  	p1 =	seq.s32 s29, $0x0;
	[tilespmem:s0+$0x40] =	vst @!p0 v2  }
0xa3: {  	s10 =	spop (v2sf);
	v1 =	vimm.f32 @!p1 $0.0e+00;
	[tilespmem:s0+$0x50] =	vst @!p0 v2  }
0xa4: {  	p0 =	seq.s32 s10, $0x0;
	[tilespmem:s0+$0x60] =	vst @!p1 v1  }
0xa5: {  	s29 =	spop (v2sf);
	v2 =	vimm.f32 @!p0 $0.0e+00;
	[tilespmem:s0+$0x70] =	vst @!p1 v1  }
0xa6: {  	p1 =	seq.s32 s29, $0x0;
	[tilespmem:s0+$0x80] =	vst @!p0 v2  }
0xa7: {  	s10 =	spop (v2sf);
	v1 =	vimm.f32 @!p1 $0.0e+00;
	[tilespmem:s0+$0x90] =	vst @!p0 v2  }
0xa8: {  	p0 =	seq.s32 s10, $0x0;
	[tilespmem:s0+$0xA0] =	vst @!p1 v1  }
0xa9: {  	s29 =	spop (v2sf);
	v2 =	vimm.f32 @!p0 $0.0e+00;
	[tilespmem:s0+$0xB0] =	vst @!p1 v1  }
0xaa: {  	p1 =	seq.s32 s29, $0x0;
	[tilespmem:s0+$0xC0] =	vst @!p0 v2  }
0xab: {  	[tilespmem:s0+$0xD0] =	vst @!p0 v2;
	v1 =	vimm.f32 @!p1 $0.0e+00  }
0xac: {  	s4 =	simm.s32 $0x10;
	[tilespmem:s0+$0xE0] =	vst @!p1 v1  }
.LBB2_6:
0xad: {  	s10 =	sand.u32 $0x3F0, s4;
	[tilespmem:s0+$0xF0] =	vst @!p1 v1  }
0xae: {  	v1 =	vld [tilespmem:s10+$0x0];
	_ =	sdelay $0x4  }
0xaf: {  	vm0 =	veq.s32 v1, $0x0  }
0xb0: {  	v1 =	vsel vm0, $0x1, v0  }
0xb1: {  	(v2sf) =	vpush v1, $0x0  }
0xb2: {  	(v2sf) =	vpush v1, $0x1  }
0xb3: {  	(v2sf) =	vpush v1, $0x2  }
0xb4: {  	(v2sf) =	vpush v1, $0x3  }
0xb5: {  	(v2sf) =	vpush v1, $0x4  }
0xb6: {  	(v2sf) =	vpush v1, $0x5  }
0xb7: {  	(v2sf) =	vpush v1, $0x6  }
0xb8: {  	(v2sf) =	vpush v1, $0x7;
	_ =	sdelay $0x2  }
0xb9: {  	(v2sf) =	vpush v1, $0x8  }
0xba: {  	(v2sf) =	vpush v1, $0x9  }
0xbb: {  	(v2sf) =	vpush v1, $0xA  }
0xbc: {  	(v2sf) =	vpush v1, $0xB  }
0xbd: {  	s4 =	sadd.s32 $0x10, s4;
	(v2sf) =	vpush v1, $0xC  }
0xbe: {  	s0 =	sadd.s32 $0x200, s0;
	p0 =	sne.s32 s4, $0x400;
	(v2sf) =	vpush v1, $0xD;
	s29 =	spop (v2sf)  }
0xbf: {  	s10 =	simm.s32 @!p0 $0x0;
	(v2sf) =	vpush v1, $0xE;
	p1 =	seq.s32 s29, $0x0;
	s29 =	spop (v2sf)  }
0xc0: {  	s10 =	simm.s32 @p0 $0x1;
	(v2sf) =	vpush v1, $0xF;
	v1 =	vimm.f32 @!p1 $0.0e+00;
	p0 =	seq.s32 s29, $0x0;
	s29 =	spop (v2sf)  }
0xc1: {  	[tilespmem:s0+$0xFFFFFF00] =	vst @!p1 v1;
	p4 =	seq.s32 s29, $0x0;
	s29 =	spop (v2sf)  }
0xc2: {  	v2 =	vimm.f32 @!p0 $0.0e+00;
	[tilespmem:s0+$0xFFFFFF10] =	vst @!p1 v1;
	p3 =	seq.s32 s29, $0x0;
	s29 =	spop (v2sf)  }
0xc3: {  	[tilespmem:s0+$0xFFFFFF20] =	vst @!p0 v2;
	p2 =	seq.s32 s29, $0x0;
	s29 =	spop (v2sf)  }
0xc4: {  	v1 =	vimm.f32 @!p4 $0.0e+00;
	[tilespmem:s0+$0xFFFFFF30] =	vst @!p0 v2;
	p0 =	seq.s32 s29, $0x0;
	s29 =	spop (v2sf)  }
0xc5: {  	[tilespmem:s0+$0xFFFFFF40] =	vst @!p4 v1;
	p1 =	seq.s32 s29, $0x0;
	s29 =	spop (v2sf)  }
0xc6: {  	[tilespmem:s0+$0xFFFFFF50] =	vst @!p4 v1;
	p4 =	seq.s32 s29, $0x0  }
0xc7: {  	[smem:$0x7FD] =	sst s10;
	s10 =	simm.s32 @!p4 $0x0  }
0xc8: {  	v3 =	vimm.f32 @!p3 $0.0e+00;
	s29 =	spop (v2sf);
	s10 =	simm.s32 @p4 $0x1  }
0xc9: {  	[tilespmem:s0+$0xFFFFFF60] =	vst @!p3 v3;
	v5 =	vimm.f32 @!p4 $0.0e+00;
	p4 =	seq.s32 s29, $0x0;
	s29 =	spop (v2sf);
	[smem:$0x7FA] =	sst s10  }
0xca: {  	v2 =	vimm.f32 @!p2 $0.0e+00;
	[tilespmem:s0+$0xFFFFFF70] =	vst @!p3 v3;
	s10 =	simm.s32 @!p4 $0x0;
	p3 =	seq.s32 s29, $0x0;
	s29 =	spop (v2sf)  }
0xcb: {  	[tilespmem:s0+$0xFFFFFF80] =	vst @!p2 v2;
	s10 =	simm.s32 @p4 $0x1;
	p5 =	seq.s32 s29, $0x0;
	s29 =	spop (v2sf)  }
0xcc: {  	v4 =	vimm.f32 @!p0 $0.0e+00;
	[tilespmem:s0+$0xFFFFFF90] =	vst @!p2 v2;
	[smem:$0x7FB] =	sst s10;
	p6 =	seq.s32 s29, $0x0;
	s29 =	spop (v2sf)  }
0xcd: {  	[tilespmem:s0+$0xFFFFFFA0] =	vst @!p0 v4;
	v3 =	vimm.f32 @!p4 $0.0e+00;
	s10 =	simm.s32 @!p3 $0x0;
	p4 =	seq.s32 s29, $0x0;
	s29 =	spop (v2sf)  }
0xce: {  	v1 =	vimm.f32 @!p1 $0.0e+00;
	[tilespmem:s0+$0xFFFFFFB0] =	vst @!p0 v4;
	v6 =	vimm.f32 @!p3 $0.0e+00;
	s10 =	simm.s32 @p3 $0x1;
	p3 =	seq.s32 s29, $0x0;
	s29 =	spop (v2sf)  }
0xcf: {  	[tilespmem:s0+$0xFFFFFFC0] =	vst @!p1 v1;
	p2 =	seq.s32 s29, $0x0;
	s29 =	spop (v2sf)  }
0xd0: {  	[tilespmem:s0+$0xFFFFFFD0] =	vst @!p1 v1;
	v2 =	vimm.f32 @!p5 $0.0e+00;
	p1 =	seq.s32 s29, $0x0;
	s29 =	sld [smem:$0x7FA]  }
0xd1: {  	[tilespmem:s0+$0x40] =	vst @!p5 v2  }
0xd2: {  	v7 =	vimm.f32 @!p6 $0.0e+00;
	[tilespmem:s0+$0x50] =	vst @!p5 v2  }
0xd3: {  	[tilespmem:s0+$0x60] =	vst @!p6 v7;
	p0 =	seq.s32 s29, $0x1;
	s29 =	sld [smem:$0x7FB]  }
0xd4: {  	[tilespmem:s0+$0x70] =	vst @!p6 v7  }
0xd5: {  	[smem:$0x7FC] =	sst s10;
	[tilespmem:s0+$0xFFFFFFE0] =	vst @!p0 v5  }
0xd6: {  	v4 =	vimm.f32 @!p4 $0.0e+00;
	[tilespmem:s0+$0xFFFFFFF0] =	vst @!p0 v5;
	p0 =	seq.s32 s29, $0x1;
	s29 =	sld [smem:$0x7FC]  }
0xd7: {  	[tilespmem:s0+$0x80] =	vst @!p4 v4  }
0xd8: {  	[tilespmem:s0+$0x0] =	vst @!p0 v3  }
0xd9: {  	[tilespmem:s0+$0x10] =	vst @!p0 v3;
	p0 =	seq.s32 s29, $0x1;
	s29 =	sld [smem:$0x7FD]  }
0xda: {  	[tilespmem:s0+$0x90] =	vst @!p4 v4  }
0xdb: {  	[tilespmem:s0+$0x20] =	vst @!p0 v6  }
0xdc: {  	v8 =	vimm.f32 @!p3 $0.0e+00;
	[tilespmem:s0+$0x30] =	vst @!p0 v6;
	p0 =	seq.s32 s29, $0x1  }
.Ltmp6:
0xdd: {  	[tilespmem:s0+$0xA0] =	vst @!p3 v8;
	(pc) =	sbr.rel @p0 .LBB2_6-.Ltmp6, $4  }
0xde: {  	v9 =	vimm.f32 @!p2 $0.0e+00;
	[tilespmem:s0+$0xB0] =	vst @!p3 v8  }
0xdf: {  	[tilespmem:s0+$0xC0] =	vst @!p2 v9  }
0xe0: {  	v1 =	vimm.f32 @!p1 $0.0e+00;
	[tilespmem:s0+$0xD0] =	vst @!p2 v9  }
0xe1: {  	[tilespmem:s0+$0xE0] =	vst @!p1 v1  }
.Ltmp7:
0xe2: {  	(pc) =	sbr.rel .LBB2_8-.Ltmp7, $2  }
0xe3: {  	_ =	sdelay $0x2  }
0xe4: {  	[tilespmem:s0+$0xF0] =	vst @!p1 v1  }
.LBB2_9:
.Ltmp8:
0xe5: {  	(pc) =	sbr.rel .LBB2_10-.Ltmp8, $2  }
0xe6: {  	_ =	sdelay $0x2  }
0xe7: {  	s31 =	simm.s32 $0x0  }
.LBB2_16:
0xe8: {  	s31 =	sadd.s32 $0x1, s31  }
0xe9: {  	s0 =	sshll.u32 s0, $0x2;
	p0 =	sne.s32 s31, $0x19  }
.Ltmp9:
0xea: {  	s0 =	sadd.s32 s2, s0;
	(pc) =	sbr.rel @!p0 .LBB2_17-.Ltmp9, $4  }
0xeb: {  	[hbm4b:s0+s3] =	stream.linear.scatter [tilespmem:s13], [sflag:$0x2], $0x8000, $0x38;
	[tilespmem:$0x8400] =	vst v63  }
0xec: {  	_ =	swait.ge [sflag:s11], $0x8000  }
0xed: {  	[sflag:s11] =	ssyncset.done $0x0  }
0xee: {  	[sflag:s11] =	ssyncadd.s32 $0xFFFF8000  }
.LBB2_10:
0xef: {  	s0 =	sshll.u32 s31, $0xA  }
0xf0: {  	s0 =	sadd.s32 s9, s0  }
0xf1: {  	s4 =	sshrl.u32 s0, $0x3  }
0xf2: {  	s4 =	sadd.s32 s8, s4  }
0xf3: {  	[tilespmem:s30], [sflag:$0x2] =	stream.linear.gather [hbm4b:s4+s30], $0x400, $0x38;
	[tilespmem:$0x8400] =	vst v63  }
0xf4: {  	_ =	swait.ge [sflag:s11], $0x400  }
0xf5: {  	[sflag:s11] =	ssyncset.done $0x0  }
0xf6: {  	[sflag:s11] =	ssyncadd.s32 $0xFFFFFC00  }
0xf7: {  	[tilespmem:s13], [sflag:$0x1] =	stream.indirect.gather [hbm4b:s6+s12], $0x20, s30, s12, $0xb8;
	[tilespmem:$0x8400] =	vst v63  }
0xf8: {  	_ = 	snop  }
0xf9: {  	[tilespmem:s14], [sflag:$0x1] =	stream.indirect.gather [hbm4b:s6+s12], $0x20, s12, s12, $0xb8;
	[tilespmem:$0x8400] =	vst v63  }
0xfa: {  	_ = 	snop  }
0xfb: {  	[tilespmem:s16], [sflag:$0x1] =	stream.indirect.gather [hbm4b:s6+s12], $0x20, s15, s12, $0xb8;
	[tilespmem:$0x8400] =	vst v63  }
0xfc: {  	_ = 	snop  }
0xfd: {  	[tilespmem:s18], [sflag:$0x1] =	stream.indirect.gather [hbm4b:s6+s12], $0x20, s17, s12, $0xb8;
	[tilespmem:$0x8400] =	vst v63  }
0xfe: {  	_ = 	snop  }
0xff: {  	[tilespmem:s20], [sflag:$0x1] =	stream.indirect.gather [hbm4b:s6+s12], $0x20, s19, s12, $0xb8;
	[tilespmem:$0x8400] =	vst v63  }
0x100: {  	_ = 	snop  }
0x101: {  	[tilespmem:s22], [sflag:$0x1] =	stream.indirect.gather [hbm4b:s6+s12], $0x20, s21, s12, $0xb8;
	[tilespmem:$0x8400] =	vst v63  }
0x102: {  	_ = 	snop  }
0x103: {  	[tilespmem:s24], [sflag:$0x1] =	stream.indirect.gather [hbm4b:s6+s12], $0x20, s23, s12, $0xb8;
	[tilespmem:$0x8400] =	vst v63  }
0x104: {  	_ = 	snop  }
0x105: {  	[tilespmem:s26], [sflag:$0x1] =	stream.indirect.gather [hbm4b:s6+s12], $0x20, s25, s12, $0xb8;
	[tilespmem:$0x8400] =	vst v63  }
0x106: {  	_ =	swait.ge [sflag:s28], $0x1000  }
0x107: {  	[sflag:s28] =	ssyncset.done $0x0  }
0x108: {  	[sflag:s28] =	ssyncadd.s32 $0xFFFFF000  }
0x109: {  	_ =	swait.ge [sflag:s28], $0x1000  }
0x10a: {  	[sflag:s28] =	ssyncset.done $0x0  }
0x10b: {  	[sflag:s28] =	ssyncadd.s32 $0xFFFFF000  }
0x10c: {  	_ =	swait.ge [sflag:s28], $0x1000  }
0x10d: {  	[sflag:s28] =	ssyncset.done $0x0  }
0x10e: {  	[sflag:s28] =	ssyncadd.s32 $0xFFFFF000  }
0x10f: {  	_ =	swait.ge [sflag:s28], $0x1000  }
0x110: {  	[sflag:s28] =	ssyncset.done $0x0  }
0x111: {  	[sflag:s28] =	ssyncadd.s32 $0xFFFFF000  }
0x112: {  	_ =	swait.ge [sflag:s28], $0x1000  }
0x113: {  	[sflag:s28] =	ssyncset.done $0x0  }
0x114: {  	[sflag:s28] =	ssyncadd.s32 $0xFFFFF000  }
0x115: {  	_ =	swait.ge [sflag:s28], $0x1000  }
0x116: {  	[sflag:s28] =	ssyncset.done $0x0  }
0x117: {  	[sflag:s28] =	ssyncadd.s32 $0xFFFFF000  }
0x118: {  	_ =	swait.ge [sflag:s28], $0x1000  }
0x119: {  	[sflag:s28] =	ssyncset.done $0x0  }
0x11a: {  	[sflag:s28] =	ssyncadd.s32 $0xFFFFF000  }
0x11b: {  	s29 =	sand.u32 $0xE00, s30;
	_ =	swait.ge [sflag:s28], $0x1000  }
0x11c: {  	s10 =	sand.u32 $0x70, s30;
	s4 =	sshrl.u32 s29, $0x2;
	[sflag:s28] =	ssyncset.done $0x0  }
0x11d: {  	s10 =	sor.u32 s10, s4;
	[sflag:s28] =	ssyncadd.s32 $0xFFFFF000  }
0x11e: {  	v2 =	vld [tilespmem:s10+$0x0];
	_ =	sdelay $0x1  }
0x11f: {  	v1 =	vimm.s32 $0x0;
	s4 =	simm.s32 $0x40;
	s10 =	simm.s32 $0x10  }
.LBB2_11:
0x120: {  	s29 =	sand.u32 $0xE00, s4;
	p0 =	sne.s32 s4, $0xFC0;
	s4 =	sadd.s32 $0x40, s4  }
.Ltmp10:
0x121: {  	s1 =	sand.u32 $0x70, s10;
	s29 =	sshrl.u32 s29, $0x2;
	(pc) =	sbr.rel @p0 .LBB2_11-.Ltmp10, $4  }
0x122: {  	s1 =	sor.u32 s1, s29;
	vm0 =	veq.s32 v2, $0x0  }
0x123: {  	v2 =	vld [tilespmem:s1+$0x0];
	v3 =	vsel vm0, $0x1, v0  }
0x124: {  	v1 =	vadd.s32 v3, v1  }
0x125: {  	s10 =	sadd.s32 $0x10, s10  }
0x126: {  	_ =	sdelay $0x1  }
0x127: {  	vm0 =	veq.s32 v2, $0x0  }
0x128: {  	v2 =	vsel vm0, $0x1, v0  }
0x129: {  	v1 =	vadd.s32 v2, v1  }
0x12a: {  	(v2sf) =	vpush v1, $0x0  }
0x12b: {  	(v2sf) =	vpush v1, $0x1  }
0x12c: {  	(v2sf) =	vpush v1, $0x2  }
0x12d: {  	(v2sf) =	vpush v1, $0x3  }
0x12e: {  	(v2sf) =	vpush v1, $0x4  }
0x12f: {  	(v2sf) =	vpush v1, $0x5  }
0x130: {  	(v2sf) =	vpush v1, $0x6  }
0x131: {  	(v2sf) =	vpush v1, $0x7  }
0x132: {  	(v2sf) =	vpush v1, $0x8  }
0x133: {  	(v2sf) =	vpush v1, $0x9  }
0x134: {  	(v2sf) =	vpush v1, $0xA  }
0x135: {  	(v2sf) =	vpush v1, $0xB  }
0x136: {  	(v2sf) =	vpush v1, $0xC  }
0x137: {  	(v2sf) =	vpush v1, $0xD  }
0x138: {  	(v2sf) =	vpush v1, $0xE  }
0x139: {  	s1 =	spop (v2sf);
	(v2sf) =	vpush v1, $0xF  }
0x13a: {  	s4 =	spop (v2sf)  }
0x13b: {  	s1 =	sadd.s32 s4, s1;
	s10 =	spop (v2sf)  }
0x13c: {  	s1 =	sadd.s32 s10, s1;
	s29 =	spop (v2sf)  }
0x13d: {  	s1 =	sadd.s32 s29, s1;
	s10 =	spop (v2sf)  }
0x13e: {  	s1 =	sadd.s32 s10, s1;
	s29 =	spop (v2sf)  }
0x13f: {  	s1 =	sadd.s32 s29, s1;
	s10 =	spop (v2sf)  }
0x140: {  	s1 =	sadd.s32 s10, s1;
	s29 =	spop (v2sf)  }
0x141: {  	s1 =	sadd.s32 s29, s1;
	s10 =	spop (v2sf)  }
0x142: {  	s1 =	sadd.s32 s10, s1;
	s29 =	spop (v2sf)  }
0x143: {  	s1 =	sadd.s32 s29, s1;
	s10 =	spop (v2sf)  }
0x144: {  	s1 =	sadd.s32 s10, s1;
	s29 =	spop (v2sf)  }
0x145: {  	s1 =	sadd.s32 s29, s1;
	s10 =	spop (v2sf)  }
0x146: {  	s1 =	sadd.s32 s10, s1;
	s29 =	spop (v2sf)  }
0x147: {  	s1 =	sadd.s32 s29, s1;
	s10 =	spop (v2sf)  }
0x148: {  	s1 =	sadd.s32 s10, s1;
	s29 =	spop (v2sf)  }
0x149: {  	s1 =	sadd.s32 s29, s1  }
0x14a: {  	p0 =	slt.s32 s1, $0x1  }
.Ltmp11:
0x14b: {  	_ = 	snop;
	(pc) =	sbr.rel @p0 .LBB2_16-.Ltmp11, $1  }
0x14c: {  	_ =	sdelay $0x3  }
0x14d: {  	s1 =	simm.s32 $0x0  }
0x14e: {  	s1 =	sand.u32 $0x3F0, s1  }
0x14f: {  	v1 =	vld [tilespmem:s1+$0x0];
	_ =	sdelay $0x4  }
0x150: {  	vm0 =	veq.s32 v1, $0x0  }
0x151: {  	v1 =	vsel vm0, $0x1, v0  }
0x152: {  	(v2sf) =	vpush v1, $0x0;
	_ =	sdelay $0x1  }
0x153: {  	(v2sf) =	vpush v1, $0x1;
	_ =	sdelay $0x1  }
0x154: {  	(v2sf) =	vpush v1, $0x2;
	_ =	sdelay $0x1  }
0x155: {  	(v2sf) =	vpush v1, $0x3;
	_ =	sdelay $0x1  }
0x156: {  	(v2sf) =	vpush v1, $0x4;
	_ =	sdelay $0x1  }
0x157: {  	(v2sf) =	vpush v1, $0x5;
	_ =	sdelay $0x1  }
0x158: {  	(v2sf) =	vpush v1, $0x6;
	_ =	sdelay $0x1  }
0x159: {  	(v2sf) =	vpush v1, $0x7  }
0x15a: {  	s10 =	spop (v2sf)  }
0x15b: {  	(v2sf) =	vpush v1, $0x8;
	p0 =	seq.s32 s10, $0x0  }
0x15c: {  	s4 =	simm.s32 $0x500;
	s29 =	spop (v2sf);
	v2 =	vimm.f32 @!p0 $0.0e+00  }
0x15d: {  	(v2sf) =	vpush v1, $0x9;
	p1 =	seq.s32 s29, $0x0;
	[tilespmem:s4+$0xFFFFFF00] =	vst @!p0 v2  }
0x15e: {  	s10 =	spop (v2sf);
	v3 =	vimm.f32 @!p1 $0.0e+00;
	[tilespmem:s4+$0xFFFFFF10] =	vst @!p0 v2  }
0x15f: {  	(v2sf) =	vpush v1, $0xA;
	p0 =	seq.s32 s10, $0x0;
	[tilespmem:s4+$0xFFFFFF20] =	vst @!p1 v3  }
0x160: {  	s29 =	spop (v2sf);
	v2 =	vimm.f32 @!p0 $0.0e+00;
	[tilespmem:s4+$0xFFFFFF30] =	vst @!p1 v3  }
0x161: {  	(v2sf) =	vpush v1, $0xB;
	p1 =	seq.s32 s29, $0x0;
	[tilespmem:s4+$0xFFFFFF40] =	vst @!p0 v2  }
0x162: {  	s10 =	spop (v2sf);
	v3 =	vimm.f32 @!p1 $0.0e+00;
	[tilespmem:s4+$0xFFFFFF50] =	vst @!p0 v2  }
0x163: {  	(v2sf) =	vpush v1, $0xC;
	p0 =	seq.s32 s10, $0x0;
	[tilespmem:s4+$0xFFFFFF60] =	vst @!p1 v3  }
0x164: {  	s29 =	spop (v2sf);
	v2 =	vimm.f32 @!p0 $0.0e+00;
	[tilespmem:s4+$0xFFFFFF70] =	vst @!p1 v3  }
0x165: {  	(v2sf) =	vpush v1, $0xD;
	p1 =	seq.s32 s29, $0x0;
	[tilespmem:s4+$0xFFFFFF80] =	vst @!p0 v2  }
0x166: {  	s10 =	spop (v2sf);
	v3 =	vimm.f32 @!p1 $0.0e+00;
	[tilespmem:s4+$0xFFFFFF90] =	vst @!p0 v2  }
0x167: {  	(v2sf) =	vpush v1, $0xE;
	p0 =	seq.s32 s10, $0x0;
	[tilespmem:s4+$0xFFFFFFA0] =	vst @!p1 v3  }
0x168: {  	s29 =	spop (v2sf);
	v2 =	vimm.f32 @!p0 $0.0e+00;
	[tilespmem:s4+$0xFFFFFFB0] =	vst @!p1 v3  }
0x169: {  	(v2sf) =	vpush v1, $0xF;
	p1 =	seq.s32 s29, $0x0;
	[tilespmem:s4+$0xFFFFFFC0] =	vst @!p0 v2  }
0x16a: {  	v1 =	vimm.f32 @!p1 $0.0e+00;
	[tilespmem:s4+$0xFFFFFFD0] =	vst @!p0 v2;
	s10 =	spop (v2sf)  }
0x16b: {  	[tilespmem:s4+$0xFFFFFFE0] =	vst @!p1 v1;
	p0 =	seq.s32 s10, $0x0  }
0x16c: {  	[tilespmem:s4+$0xFFFFFFF0] =	vst @!p1 v1;
	s29 =	spop (v2sf);
	v2 =	vimm.f32 @!p0 $0.0e+00  }
0x16d: {  	p1 =	seq.s32 s29, $0x0;
	[tilespmem:s4+$0x0] =	vst @!p0 v2  }
0x16e: {  	s10 =	spop (v2sf);
	v1 =	vimm.f32 @!p1 $0.0e+00;
	[tilespmem:s4+$0x10] =	vst @!p0 v2  }
0x16f: {  	p0 =	seq.s32 s10, $0x0;
	[tilespmem:s4+$0x20] =	vst @!p1 v1  }
0x170: {  	s29 =	spop (v2sf);
	v2 =	vimm.f32 @!p0 $0.0e+00;
	[tilespmem:s4+$0x30] =	vst @!p1 v1  }
0x171: {  	p1 =	seq.s32 s29, $0x0;
	[tilespmem:s4+$0x40] =	vst @!p0 v2  }
0x172: {  	s10 =	spop (v2sf);
	v1 =	vimm.f32 @!p1 $0.0e+00;
	[tilespmem:s4+$0x50] =	vst @!p0 v2  }
0x173: {  	p0 =	seq.s32 s10, $0x0;
	[tilespmem:s4+$0x60] =	vst @!p1 v1  }
0x174: {  	s29 =	spop (v2sf);
	v2 =	vimm.f32 @!p0 $0.0e+00;
	[tilespmem:s4+$0x70] =	vst @!p1 v1  }
0x175: {  	p1 =	seq.s32 s29, $0x0;
	[tilespmem:s4+$0x80] =	vst @!p0 v2  }
0x176: {  	s10 =	spop (v2sf);
	v1 =	vimm.f32 @!p1 $0.0e+00;
	[tilespmem:s4+$0x90] =	vst @!p0 v2  }
0x177: {  	p0 =	seq.s32 s10, $0x0;
	[tilespmem:s4+$0xA0] =	vst @!p1 v1  }
0x178: {  	s29 =	spop (v2sf);
	v2 =	vimm.f32 @!p0 $0.0e+00;
	[tilespmem:s4+$0xB0] =	vst @!p1 v1  }
0x179: {  	p1 =	seq.s32 s29, $0x0;
	[tilespmem:s4+$0xC0] =	vst @!p0 v2  }
0x17a: {  	[tilespmem:s4+$0xD0] =	vst @!p0 v2;
	v1 =	vimm.f32 @!p1 $0.0e+00  }
0x17b: {  	s10 =	simm.s32 $0x10;
	[tilespmem:s4+$0xE0] =	vst @!p1 v1  }
.LBB2_14:
0x17c: {  	s1 =	sand.u32 $0x3F0, s10;
	[tilespmem:s4+$0xF0] =	vst @!p1 v1  }
0x17d: {  	v1 =	vld [tilespmem:s1+$0x0];
	_ =	sdelay $0x4  }
0x17e: {  	vm0 =	veq.s32 v1, $0x0  }
0x17f: {  	v1 =	vsel vm0, $0x1, v0  }
0x180: {  	(v2sf) =	vpush v1, $0x0  }
0x181: {  	(v2sf) =	vpush v1, $0x1  }
0x182: {  	(v2sf) =	vpush v1, $0x2  }
0x183: {  	(v2sf) =	vpush v1, $0x3  }
0x184: {  	(v2sf) =	vpush v1, $0x4  }
0x185: {  	(v2sf) =	vpush v1, $0x5  }
0x186: {  	(v2sf) =	vpush v1, $0x6  }
0x187: {  	(v2sf) =	vpush v1, $0x7;
	_ =	sdelay $0x2  }
0x188: {  	(v2sf) =	vpush v1, $0x8  }
0x189: {  	(v2sf) =	vpush v1, $0x9  }
0x18a: {  	(v2sf) =	vpush v1, $0xA  }
0x18b: {  	(v2sf) =	vpush v1, $0xB  }
0x18c: {  	s10 =	sadd.s32 $0x10, s10;
	(v2sf) =	vpush v1, $0xC  }
0x18d: {  	s4 =	sadd.s32 $0x200, s4;
	p0 =	sne.s32 s10, $0x400;
	(v2sf) =	vpush v1, $0xD;
	s29 =	spop (v2sf)  }
0x18e: {  	s1 =	simm.s32 @!p0 $0x0;
	(v2sf) =	vpush v1, $0xE;
	p1 =	seq.s32 s29, $0x0;
	s29 =	spop (v2sf)  }
0x18f: {  	s1 =	simm.s32 @p0 $0x1;
	(v2sf) =	vpush v1, $0xF;
	v1 =	vimm.f32 @!p1 $0.0e+00;
	p0 =	seq.s32 s29, $0x0;
	s29 =	spop (v2sf)  }
0x190: {  	[tilespmem:s4+$0xFFFFFF00] =	vst @!p1 v1;
	p4 =	seq.s32 s29, $0x0;
	s29 =	spop (v2sf)  }
0x191: {  	v2 =	vimm.f32 @!p0 $0.0e+00;
	[tilespmem:s4+$0xFFFFFF10] =	vst @!p1 v1;
	p3 =	seq.s32 s29, $0x0;
	s29 =	spop (v2sf)  }
0x192: {  	[tilespmem:s4+$0xFFFFFF20] =	vst @!p0 v2;
	p2 =	seq.s32 s29, $0x0;
	s29 =	spop (v2sf)  }
0x193: {  	v1 =	vimm.f32 @!p4 $0.0e+00;
	[tilespmem:s4+$0xFFFFFF30] =	vst @!p0 v2;
	p0 =	seq.s32 s29, $0x0;
	s29 =	spop (v2sf)  }
0x194: {  	[tilespmem:s4+$0xFFFFFF40] =	vst @!p4 v1;
	p1 =	seq.s32 s29, $0x0;
	s29 =	spop (v2sf)  }
0x195: {  	[tilespmem:s4+$0xFFFFFF50] =	vst @!p4 v1;
	p4 =	seq.s32 s29, $0x0  }
0x196: {  	[smem:$0x7F9] =	sst s1;
	s1 =	simm.s32 @!p4 $0x0  }
0x197: {  	v3 =	vimm.f32 @!p3 $0.0e+00;
	s29 =	spop (v2sf);
	s1 =	simm.s32 @p4 $0x1  }
0x198: {  	[tilespmem:s4+$0xFFFFFF60] =	vst @!p3 v3;
	v5 =	vimm.f32 @!p4 $0.0e+00;
	p4 =	seq.s32 s29, $0x0;
	s29 =	spop (v2sf);
	[smem:$0x7F6] =	sst s1  }
0x199: {  	v2 =	vimm.f32 @!p2 $0.0e+00;
	[tilespmem:s4+$0xFFFFFF70] =	vst @!p3 v3;
	s1 =	simm.s32 @!p4 $0x0;
	p3 =	seq.s32 s29, $0x0;
	s29 =	spop (v2sf)  }
0x19a: {  	[tilespmem:s4+$0xFFFFFF80] =	vst @!p2 v2;
	s1 =	simm.s32 @p4 $0x1;
	p5 =	seq.s32 s29, $0x0;
	s29 =	spop (v2sf)  }
0x19b: {  	v4 =	vimm.f32 @!p0 $0.0e+00;
	[tilespmem:s4+$0xFFFFFF90] =	vst @!p2 v2;
	[smem:$0x7F7] =	sst s1;
	p6 =	seq.s32 s29, $0x0;
	s29 =	spop (v2sf)  }
0x19c: {  	[tilespmem:s4+$0xFFFFFFA0] =	vst @!p0 v4;
	v3 =	vimm.f32 @!p4 $0.0e+00;
	s1 =	simm.s32 @!p3 $0x0;
	p4 =	seq.s32 s29, $0x0;
	s29 =	spop (v2sf)  }
0x19d: {  	v1 =	vimm.f32 @!p1 $0.0e+00;
	[tilespmem:s4+$0xFFFFFFB0] =	vst @!p0 v4;
	v6 =	vimm.f32 @!p3 $0.0e+00;
	s1 =	simm.s32 @p3 $0x1;
	p3 =	seq.s32 s29, $0x0;
	s29 =	spop (v2sf)  }
0x19e: {  	[tilespmem:s4+$0xFFFFFFC0] =	vst @!p1 v1;
	p2 =	seq.s32 s29, $0x0;
	s29 =	spop (v2sf)  }
0x19f: {  	[tilespmem:s4+$0xFFFFFFD0] =	vst @!p1 v1;
	v2 =	vimm.f32 @!p5 $0.0e+00;
	p1 =	seq.s32 s29, $0x0;
	s29 =	sld [smem:$0x7F6]  }
0x1a0: {  	[tilespmem:s4+$0x40] =	vst @!p5 v2  }
0x1a1: {  	v7 =	vimm.f32 @!p6 $0.0e+00;
	[tilespmem:s4+$0x50] =	vst @!p5 v2  }
0x1a2: {  	[tilespmem:s4+$0x60] =	vst @!p6 v7;
	p0 =	seq.s32 s29, $0x1;
	s29 =	sld [smem:$0x7F7]  }
0x1a3: {  	[tilespmem:s4+$0x70] =	vst @!p6 v7  }
0x1a4: {  	[smem:$0x7F8] =	sst s1;
	[tilespmem:s4+$0xFFFFFFE0] =	vst @!p0 v5  }
0x1a5: {  	v4 =	vimm.f32 @!p4 $0.0e+00;
	[tilespmem:s4+$0xFFFFFFF0] =	vst @!p0 v5;
	p0 =	seq.s32 s29, $0x1;
	s29 =	sld [smem:$0x7F8]  }
0x1a6: {  	[tilespmem:s4+$0x80] =	vst @!p4 v4  }
0x1a7: {  	[tilespmem:s4+$0x0] =	vst @!p0 v3  }
0x1a8: {  	[tilespmem:s4+$0x10] =	vst @!p0 v3;
	p0 =	seq.s32 s29, $0x1;
	s29 =	sld [smem:$0x7F9]  }
0x1a9: {  	[tilespmem:s4+$0x90] =	vst @!p4 v4  }
0x1aa: {  	[tilespmem:s4+$0x20] =	vst @!p0 v6  }
0x1ab: {  	v8 =	vimm.f32 @!p3 $0.0e+00;
	[tilespmem:s4+$0x30] =	vst @!p0 v6;
	p0 =	seq.s32 s29, $0x1  }
.Ltmp12:
0x1ac: {  	[tilespmem:s4+$0xA0] =	vst @!p3 v8;
	(pc) =	sbr.rel @p0 .LBB2_14-.Ltmp12, $4  }
0x1ad: {  	v9 =	vimm.f32 @!p2 $0.0e+00;
	[tilespmem:s4+$0xB0] =	vst @!p3 v8  }
0x1ae: {  	[tilespmem:s4+$0xC0] =	vst @!p2 v9  }
0x1af: {  	v1 =	vimm.f32 @!p1 $0.0e+00;
	[tilespmem:s4+$0xD0] =	vst @!p2 v9  }
0x1b0: {  	[tilespmem:s4+$0xE0] =	vst @!p1 v1  }
.Ltmp13:
0x1b1: {  	(pc) =	sbr.rel .LBB2_16-.Ltmp13, $2  }
0x1b2: {  	_ =	sdelay $0x2  }
0x1b3: {  	[tilespmem:s4+$0xF0] =	vst @!p1 v1  }
.LBB2_18:
0x1b4: {  	_ =	sfence.sel $0x180000  }
0x1b5: {  	[bflag:$0x0] =	sbarrier.arrive $0xFFFF  }
0x1b6: {  	_ =	strace $0x90000047  }
0x1b7: {  	s0 =	stileid.u32;
	[bflag:$0x2] =	sbarrier.arrive $0xFFFF  }
0x1b8: {  	p0 =	sne.s32 s0, $0x0;
	s0 =	rddreg [dreg:$0x3]  }
0x1b9: {  	s0 =	sadd.s32 @!p0 $0x100000, s0  }
0x1ba: {  	[sflag:s0] =	ssyncadd.tile.s32 @!p0 $0x1;
	_ =	shalt  }
.Lfunc_end2:
_tile_overlayer_lowered:
.L_overlay_start_2:
0x1bb: {  	(tag) =	ssettag $0x2  }
0x1bc: {  	s0 =	rddreg [dreg:$0x0];
	s2 =	stileid.u32  }
0x1bd: {  	s1 =	rddreg [dreg:$0x1];
	p0 =	sne.s32 s2, $0x0  }
0x1be: {  	s3 =	rddreg [dreg:$0x2];
	[bflag:$0x3] =	sbarrier.arrive $0xFFFF;
	s2 =	simm.s32 @!p0 $0x1C02  }
0x1bf: {  	[timem:s3], [sflag:s2] =	dma.local @!p0 [hbm:s0], s1  }
0x1c0: {  	s0 =	simm.s32 @!p0 $0x2  }
0x1c1: {  	_ =	swait.ge @!p0 [sflag:s0], s1  }
0x1c2: {  	s1 =	ssub.s32 @!p0 $0x0, s1;
	[sflag:s0] =	ssyncset.done @!p0 $0x0  }
0x1c3: {  	[sflag:s0] =	ssyncadd.s32 @!p0 s1  }
0x1c4: {  	[bflag:$0x3] =	sbarrier.arrive $0xFFFF  }
0x1c5: {  	_ =	shalt  }

// kernel: sparse-core-data-format-call.1.cloned.1.call-start
scs
called_computation.1_lowered:
.L_overlay_start_0:
0x0: {  	s2 =	sld [smem:$0x3FD9]  }
0x1: {  	s3 =	sld [smem:$0x3FFE];
	_ =	sdelay $0x1  }
0x2: {  	s1 =	srdreg.scid  }
0x3: {  	s0 =	sand.u32 $0x1, s1  }
0x4: {  	s16 =	sshll.u32 s0, $0xA;
	s2 =	sadd.s32 s3, s2  }
0x5: {  	s2 =	sadd.s32 s2, s16  }
0x6: {  	[smem:$0x3FC4] =	sst s2  }
0x7: {  	_ = 	snop  }
0x8: {  	s2 =	sld [smem:$0x3FD0];
	_ =	sdelay $0x2  }
0x9: {  	s17 =	simm.s32 $0xB;
	s4 =	simm.s32 $0x10  }
0xa: {  	[smem:s4], [sflag:s17] =	dma.local [hbm:s2], $0x1  }
0xb: {  	_ =	swait.eq [sflag:s17], $0x1  }
0xc: {  	[sflag:s17] =	ssyncset.done $0x0  }
0xd: {  	[sflag:s17] =	ssyncadd.s32 $0xFFFFFFFF  }
0xe: {  	s18 =	sld [smem:$0x11];
	(tm) =	ssettm $0x1  }
0xf: {  	s19 =	sld [smem:$0x3FFB];
	_ =	sdelay $0x3  }
0x10: {  	_ =	strace s19  }
0x11: {  	s2 =	sld [smem:$0x3FFC];
	_ =	sdelay $0x3  }
0x12: {  	_ =	strace s2  }
0x13: {  	s2 =	sld [smem:$0x3FFD];
	_ =	sdelay $0x3  }
0x14: {  	_ =	strace s2  }
0x15: {  	_ =	strace $0x8FFFFFFF  }
0x16: {  	s20 =	sld [smem:$0x3FDB];
	_ =	sdelay $0x1  }
0x17: {  	s21 =	simm.s32 $_scs_section_size  }
0x18: {  	s5 =	simm.s32 $_size__tile_overlayer_lowered;
	s6 =	simm.s32 $_tile_overlayer_lowered  }
0x19: {  	s7 =	simm.s32 $0x1BFF;
	s22 =	sshll.u32 s6, $0x1;
	s4 =	sadd.s32 s21, s20  }
0x1a: {  	s23 =	simm.s32 $0x0;
	s5 =	sshll.u32 s5, $0x1;
	s6 =	sadd.s32 s22, s4  }
0x1b: {  	[timem:s23], [sflag:s7] =	dma.local [hbm:s6], s5  }
0x1c: {  	_ =	swait.ge [sflag:s7], s5  }
0x1d: {  	s5 =	ssub.s32 $0x0, s5;
	[sflag:s7] =	ssyncset.done $0x0  }
0x1e: {  	[sflag:s7] =	ssyncadd.s32 s5;
	_ =	sdelay $0x1  }
0x1f: {  	s24 =	simm.s32 $0x1B8B  }
0x20: {  	_ =	swait.ge [sflag:s24], $0x1  }
0x21: {  	[sflag:s24] =	ssyncset.done $0x0  }
0x22: {  	[sflag:s24] =	ssyncadd.s32 $0xFFFFFFFF  }
0x23: {  	s5 =	sld [smem:$0x0]  }
0x24: {  	s6 =	sand.u32 $0xFFFFFFFE, s1  }
0x25: {  	p0 =	sne.s32 s1, s6  }
0x26: {  	s6 =	sshll.u32 @p0 s6, $0xE  }
0x27: {  	s6 =	sadd.s32 @p0 $0x11B8D, s6;
	s7 =	sshll.u32 @p0 s5, $0x11  }
0x28: {  	s6 =	sor.u32 @p0 s7, s6  }
0x29: {  	[sflag:s6] =	ssyncadd.remote.s32 @p0 $0x1;
	_ =	sdelay $0x1  }
0x2a: {  	s6 =	simm.s32 @p0 $0x1B8D  }
0x2b: {  	_ =	swait.eq @p0 [sflag:s6], $0x1  }
0x2c: {  	[sflag:s6] =	ssyncadd.s32 @p0 $0xFFFFFFFF  }
0x2d: {  	s7 =	sshll.u32 @!p0 s1, $0xE  }
0x2e: {  	s7 =	sor.u32 @!p0 $0x4000, s7;
	s6 =	simm.s32 @!p0 $0x1B8D  }
0x2f: {  	s5 =	sshll.u32 @!p0 s5, $0x11;
	s7 =	sadd.s32 @!p0 $0x11B8D, s7;
	_ =	swait.eq @!p0 [sflag:s6], $0x1  }
0x30: {  	s5 =	sor.u32 @!p0 s5, s7;
	[sflag:s6] =	ssyncadd.s32 @!p0 $0xFFFFFFFF  }
0x31: {  	s26 =	simm.s32 $0x1B8E;
	s25 =	sld [smem:$0x3FFE];
	[sflag:s5] =	ssyncadd.remote.s32 @!p0 $0x1  }
0x32: {  	s27 =	simm.s32 $execute0_lowered;
	[smem:$0x3FD2] =	sst s26  }
0x33: {  	s6 =	sshll.u32 s27, $0x1;
	_ =	strace $0x8000004C;
	[dreg:$0x1] =	wrdreg $0xFFFFFFFF  }
0x34: {  	s28 =	simm.s32 $_size_execute0_lowered;
	s4 =	sadd.s32 s4, s6;
	[dreg:$0x0] =	wrdreg $0x0  }
0x35: {  	s6 =	sshll.u32 s28, $0x1;
	[dreg:$0x2] =	wrdreg s4  }
0x36: {  	[dreg:$0x3] =	wrdreg s6  }
0x37: {  	[dreg:$0x4] =	wrdreg $0xC0  }
0x38: {  	_ =	task [dreg:s23], $0x5FFFF  }
0x39: {  	[dreg:$0x1] =	wrdreg $0xFFFFFFFF  }
0x3a: {  	[dreg:$0x0] =	wrdreg $0x60  }
0x3b: {  	[dreg:$0x2] =	wrdreg s25  }
0x3c: {  	[dreg:$0x3] =	wrdreg s18  }
0x3d: {  	[dreg:$0x4] =	wrdreg $0x9  }
0x3e: {  	_ =	task.clear_ibuf [dreg:s23], $0x5FFFF;
	_ =	strace $0x9000004C  }
0x3f: {  	s29 =	simm.s32 $0x9;
	_ =	strace $0x8000004E  }
0x40: {  	_ =	swait.ge [sflag:s29], $0x1  }
0x41: {  	[sflag:s29] =	ssyncadd.s32 $0xFFFFFFFF  }
0x42: {  	_ =	strace $0x9000004E  }
0x43: {  	_ =	sfence  }
0x44: {  	s30 =	sld [smem:$0x0];
	_ =	sdelay $0x2  }
0x45: {  	s31 =	sshll.u32 s1, $0xD;
	s1 =	sshrl.u32 s1, $0x2  }
0x46: {  	s4 =	sand.u32 $0x4000, s31;
	s1 =	sadd.s32 s1, s30  }
0x47: {  	s0 =	sor.u32 s4, s0;
	s1 =	sshll.u32 s1, $0x11  }
0x48: {  	s0 =	sor.u32 s1, s0  }
0x49: {  	s0 =	sadd.s32 $0x8F2B, s0  }
0x4a: {  	[sflag:s0] =	ssyncadd.remote.s32 $0x1  }
0x4b: {  	_ =	sfence.sel $0xFFFF  }
0x4c: {  	[dreg:$0x0] =	wrdreg $0xFFFFFFFF;
	(pc) =	sbr.abs _section_cstart, $3  }
0x4d: {  	[dreg:$0x1] =	wrdreg $0xFFFFFFFF  }
0x4e: {  	_ =	task.clear_ibuf [dreg:s23], $0x2FFFF;
	_ =	strace $0x9FFFFFFF  }
0x4f: {  	(tm) =	ssettm $0x7FFFFFFF  }
tec
execute0_lowered:
.L_overlay_start_1:
0x0: {  	(tag) =	ssettag $0x1  }
0x1: {  	s0 =	srdreg.scid  }
0x2: {  	s1 =	sshll.u32 s0, $0x4  }
0x3: {  	s4 =	rddreg [dreg:$0x0];
	s0 =	stileid.u32;
	s1 =	sand.u32 $0x10, s1  }
0x4: {  	s2 =	rddreg [dreg:$0x1];
	s7 =	simm.s32 $0x1;
	s1 =	sor.u32 s0, s1  }
0x5: {  	s8 =	simm.s32 $0x2;
	s11 =	simm.s32 $0x0;
	s3 =	sshll.u32 s1, $0x7  }
0x6: {  	s10 =	simm.s32 $0x0;
	s4 =	sadd.s32 $0xC81C00, s4;
	s6 =	ssub.s32 $0xC8000, s3  }
.Ltmp0:
0x7: {  	s1 =	rddreg [dreg:$0x2];
	s5 =	sand.u32 $0xF80, s6;
	(pc) =	sbr.rel .LBB1_1-.Ltmp0, $4  }
0x8: {  	_ =	strace $0x8000004D;
	s9 =	smov.u32 s3;
	p0 =	sne.s32 s5, $0x0  }
0x9: {  	s6 =	sshrl.u32 s6, $0xC;
	s5 =	simm.s32 $0x1;
	s7 =	simm.s32 @!p0 $0x0  }
0xa: {  	[sflag:s5] =	ssyncpa.u1 $0x0;
	p0 =	por $0x0, $0x0;
	s6 =	sadd.s32 s7, s6  }
0xb: {  	[sflag:s8] =	ssyncpa.u1 $0x0;
	s8 =	simm.s32 $0x640000;
	s7 =	sadd.s32 $0x1, s6  }
.LBB1_4:
0xc: {  	s14 =	sshll.u32 s11, $0x3  }
0xd: {  	s30 =	sand.u32 $0x7F, s11;
	s15 =	sand.u32 $0xFFFFFC00, s14  }
0xe: {  	s11 =	sor.u32 s30, s15  }
0xf: {  	s15 =	smulhi.u32 $0x51EB851F, s11  }
0x10: {  	s14 =	smulhi.u32 $0x51EB851F, s14  }
0x11: {  	s15 =	sshrl.u32 s15, $0x12  }
0x12: {  	s14 =	sshrl.u32 s14, $0x12;
	s15 =	smul.u32 $0xC8000, s15  }
0x13: {  	s14 =	sand.u32 $0x1F, s14  }
0x14: {  	s14 =	smul.u32 $0x19000, s14;
	s11 =	ssub.s32 s11, s15  }
0x15: {  	s15 =	sand.u32 $0x7, s11  }
0x16: {  	s14 =	sadd.s32 s2, s14;
	s11 =	sshrl.u32 s11, $0x3;
	s15 =	sshll.u32 s15, $0x12  }
0x17: {  	[tilespmem:s13+$0x0 ss:$0x81] =	vst.msk $0xffff, v0;
	s11 =	sadd.s32 s11, s14;
	s31 =	sor.u32 $0x400, s15  }
0x18: {  	[hbm4b:s11+s31] =	stream.strided.scatter [tilespmem:s12], [sflag:$0x2], $0x1000, s8, s31, $0x20;
	[tilespmem:$0x4040] =	vst v63  }
.LBB1_5:
0x19: {  	s13 =	sadd.s32 $0x1000, s9  }
0x1a: {  	p2 =	sgt.s32 s13, $0xC7FFF  }
0x1b: {  	s13 =	smov.u32 @p2 s3;
	p2 =	sne.s32 s10, s7  }
.Ltmp1:
0x1c: {  	p1 =	slt.u32 s10, $0x2;
	(pc) =	sbr.rel @!p2 .LBB1_6-.Ltmp1, $4  }
0x1d: {  	s12 =	simm.s32 @!p1 $0x2  }
0x1e: {  	s14 =	sadd.s32 $0x1, s10;
	_ =	swait.ge @!p1 [sflag:s12], $0x1000  }
0x1f: {  	s11 =	smov.u32 s9;
	p0 =	por !p0, !p0;
	[sflag:s12] =	ssyncset.done @!p1 $0x0  }
0x20: {  	s10 =	smov.u32 s14;
	s9 =	smov.u32 s13;
	[sflag:s12] =	ssyncadd.s32 @!p1 $0xFFFFF000  }
.LBB1_1:
0x21: {  	p1 =	sge.u32 s10, s6  }
0x22: {  	s12 =	sand.u32 @!p1 $0x1FFFFFF, s9  }
0x23: {  	s13 =	smulhi.u32 @!p1 $0x147AE15, s12;
	_ =	sdelay $0x1  }
0x24: {  	s13 =	sshrl.u32 @!p1 s13, $0xC  }
0x25: {  	s13 =	smul.u32 @!p1 $0xC8000, s13;
	_ =	sdelay $0x1  }
0x26: {  	s31 =	sadd.s32 $0xFFFFFFFF, s10;
	s14 =	sxor.u32 @!p1 $0xFFFFFFFF, s10;
	s12 =	ssub.s32 @!p1 s12, s13  }
0x27: {  	s15 =	simm.s32 @!p1 $0x80;
	s14 =	sshll.u32 @!p1 s14, $0xC;
	s12 =	sshll.u32 @!p1 s12, $0x4  }
0x28: {  	s13 =	sand.u32 @!p1 $0x1000, s14;
	s14 =	simm.s32 @!p1 $0x20;
	s12 =	sadd.s32 @!p1 s4, s12  }
0x29: {  	[tilespmem:s13], [sflag:$0x1] =	stream.strided.gather @!p1 [hbm4b:s12+s14], $0x1000, s15, s14, $0x38;
	[tilespmem:$0x4040] =	vst v63  }
0x2a: {  	p1 =	sge.u32 s31, s6  }
.Ltmp2:
0x2b: {  	_ = 	snop;
	(pc) =	sbr.rel @p1 .LBB1_5-.Ltmp2, $1  }
0x2c: {  	_ =	sdelay $0x3  }
0x2d: {  	s12 =	simm.s32 $0x1  }
0x2e: {  	_ =	swait.ge [sflag:s5], $0x1000;
	s12 =	simm.s32 @!p0 $0x0  }
0x2f: {  	[sflag:s5] =	ssyncset.done $0x0;
	s13 =	sshll.u32 s12, $0xC  }
0x30: {  	[sflag:s5] =	ssyncadd.s32 $0xFFFFF000;
	s16 =	sor.u32 $0x10, s13  }
0x31: {  	s12 =	smul.u32 $0x4080, s12;
	v1 =	vld [tilespmem:s16+$0x0]  }
0x32: {  	s30 =	sand.u32 $0x1, s10;
	v0 =	vld [tilespmem:s16+$0xFFFFFFF0]  }
0x33: {  	s13 =	smul.u32 $0x4080, s30;
	s12 =	sshrl.u32 s12, $0x2  }
0x34: {  	s14 =	sor.u32 $0x2000, s12  }
0x35: {  	s31 =	sshrl.u32 s13, $0x2;
	s13 =	sadd.s32 $0x0, s14  }
0x36: {  	s15 =	simm.s32 $0x4;
	s16 =	sadd.s32 $0x20, s16;
	s12 =	sor.u32 $0x2000, s31;
	[tilespmem:s13+$0x810 ss:$0x81] =	vst.msk $0xffff, v1  }
.LBB1_3:
0x37: {  	v1 =	vld [tilespmem:s16+$0x0];
	p1 =	sne.s32 s15, $0x1FC;
	[tilespmem:s13+$0x0 ss:$0x81] =	vst.msk $0xffff, v0;
	s13 =	smov.u32 s15;
	s15 =	sadd.s32 $0x4, s15  }
.Ltmp3:
0x38: {  	v0 =	vld [tilespmem:s16+$0xFFFFFFF0];
	(pc) =	sbr.rel @p1 .LBB1_3-.Ltmp3, $4  }
0x39: {  	_ = 	snop  }
0x3a: {  	s13 =	sshra.s32 s13, $0x2  }
0x3b: {  	s13 =	sadd.s32 s13, s14  }
0x3c: {  	s16 =	sadd.s32 $0x20, s16;
	[tilespmem:s13+$0x810 ss:$0x81] =	vst.msk $0xffff, v1  }
.Ltmp4:
0x3d: {  	_ = 	snop;
	(pc) =	sbr.rel .LBB1_4-.Ltmp4, $1  }
0x3e: {  	_ =	sdelay $0x3  }
.LBB1_6:
0x3f: {  	_ =	sfence.sel $0x180000  }
0x40: {  	s2 =	simm.s32 $0x1;
	[bflag:$0x0] =	sbarrier.arrive $0xFFFF  }
0x41: {  	s31 =	simm.s32 $0x2;
	[sflag:s2] =	ssyncpa.u1 $0x1  }
0x42: {  	[sflag:s31] =	ssyncpa.u1 $0x1  }
0x43: {  	p0 =	sne.s32 s0, $0x0;
	_ =	strace $0x9000004D  }
0x44: {  	s0 =	sadd.s32 @!p0 $0x100000, s1;
	[bflag:$0x2] =	sbarrier.arrive $0xFFFF  }
0x45: {  	[sflag:s0] =	ssyncadd.tile.s32 @!p0 $0x1;
	_ =	shalt  }
.Lfunc_end1:
_tile_overlayer_lowered:
.L_overlay_start_2:
0x46: {  	(tag) =	ssettag $0x2  }
0x47: {  	s0 =	rddreg [dreg:$0x0];
	s2 =	stileid.u32  }
0x48: {  	s1 =	rddreg [dreg:$0x1];
	p0 =	sne.s32 s2, $0x0  }
0x49: {  	s3 =	rddreg [dreg:$0x2];
	[bflag:$0x3] =	sbarrier.arrive $0xFFFF;
	s2 =	simm.s32 @!p0 $0x1C01  }
0x4a: {  	[timem:s3], [sflag:s2] =	dma.local @!p0 [hbm:s0], s1  }
0x4b: {  	s0 =	simm.s32 @!p0 $0x1  }
0x4c: {  	_ =	swait.ge @!p0 [sflag:s0], s1  }
0x4d: {  	s1 =	ssub.s32 @!p0 $0x0, s1;
	[sflag:s0] =	ssyncset.done @!p0 $0x0  }
0x4e: {  	[sflag:s0] =	ssyncadd.s32 @!p0 s1  }
0x4f: {  	[bflag:$0x3] =	sbarrier.arrive $0xFFFF  }
0x50: {  	_ =	shalt  }

// kernel: sparse-core-data-format-call.2.cloned.1.call-start
scs
called_computation.2_lowered:
.L_overlay_start_0:
0x0: {  	s2 =	sld [smem:$0x3FD9]  }
0x1: {  	s3 =	sld [smem:$0x3FFE];
	_ =	sdelay $0x1  }
0x2: {  	s1 =	srdreg.scid  }
0x3: {  	s0 =	sand.u32 $0x1, s1  }
0x4: {  	s16 =	sshll.u32 s0, $0xA;
	s2 =	sadd.s32 s3, s2  }
0x5: {  	s2 =	sadd.s32 s2, s16  }
0x6: {  	[smem:$0x3FC4] =	sst s2  }
0x7: {  	_ = 	snop  }
0x8: {  	s2 =	sld [smem:$0x3FD0];
	_ =	sdelay $0x2  }
0x9: {  	s17 =	simm.s32 $0xB;
	s4 =	simm.s32 $0x10  }
0xa: {  	[smem:s4], [sflag:s17] =	dma.local [hbm:s2], $0x1  }
0xb: {  	_ =	swait.eq [sflag:s17], $0x1  }
0xc: {  	[sflag:s17] =	ssyncset.done $0x0  }
0xd: {  	[sflag:s17] =	ssyncadd.s32 $0xFFFFFFFF  }
0xe: {  	s18 =	sld [smem:$0x10];
	(tm) =	ssettm $0x1  }
0xf: {  	s19 =	sld [smem:$0x3FFB];
	_ =	sdelay $0x3  }
0x10: {  	_ =	strace s19  }
0x11: {  	s2 =	sld [smem:$0x3FFC];
	_ =	sdelay $0x3  }
0x12: {  	_ =	strace s2  }
0x13: {  	s2 =	sld [smem:$0x3FFD];
	_ =	sdelay $0x3  }
0x14: {  	_ =	strace s2  }
0x15: {  	_ =	strace $0x8FFFFFFF  }
0x16: {  	s20 =	sld [smem:$0x3FDB];
	_ =	sdelay $0x1  }
0x17: {  	s21 =	simm.s32 $_scs_section_size  }
0x18: {  	s5 =	simm.s32 $_size__tile_overlayer_lowered;
	s6 =	simm.s32 $_tile_overlayer_lowered  }
0x19: {  	s7 =	simm.s32 $0x1BFF;
	s22 =	sshll.u32 s6, $0x1;
	s4 =	sadd.s32 s21, s20  }
0x1a: {  	s23 =	simm.s32 $0x0;
	s5 =	sshll.u32 s5, $0x1;
	s6 =	sadd.s32 s22, s4  }
0x1b: {  	[timem:s23], [sflag:s7] =	dma.local [hbm:s6], s5  }
0x1c: {  	_ =	swait.ge [sflag:s7], s5  }
0x1d: {  	s5 =	ssub.s32 $0x0, s5;
	[sflag:s7] =	ssyncset.done $0x0  }
0x1e: {  	[sflag:s7] =	ssyncadd.s32 s5;
	_ =	sdelay $0x1  }
0x1f: {  	s24 =	simm.s32 $0x1B8B  }
0x20: {  	_ =	swait.ge [sflag:s24], $0x1  }
0x21: {  	[sflag:s24] =	ssyncset.done $0x0  }
0x22: {  	[sflag:s24] =	ssyncadd.s32 $0xFFFFFFFF  }
0x23: {  	s5 =	sld [smem:$0x0]  }
0x24: {  	s6 =	sand.u32 $0xFFFFFFFE, s1  }
0x25: {  	p0 =	sne.s32 s1, s6  }
0x26: {  	s6 =	sshll.u32 @p0 s6, $0xE  }
0x27: {  	s6 =	sadd.s32 @p0 $0x11B8D, s6;
	s7 =	sshll.u32 @p0 s5, $0x11  }
0x28: {  	s6 =	sor.u32 @p0 s7, s6  }
0x29: {  	[sflag:s6] =	ssyncadd.remote.s32 @p0 $0x1;
	_ =	sdelay $0x1  }
0x2a: {  	s6 =	simm.s32 @p0 $0x1B8D  }
0x2b: {  	_ =	swait.eq @p0 [sflag:s6], $0x1  }
0x2c: {  	[sflag:s6] =	ssyncadd.s32 @p0 $0xFFFFFFFF  }
0x2d: {  	s7 =	sshll.u32 @!p0 s1, $0xE  }
0x2e: {  	s7 =	sor.u32 @!p0 $0x4000, s7;
	s6 =	simm.s32 @!p0 $0x1B8D  }
0x2f: {  	s5 =	sshll.u32 @!p0 s5, $0x11;
	s7 =	sadd.s32 @!p0 $0x11B8D, s7;
	_ =	swait.eq @!p0 [sflag:s6], $0x1  }
0x30: {  	s5 =	sor.u32 @!p0 s5, s7;
	[sflag:s6] =	ssyncadd.s32 @!p0 $0xFFFFFFFF  }
0x31: {  	s26 =	simm.s32 $0x1B8E;
	s25 =	sld [smem:$0x3FFE];
	[sflag:s5] =	ssyncadd.remote.s32 @!p0 $0x1  }
0x32: {  	s27 =	simm.s32 $execute0_lowered;
	[smem:$0x3FD2] =	sst s26  }
0x33: {  	s6 =	sshll.u32 s27, $0x1;
	_ =	strace $0x8000004F;
	[dreg:$0x1] =	wrdreg $0xFFFFFFFF  }
0x34: {  	s28 =	simm.s32 $_size_execute0_lowered;
	s4 =	sadd.s32 s4, s6;
	[dreg:$0x0] =	wrdreg $0x0  }
0x35: {  	s6 =	sshll.u32 s28, $0x1;
	[dreg:$0x2] =	wrdreg s4  }
0x36: {  	[dreg:$0x3] =	wrdreg s6  }
0x37: {  	[dreg:$0x4] =	wrdreg $0xC0  }
0x38: {  	_ =	task [dreg:s23], $0x5FFFF  }
0x39: {  	[dreg:$0x1] =	wrdreg $0xFFFFFFFF  }
0x3a: {  	[dreg:$0x0] =	wrdreg $0x60  }
0x3b: {  	[dreg:$0x2] =	wrdreg s25  }
0x3c: {  	[dreg:$0x3] =	wrdreg s18  }
0x3d: {  	[dreg:$0x4] =	wrdreg $0xA  }
0x3e: {  	_ =	task.clear_ibuf [dreg:s23], $0x5FFFF;
	_ =	strace $0x9000004F  }
0x3f: {  	s29 =	simm.s32 $0xA;
	_ =	strace $0x80000051  }
0x40: {  	_ =	swait.ge [sflag:s29], $0x1  }
0x41: {  	[sflag:s29] =	ssyncadd.s32 $0xFFFFFFFF  }
0x42: {  	_ =	strace $0x90000051  }
0x43: {  	_ =	sfence  }
0x44: {  	s30 =	sld [smem:$0x0];
	_ =	sdelay $0x2  }
0x45: {  	s31 =	sshll.u32 s1, $0xD;
	s1 =	sshrl.u32 s1, $0x2  }
0x46: {  	s4 =	sand.u32 $0x4000, s31;
	s1 =	sadd.s32 s1, s30  }
0x47: {  	s0 =	sor.u32 s4, s0;
	s1 =	sshll.u32 s1, $0x11  }
0x48: {  	s0 =	sor.u32 s1, s0  }
0x49: {  	s0 =	sadd.s32 $0x8F2B, s0  }
0x4a: {  	[sflag:s0] =	ssyncadd.remote.s32 $0x1  }
0x4b: {  	_ =	sfence.sel $0xFFFF  }
0x4c: {  	[dreg:$0x0] =	wrdreg $0xFFFFFFFF;
	(pc) =	sbr.abs _section_cstart, $3  }
0x4d: {  	[dreg:$0x1] =	wrdreg $0xFFFFFFFF  }
0x4e: {  	_ =	task.clear_ibuf [dreg:s23], $0x2FFFF;
	_ =	strace $0x9FFFFFFF  }
0x4f: {  	(tm) =	ssettm $0x7FFFFFFF  }
tec
execute0_lowered:
.L_overlay_start_1:
0x0: {  	(tag) =	ssettag $0x1  }
0x1: {  	s8 =	rddreg [dreg:$0x0]  }
0x2: {  	s2 =	rddreg [dreg:$0x1];
	s1 =	stileid.u32  }
0x3: {  	s4 =	srdreg.scid;
	s0 =	rddreg [dreg:$0x2];
	_ =	strace $0x80000050  }
0x4: {  	s9 =	simm.s32 $0x1;
	s31 =	simm.s32 $0x2;
	s16 =	simm.s32 $0x0  }
0x5: {  	s17 =	simm.s32 $0x0;
	s11 =	simm.s32 $0x0;
	s12 =	simm.s32 $0x0  }
0x6: {  	s15 =	simm.s32 $0x0;
	s3 =	sshll.u32 s1, $0x1;
	s4 =	sshll.u32 s4, $0x7  }
0x7: {  	s4 =	sand.u32 $0x80, s4;
	s5 =	ssub.s32 $0x20, s3;
	s14 =	smov.u32 s3  }
0x8: {  	s6 =	sshrl.u32 s5, $0x5;
	s5 =	sand.u32 $0x1E, s5;
	s7 =	ssub.s32 $0x4000, s4  }
0x9: {  	p0 =	sne.s32 s5, $0x0;
	s30 =	sshrl.u32 s7, $0x7;
	s7 =	sshrl.u32 s7, $0x8  }
.Ltmp0:
0xa: {  	s9 =	simm.s32 @!p0 $0x0;
	s10 =	sand.u32 $0x1, s30;
	(pc) =	sbr.rel .LBB1_1-.Ltmp0, $4  }
0xb: {  	s5 =	simm.s32 $0x1;
	s6 =	sadd.s32 s9, s6;
	s7 =	sadd.s32 s7, s10  }
0xc: {  	s13 =	smov.u32 s4;
	[sflag:s5] =	ssyncpa.u1 $0x0;
	s6 =	smul.u32 s6, s7  }
0xd: {  	p0 =	por $0x0, $0x0;
	[sflag:s31] =	ssyncpa.u1 $0x0;
	s10 =	simm.s32 $0x80000  }
0xe: {  	s7 =	sadd.s32 $0x1C00, s8;
	s8 =	sadd.s32 $0x41C00, s8;
	s9 =	sadd.s32 $0x1, s6  }
.LBB1_7:
0xf: {  	p1 =	slt.u32 s15, $0x2  }
0x10: {  	s19 =	smov.u32 s17;
	p2 =	sgt.s32 @!p1 s17, $0x1E;
	s18 =	sshra.s32 @!p1 s17, $0x1F  }
0x11: {  	p3 =	sgt.s32 @!p1 s16, $0x3F80;
	s20 =	sshra.s32 @!p1 s16, $0x1F;
	p2 =	por !p2, p1  }
0x12: {  	s17 =	sand.u32 @!p1 s18, s17;
	p3 =	por !p3, p1;
	s18 =	smov.u32 s16  }
0x13: {  	s16 =	sand.u32 @!p1 s20, s16;
	s19 =	simm.s32 @p2 $0x1E;
	s18 =	simm.s32 @p3 $0x3F80  }
0x14: {  	s20 =	smov.u32 s14;
	s17 =	ssub.s32 @!p1 s19, s17;
	s16 =	ssub.s32 @!p1 s18, s16  }
0x15: {  	s18 =	sadd.s32 @!p1 $0xFFFFFFE2, s17;
	s17 =	ssub.s32 @!p1 $0x20, s17;
	s19 =	sadd.s32 @!p1 $0xFFFFC080, s16  }
0x16: {  	p2 =	sgt.s32 @!p1 s18, $0x1;
	s17 =	smul.u32 @!p1 $0x32, s17;
	p3 =	sgt.s32 @!p1 s19, $0x7F  }
0x17: {  	s16 =	ssub.s32 @!p1 $0x4000, s16;
	p2 =	por !p2, p1;
	p3 =	por !p3, p1  }
0x18: {  	s18 =	sadd.s32 $0x100, s13;
	s17 =	simm.s32 @!p2 $0x0;
	s16 =	simm.s32 @!p3 $0x0  }
0x19: {  	p2 =	sgt.s32 s18, $0x3FFF;
	s16 =	smul.u32 @!p1 s16, s17;
	s17 =	sadd.s32 $0x20, s14  }
0x1a: {  	s20 =	smov.u32 @p2 s17  }
0x1b: {  	s18 =	smov.u32 @p2 s4;
	p2 =	sgt.s32 s20, $0x1F  }
0x1c: {  	s20 =	smov.u32 @p2 s3;
	p2 =	sne.s32 s15, s9  }
.Ltmp1:
0x1d: {  	p0 =	por !p0, !p0;
	s19 =	simm.s32 @!p1 $0x2;
	(pc) =	sbr.rel @!p2 .LBB1_8-.Ltmp1, $4  }
0x1e: {  	s17 =	smov.u32 s12;
	s12 =	smov.u32 s14;
	s16 =	sand.u32 @!p1 $0x3FFFFFFE, s16  }
0x1f: {  	_ =	swait.ge @!p1 [sflag:s19], s16;
	s21 =	ssub.s32 @!p1 $0x0, s16;
	s16 =	smov.u32 s11  }
0x20: {  	s15 =	sadd.s32 $0x1, s15;
	s11 =	smov.u32 s13;
	[sflag:s19] =	ssyncset.done @!p1 $0x0  }
0x21: {  	s13 =	smov.u32 s18;
	s14 =	smov.u32 s20;
	[sflag:s19] =	ssyncadd.s32 @!p1 s21  }
.LBB1_1:
0x22: {  	p1 =	sge.u32 s15, s6  }
0x23: {  	s18 =	sxor.u32 @!p1 $0xFFFFFFFF, s15;
	s19 =	sshll.u32 @!p1 s14, $0x12  }
0x24: {  	s20 =	sshll.u32 @!p1 s13, $0x4;
	s22 =	simm.s32 @!p1 $0x40;
	s23 =	simm.s32 @!p1 $0x80  }
0x25: {  	s18 =	sshll.u32 @!p1 s18, $0xE;
	s20 =	sand.u32 @!p1 $0x3FFF0, s20;
	s21 =	sadd.s32 @!p1 s7, s19  }
0x26: {  	s19 =	sadd.s32 @!p1 s19, s8;
	s18 =	sand.u32 @!p1 $0x4000, s18;
	s21 =	sadd.s32 @!p1 s20, s21  }
0x27: {  	[tilespmem:s18], [sflag:$0x1] =	stream.strided.gather @!p1 [hbm4b:s21+s22], $0x2000, s23, s22, $0x38;
	[tilespmem:$0x10100] =	vst v63  }
0x28: {  	s31 =	sadd.s32 $0xFFFFFFFF, s15;
	s19 =	sadd.s32 @!p1 s20, s19;
	s18 =	sor.u32 @!p1 $0x2000, s18  }
0x29: {  	[tilespmem:s18], [sflag:$0x1] =	stream.strided.gather @!p1 [hbm4b:s19+s22], $0x2000, s23, s22, $0x38;
	[tilespmem:$0x10100] =	vst v63  }
0x2a: {  	p1 =	sge.u32 s31, s6  }
.Ltmp2:
0x2b: {  	_ = 	snop;
	(pc) =	sbr.rel @p1 .LBB1_7-.Ltmp2, $1  }
0x2c: {  	_ =	sdelay $0x3  }
0x2d: {  	s18 =	simm.s32 $0x1;
	s20 =	sand.u32 $0x1, s15  }
0x2e: {  	_ =	swait.ge [sflag:s5], $0x4000;
	s18 =	simm.s32 @!p0 $0x0;
	s20 =	smul.u32 $0x10200, s20  }
0x2f: {  	p2 =	por $0x1, $0x1;
	[sflag:s5] =	ssyncset.done $0x0;
	s19 =	smul.u32 $0x10200, s18  }
0x30: {  	s21 =	sshll.u32 s18, $0x10;
	[sflag:s5] =	ssyncadd.s32 $0xFFFFC000;
	s30 =	sshrl.u32 s20, $0x2  }
0x31: {  	s31 =	sshrl.u32 s21, $0x2;
	s21 =	simm.s32 $0x0;
	s19 =	sshrl.u32 s19, $0x2  }
0x32: {  	s18 =	sor.u32 $0x8000, s30;
	s20 =	sadd.s32 $0x20, s31;
	s19 =	sor.u32 $0x8000, s19  }
.LBB1_3:
0x33: {  	s22 =	sshll.u32 s21, $0xD  }
0x34: {  	s22 =	sand.u32 $0x3FFFE000, s22  }
0x35: {  	s24 =	sadd.s32 s22, s20  }
0x36: {  	s31 =	smul.u32 $0x204, s21;
	v3 =	vld [tilespmem:s24+$0x10]  }
0x37: {  	v1 =	vld [tilespmem:s24+$0xFFFFFFF0]  }
0x38: {  	s21 =	sshra.s32 s31, $0x2;
	v0 =	vld [tilespmem:s24+$0x0]  }
0x39: {  	s21 =	sadd.s32 s21, s19;
	v2 =	vld [tilespmem:s24+$0xFFFFFFE0]  }
0x3a: {  	s22 =	sadd.s32 $0x0, s21  }
0x3b: {  	p1 =	por p2, p2;
	s23 =	simm.s32 $0x4;
	s24 =	sadd.s32 $0x40, s24;
	[tilespmem:s22+$0x3060 ss:$0x102] =	vst.msk $0xffff, v3  }
.LBB1_4:
0x3c: {  	v3 =	vld [tilespmem:s24+$0x10];
	p2 =	sne.s32 s23, $0x1FC;
	[tilespmem:s22+$0x1020 ss:$0x102] =	vst.msk $0xffff, v1;
	s25 =	smov.u32 s23;
	s23 =	sadd.s32 $0x4, s23  }
.Ltmp3:
0x3d: {  	v1 =	vld [tilespmem:s24+$0xFFFFFFF0];
	[tilespmem:s22+$0x2040 ss:$0x102] =	vst.msk $0xffff, v0;
	(pc) =	sbr.rel @p2 .LBB1_4-.Ltmp3, $4  }
0x3e: {  	v0 =	vld [tilespmem:s24+$0x0];
	[tilespmem:s22+$0x0 ss:$0x102] =	vst.msk $0xffff, v2  }
0x3f: {  	s22 =	sshra.s32 s25, $0x2;
	v2 =	vld [tilespmem:s24+$0xFFFFFFE0]  }
0x40: {  	s22 =	sadd.s32 s22, s21  }
0x41: {  	s24 =	sadd.s32 $0x40, s24;
	[tilespmem:s22+$0x3060 ss:$0x102] =	vst.msk $0xffff, v3  }
.Ltmp4:
0x42: {  	(pc) =	sbr.rel @p1 .LBB1_3-.Ltmp4, $4  }
0x43: {  	_ = 	snop  }
0x44: {  	[tilespmem:s22+$0x1020 ss:$0x102] =	vst.msk $0xffff, v1  }
0x45: {  	[tilespmem:s22+$0x2040 ss:$0x102] =	vst.msk $0xffff, v0  }
0x46: {  	s21 =	simm.s32 $0x1;
	p2 =	por $0x0, $0x0;
	[tilespmem:s22+$0x0 ss:$0x102] =	vst.msk $0xffff, v2  }
0x47: {  	s19 =	sand.u32 $0x78, s11;
	p1 =	sgt.s32 s12, $0x1E;
	s20 =	smov.u32 s12  }
0x48: {  	s21 =	sshra.s32 s12, $0x1F;
	s22 =	sshll.u32 s12, $0xE;
	s23 =	sshll.u32 s11, $0x3  }
0x49: {  	s30 =	sshra.s32 s11, $0x1F;
	s25 =	sshll.u32 s12, $0x7;
	s20 =	simm.s32 @!p1 $0x1E  }
0x4a: {  	s21 =	sand.u32 s21, s12;
	s22 =	sand.u32 $0x60000, s22;
	p1 =	sgt.s32 s11, $0x3F80  }
0x4b: {  	s25 =	sand.u32 $0x380, s25;
	s20 =	ssub.s32 s20, s21;
	s21 =	smov.u32 s11  }
0x4c: {  	s22 =	sadd.s32 s22, s23;
	s24 =	sadd.s32 $0xFFFFFFE2, s20;
	s21 =	simm.s32 @!p1 $0x3F80  }
0x4d: {  	s20 =	ssub.s32 $0x20, s20;
	p1 =	sgt.s32 s24, $0x1;
	s24 =	sand.u32 s30, s11  }
0x4e: {  	s23 =	sand.u32 $0x3C00, s23;
	s20 =	smul.u32 $0x32, s20;
	s21 =	ssub.s32 s21, s24  }
0x4f: {  	s19 =	sor.u32 s25, s19;
	s22 =	sand.u32 $0x7C000, s22;
	s24 =	sadd.s32 $0xFFFFC080, s21  }
0x50: {  	s20 =	simm.s32 @p1 $0x0;
	s21 =	ssub.s32 $0x4000, s21;
	p1 =	sgt.s32 s24, $0x7F  }
.Ltmp5:
0x51: {  	s19 =	sor.u32 s23, s19;
	s21 =	simm.s32 @p1 $0x0;
	(pc) =	sbr.rel .LBB1_7-.Ltmp5, $4  }
0x52: {  	s31 =	sand.u32 $0x7, s11;
	s19 =	sor.u32 s22, s19;
	s20 =	smul.u32 s21, s20  }
0x53: {  	s19 =	sshrl.u32 s19, $0x3;
	s21 =	sshll.u32 s31, $0x12  }
0x54: {  	s19 =	sadd.s32 s2, s19;
	s21 =	sor.u32 $0x100, s21;
	s20 =	sand.u32 $0x3FFFFFFE, s20  }
0x55: {  	[hbm4b:s19+s21] =	stream.strided.scatter [tilespmem:s18], [sflag:$0x2], s20, s10, s21, $0x20;
	[tilespmem:$0x10100] =	vst v63  }
.LBB1_8:
0x56: {  	_ =	sfence.sel $0x180000  }
0x57: {  	s2 =	simm.s32 $0x1;
	[bflag:$0x0] =	sbarrier.arrive $0xFFFF  }
0x58: {  	s31 =	simm.s32 $0x2;
	[sflag:s2] =	ssyncpa.u1 $0x1  }
0x59: {  	[sflag:s31] =	ssyncpa.u1 $0x1  }
0x5a: {  	p0 =	sne.s32 s1, $0x0;
	_ =	strace $0x90000050  }
0x5b: {  	s0 =	sadd.s32 @!p0 $0x100000, s0;
	[bflag:$0x2] =	sbarrier.arrive $0xFFFF  }
0x5c: {  	[sflag:s0] =	ssyncadd.tile.s32 @!p0 $0x1;
	_ =	shalt  }
.Lfunc_end1:
_tile_overlayer_lowered:
.L_overlay_start_2:
0x5d: {  	(tag) =	ssettag $0x2  }
0x5e: {  	s0 =	rddreg [dreg:$0x0];
	s2 =	stileid.u32  }
0x5f: {  	s1 =	rddreg [dreg:$0x1];
	p0 =	sne.s32 s2, $0x0  }
0x60: {  	s3 =	rddreg [dreg:$0x2];
	[bflag:$0x3] =	sbarrier.arrive $0xFFFF;
	s2 =	simm.s32 @!p0 $0x1C01  }
0x61: {  	[timem:s3], [sflag:s2] =	dma.local @!p0 [hbm:s0], s1  }
0x62: {  	s0 =	simm.s32 @!p0 $0x1  }
0x63: {  	_ =	swait.ge @!p0 [sflag:s0], s1  }
0x64: {  	s1 =	ssub.s32 @!p0 $0x0, s1;
	[sflag:s0] =	ssyncset.done @!p0 $0x0  }
0x65: {  	[sflag:s0] =	ssyncadd.s32 @!p0 s1  }
0x66: {  	[bflag:$0x3] =	sbarrier.arrive $0xFFFF  }
0x67: {  	_ =	shalt  }

// kernel: sparse-core-data-format-call.3.cloned.1.call-start
scs
called_computation.3_lowered:
.L_overlay_start_0:
0x0: {  	s2 =	sld [smem:$0x3FD9]  }
0x1: {  	s3 =	sld [smem:$0x3FFE];
	_ =	sdelay $0x1  }
0x2: {  	s1 =	srdreg.scid  }
0x3: {  	s0 =	sand.u32 $0x1, s1  }
0x4: {  	s15 =	sshll.u32 s0, $0xA;
	s2 =	sadd.s32 s3, s2  }
0x5: {  	s2 =	sadd.s32 s2, s15  }
0x6: {  	[smem:$0x3FC4] =	sst s2  }
0x7: {  	_ = 	snop  }
0x8: {  	s2 =	sld [smem:$0x3FD0];
	_ =	sdelay $0x2  }
0x9: {  	s16 =	simm.s32 $0xB;
	s4 =	simm.s32 $0x10  }
0xa: {  	[smem:s4], [sflag:s16] =	dma.local [hbm:s2], $0x1  }
0xb: {  	_ =	swait.eq [sflag:s16], $0x1  }
0xc: {  	[sflag:s16] =	ssyncset.done $0x0  }
0xd: {  	[sflag:s16] =	ssyncadd.s32 $0xFFFFFFFF  }
0xe: {  	s17 =	sld [smem:$0x10];
	(tm) =	ssettm $0x1  }
0xf: {  	s18 =	sld [smem:$0x3FFB];
	_ =	sdelay $0x3  }
0x10: {  	_ =	strace s18  }
0x11: {  	s3 =	sld [smem:$0x3FFC];
	_ =	sdelay $0x3  }
0x12: {  	_ =	strace s3  }
0x13: {  	s3 =	sld [smem:$0x3FFD];
	_ =	sdelay $0x3  }
0x14: {  	_ =	strace s3  }
0x15: {  	_ =	strace $0x8FFFFFFF  }
0x16: {  	s19 =	sld [smem:$0x3FDB];
	_ =	sdelay $0x1  }
0x17: {  	s20 =	simm.s32 $_scs_section_size  }
0x18: {  	s5 =	simm.s32 $_size__tile_overlayer_lowered;
	s6 =	simm.s32 $_tile_overlayer_lowered  }
0x19: {  	s23 =	simm.s32 $0x1BFF;
	s22 =	sshll.u32 s6, $0x1;
	s3 =	sadd.s32 s20, s19  }
0x1a: {  	s7 =	simm.s32 $0x0;
	s21 =	sshll.u32 s5, $0x1;
	s5 =	sadd.s32 s22, s3  }
0x1b: {  	[timem:s7], [sflag:s23] =	dma.local [hbm:s5], s21  }
0x1c: {  	_ =	swait.ge [sflag:s23], s21  }
0x1d: {  	s4 =	ssub.s32 $0x0, s21;
	[sflag:s23] =	ssyncset.done $0x0  }
0x1e: {  	[sflag:s23] =	ssyncadd.s32 s4;
	_ =	sdelay $0x1  }
0x1f: {  	s24 =	simm.s32 $0x1B8B  }
0x20: {  	_ =	swait.ge [sflag:s24], $0x1  }
0x21: {  	[sflag:s24] =	ssyncset.done $0x0  }
0x22: {  	s26 =	simm.s32 $0x1B8E;
	s25 =	sld [smem:$0x3FFE];
	[sflag:s24] =	ssyncadd.s32 $0xFFFFFFFF  }
0x23: {  	s27 =	simm.s32 $execute0_lowered;
	[smem:$0x3FD2] =	sst s26  }
0x24: {  	s5 =	sshll.u32 s27, $0x1;
	_ =	strace $0x80000049;
	[dreg:$0x1] =	wrdreg $0xFFFFFFFF  }
0x25: {  	s28 =	simm.s32 $_size_execute0_lowered;
	s3 =	sadd.s32 s3, s5;
	[dreg:$0x0] =	wrdreg $0x0  }
0x26: {  	s5 =	sshll.u32 s28, $0x1;
	[dreg:$0x2] =	wrdreg s3  }
0x27: {  	[dreg:$0x3] =	wrdreg s5  }
0x28: {  	[dreg:$0x4] =	wrdreg $0xC0  }
0x29: {  	_ =	task [dreg:s7], $0x5FFFF  }
0x2a: {  	[dreg:$0x1] =	wrdreg $0xFFFFFFFF  }
0x2b: {  	[dreg:$0x0] =	wrdreg $0x60  }
0x2c: {  	[dreg:$0x2] =	wrdreg s25  }
0x2d: {  	[dreg:$0x3] =	wrdreg s17  }
0x2e: {  	[dreg:$0x4] =	wrdreg $0xA  }
0x2f: {  	_ =	task.clear_ibuf [dreg:s7], $0x5FFFF;
	_ =	strace $0x90000049  }
0x30: {  	s29 =	simm.s32 $0xA;
	_ =	strace $0x8000004B  }
0x31: {  	_ =	swait.ge [sflag:s29], $0x1  }
0x32: {  	[sflag:s29] =	ssyncadd.s32 $0xFFFFFFFF  }
0x33: {  	_ =	strace $0x9000004B  }
0x34: {  	_ =	sfence  }
0x35: {  	s30 =	sld [smem:$0x0];
	_ =	sdelay $0x2  }
0x36: {  	s31 =	sshll.u32 s1, $0xD;
	s1 =	sshrl.u32 s1, $0x2  }
0x37: {  	s3 =	sand.u32 $0x4000, s31;
	s1 =	sadd.s32 s1, s30  }
0x38: {  	s0 =	sor.u32 s3, s0;
	s1 =	sshll.u32 s1, $0x11  }
0x39: {  	s0 =	sor.u32 s1, s0  }
0x3a: {  	s0 =	sadd.s32 $0x8F2B, s0  }
0x3b: {  	[sflag:s0] =	ssyncadd.remote.s32 $0x1  }
0x3c: {  	_ =	sfence.sel $0xFFFF  }
0x3d: {  	[dreg:$0x0] =	wrdreg $0xFFFFFFFF;
	(pc) =	sbr.abs _section_cstart, $3  }
0x3e: {  	[dreg:$0x1] =	wrdreg $0xFFFFFFFF  }
0x3f: {  	_ =	task.clear_ibuf [dreg:s7], $0x2FFFF;
	_ =	strace $0x9FFFFFFF  }
0x40: {  	(tm) =	ssettm $0x7FFFFFFF  }
0x41: {  	_ =	shalt  }
tec
execute0_lowered:
.L_overlay_start_1:
0x0: {  	(tag) =	ssettag $0x1  }
0x1: {  	s0 =	srdreg.scid  }
0x2: {  	s1 =	sshll.u32 s0, $0x4  }
0x3: {  	s4 =	rddreg [dreg:$0x0];
	s0 =	stileid.u32;
	s1 =	sand.u32 $0x10, s1  }
0x4: {  	s2 =	rddreg [dreg:$0x1];
	s7 =	simm.s32 $0x1;
	s1 =	sor.u32 s0, s1  }
0x5: {  	s8 =	simm.s32 $0x2;
	s11 =	simm.s32 $0x0;
	s3 =	sshll.u32 s1, $0x7  }
0x6: {  	s10 =	simm.s32 $0x0;
	s4 =	sadd.s32 $0x1C00, s4;
	s6 =	ssub.s32 $0xC8000, s3  }
.Ltmp0:
0x7: {  	s1 =	rddreg [dreg:$0x2];
	s5 =	sand.u32 $0xF80, s6;
	(pc) =	sbr.rel .LBB1_1-.Ltmp0, $4  }
0x8: {  	_ =	strace $0x8000004A;
	s9 =	smov.u32 s3;
	p0 =	sne.s32 s5, $0x0  }
0x9: {  	s6 =	sshrl.u32 s6, $0xC;
	s5 =	simm.s32 $0x1;
	s7 =	simm.s32 @!p0 $0x0  }
0xa: {  	[sflag:s5] =	ssyncpa.u1 $0x0;
	p0 =	por $0x0, $0x0;
	s6 =	sadd.s32 s7, s6  }
0xb: {  	[sflag:s8] =	ssyncpa.u1 $0x0;
	s8 =	simm.s32 $0x640000;
	s7 =	sadd.s32 $0x1, s6  }
.LBB1_4:
0xc: {  	s14 =	sshll.u32 s11, $0x3  }
0xd: {  	s30 =	sand.u32 $0x7F, s11;
	s15 =	sand.u32 $0xFFFFFC00, s14  }
0xe: {  	s11 =	sor.u32 s30, s15  }
0xf: {  	s15 =	smulhi.u32 $0x51EB851F, s11  }
0x10: {  	s14 =	smulhi.u32 $0x51EB851F, s14  }
0x11: {  	s15 =	sshrl.u32 s15, $0x12  }
0x12: {  	s14 =	sshrl.u32 s14, $0x12;
	s15 =	smul.u32 $0xC8000, s15  }
0x13: {  	s14 =	sand.u32 $0x1F, s14  }
0x14: {  	s14 =	smul.u32 $0x19000, s14;
	s11 =	ssub.s32 s11, s15  }
0x15: {  	s15 =	sand.u32 $0x7, s11  }
0x16: {  	s14 =	sadd.s32 s2, s14;
	s11 =	sshrl.u32 s11, $0x3;
	s15 =	sshll.u32 s15, $0x12  }
0x17: {  	[tilespmem:s13+$0x0 ss:$0x81] =	vst.msk $0xffff, v0;
	s11 =	sadd.s32 s11, s14;
	s31 =	sor.u32 $0x400, s15  }
0x18: {  	[hbm4b:s11+s31] =	stream.strided.scatter [tilespmem:s12], [sflag:$0x2], $0x1000, s8, s31, $0x20;
	[tilespmem:$0x4040] =	vst v63  }
.LBB1_5:
0x19: {  	s13 =	sadd.s32 $0x1000, s9  }
0x1a: {  	p2 =	sgt.s32 s13, $0xC7FFF  }
0x1b: {  	s13 =	smov.u32 @p2 s3;
	p2 =	sne.s32 s10, s7  }
.Ltmp1:
0x1c: {  	p1 =	slt.u32 s10, $0x2;
	(pc) =	sbr.rel @!p2 .LBB1_6-.Ltmp1, $4  }
0x1d: {  	s12 =	simm.s32 @!p1 $0x2  }
0x1e: {  	s14 =	sadd.s32 $0x1, s10;
	_ =	swait.ge @!p1 [sflag:s12], $0x1000  }
0x1f: {  	s11 =	smov.u32 s9;
	p0 =	por !p0, !p0;
	[sflag:s12] =	ssyncset.done @!p1 $0x0  }
0x20: {  	s10 =	smov.u32 s14;
	s9 =	smov.u32 s13;
	[sflag:s12] =	ssyncadd.s32 @!p1 $0xFFFFF000  }
.LBB1_1:
0x21: {  	p1 =	sge.u32 s10, s6  }
0x22: {  	s12 =	sand.u32 @!p1 $0x1FFFFFF, s9  }
0x23: {  	s13 =	smulhi.u32 @!p1 $0x147AE15, s12;
	_ =	sdelay $0x1  }
0x24: {  	s13 =	sshrl.u32 @!p1 s13, $0xC  }
0x25: {  	s13 =	smul.u32 @!p1 $0xC8000, s13;
	_ =	sdelay $0x1  }
0x26: {  	s31 =	sadd.s32 $0xFFFFFFFF, s10;
	s14 =	sxor.u32 @!p1 $0xFFFFFFFF, s10;
	s12 =	ssub.s32 @!p1 s12, s13  }
0x27: {  	s15 =	simm.s32 @!p1 $0x80;
	s14 =	sshll.u32 @!p1 s14, $0xC;
	s12 =	sshll.u32 @!p1 s12, $0x4  }
0x28: {  	s13 =	sand.u32 @!p1 $0x1000, s14;
	s14 =	simm.s32 @!p1 $0x20;
	s12 =	sadd.s32 @!p1 s4, s12  }
0x29: {  	[tilespmem:s13], [sflag:$0x1] =	stream.strided.gather @!p1 [hbm4b:s12+s14], $0x1000, s15, s14, $0x38;
	[tilespmem:$0x4040] =	vst v63  }
0x2a: {  	p1 =	sge.u32 s31, s6  }
.Ltmp2:
0x2b: {  	_ = 	snop;
	(pc) =	sbr.rel @p1 .LBB1_5-.Ltmp2, $1  }
0x2c: {  	_ =	sdelay $0x3  }
0x2d: {  	s12 =	simm.s32 $0x1  }
0x2e: {  	_ =	swait.ge [sflag:s5], $0x1000;
	s12 =	simm.s32 @!p0 $0x0  }
0x2f: {  	[sflag:s5] =	ssyncset.done $0x0;
	s13 =	sshll.u32 s12, $0xC  }
0x30: {  	[sflag:s5] =	ssyncadd.s32 $0xFFFFF000;
	s16 =	sor.u32 $0x10, s13  }
0x31: {  	s12 =	smul.u32 $0x4080, s12;
	v1 =	vld [tilespmem:s16+$0x0]  }
0x32: {  	s30 =	sand.u32 $0x1, s10;
	v0 =	vld [tilespmem:s16+$0xFFFFFFF0]  }
0x33: {  	s13 =	smul.u32 $0x4080, s30;
	s12 =	sshrl.u32 s12, $0x2  }
0x34: {  	s14 =	sor.u32 $0x2000, s12  }
0x35: {  	s31 =	sshrl.u32 s13, $0x2;
	s13 =	sadd.s32 $0x0, s14  }
0x36: {  	s15 =	simm.s32 $0x4;
	s16 =	sadd.s32 $0x20, s16;
	s12 =	sor.u32 $0x2000, s31;
	[tilespmem:s13+$0x810 ss:$0x81] =	vst.msk $0xffff, v1  }
.LBB1_3:
0x37: {  	v1 =	vld [tilespmem:s16+$0x0];
	p1 =	sne.s32 s15, $0x1FC;
	[tilespmem:s13+$0x0 ss:$0x81] =	vst.msk $0xffff, v0;
	s13 =	smov.u32 s15;
	s15 =	sadd.s32 $0x4, s15  }
.Ltmp3:
0x38: {  	v0 =	vld [tilespmem:s16+$0xFFFFFFF0];
	(pc) =	sbr.rel @p1 .LBB1_3-.Ltmp3, $4  }
0x39: {  	_ = 	snop  }
0x3a: {  	s13 =	sshra.s32 s13, $0x2  }
0x3b: {  	s13 =	sadd.s32 s13, s14  }
0x3c: {  	s16 =	sadd.s32 $0x20, s16;
	[tilespmem:s13+$0x810 ss:$0x81] =	vst.msk $0xffff, v1  }
.Ltmp4:
0x3d: {  	_ = 	snop;
	(pc) =	sbr.rel .LBB1_4-.Ltmp4, $1  }
0x3e: {  	_ =	sdelay $0x3  }
.LBB1_6:
0x3f: {  	_ =	sfence.sel $0x180000  }
0x40: {  	s2 =	simm.s32 $0x1;
	[bflag:$0x0] =	sbarrier.arrive $0xFFFF  }
0x41: {  	s31 =	simm.s32 $0x2;
	[sflag:s2] =	ssyncpa.u1 $0x1  }
0x42: {  	[sflag:s31] =	ssyncpa.u1 $0x1  }
0x43: {  	p0 =	sne.s32 s0, $0x0;
	_ =	strace $0x9000004A  }
0x44: {  	s0 =	sadd.s32 @!p0 $0x100000, s1;
	[bflag:$0x2] =	sbarrier.arrive $0xFFFF  }
0x45: {  	[sflag:s0] =	ssyncadd.tile.s32 @!p0 $0x1;
	_ =	shalt  }
.Lfunc_end1:
_tile_overlayer_lowered:
.L_overlay_start_2:
0x46: {  	(tag) =	ssettag $0x2  }
0x47: {  	s0 =	rddreg [dreg:$0x0];
	s2 =	stileid.u32  }
0x48: {  	s1 =	rddreg [dreg:$0x1];
	p0 =	sne.s32 s2, $0x0  }
0x49: {  	s3 =	rddreg [dreg:$0x2];
	[bflag:$0x3] =	sbarrier.arrive $0xFFFF;
	s2 =	simm.s32 @!p0 $0x1C01  }
0x4a: {  	[timem:s3], [sflag:s2] =	dma.local @!p0 [hbm:s0], s1  }
0x4b: {  	s0 =	simm.s32 @!p0 $0x1  }
0x4c: {  	_ =	swait.ge @!p0 [sflag:s0], s1  }
0x4d: {  	s1 =	ssub.s32 @!p0 $0x0, s1;
	[sflag:s0] =	ssyncset.done @!p0 $0x0  }
0x4e: {  	[sflag:s0] =	ssyncadd.s32 @!p0 s1  }
0x4f: {  	[bflag:$0x3] =	sbarrier.arrive $0xFFFF  }
0x50: {  	_ =	shalt  }

// kernel: sparse-core-data-format-call.cloned.1.call-start
scs
called_computation_lowered:
.L_overlay_start_0:
0x0: {  	s2 =	sld [smem:$0x3FD9]  }
0x1: {  	s3 =	sld [smem:$0x3FFE];
	_ =	sdelay $0x1  }
0x2: {  	s1 =	srdreg.scid  }
0x3: {  	s0 =	sand.u32 $0x1, s1  }
0x4: {  	s16 =	sshll.u32 s0, $0xA;
	s2 =	sadd.s32 s3, s2  }
0x5: {  	s2 =	sadd.s32 s2, s16  }
0x6: {  	[smem:$0x3FC4] =	sst s2  }
0x7: {  	_ = 	snop  }
0x8: {  	s2 =	sld [smem:$0x3FD0];
	_ =	sdelay $0x2  }
0x9: {  	s17 =	simm.s32 $0xB;
	s4 =	simm.s32 $0x10  }
0xa: {  	[smem:s4], [sflag:s17] =	dma.local [hbm:s2], $0x1  }
0xb: {  	_ =	swait.eq [sflag:s17], $0x1  }
0xc: {  	[sflag:s17] =	ssyncset.done $0x0  }
0xd: {  	[sflag:s17] =	ssyncadd.s32 $0xFFFFFFFF  }
0xe: {  	s18 =	sld [smem:$0x11];
	(tm) =	ssettm $0x1  }
0xf: {  	s19 =	sld [smem:$0x3FFB];
	_ =	sdelay $0x3  }
0x10: {  	_ =	strace s19  }
0x11: {  	s2 =	sld [smem:$0x3FFC];
	_ =	sdelay $0x3  }
0x12: {  	_ =	strace s2  }
0x13: {  	s2 =	sld [smem:$0x3FFD];
	_ =	sdelay $0x3  }
0x14: {  	_ =	strace s2  }
0x15: {  	_ =	strace $0x8FFFFFFF  }
0x16: {  	s20 =	sld [smem:$0x3FDB];
	_ =	sdelay $0x1  }
0x17: {  	s21 =	simm.s32 $_scs_section_size  }
0x18: {  	s5 =	simm.s32 $_size__tile_overlayer_lowered;
	s6 =	simm.s32 $_tile_overlayer_lowered  }
0x19: {  	s7 =	simm.s32 $0x1BFF;
	s22 =	sshll.u32 s6, $0x1;
	s4 =	sadd.s32 s21, s20  }
0x1a: {  	s23 =	simm.s32 $0x0;
	s5 =	sshll.u32 s5, $0x1;
	s6 =	sadd.s32 s22, s4  }
0x1b: {  	[timem:s23], [sflag:s7] =	dma.local [hbm:s6], s5  }
0x1c: {  	_ =	swait.ge [sflag:s7], s5  }
0x1d: {  	s5 =	ssub.s32 $0x0, s5;
	[sflag:s7] =	ssyncset.done $0x0  }
0x1e: {  	[sflag:s7] =	ssyncadd.s32 s5;
	_ =	sdelay $0x1  }
0x1f: {  	s24 =	simm.s32 $0x1B8B  }
0x20: {  	_ =	swait.ge [sflag:s24], $0x1  }
0x21: {  	[sflag:s24] =	ssyncset.done $0x0  }
0x22: {  	[sflag:s24] =	ssyncadd.s32 $0xFFFFFFFF  }
0x23: {  	s5 =	sld [smem:$0x0]  }
0x24: {  	s6 =	sand.u32 $0xFFFFFFFE, s1  }
0x25: {  	p0 =	sne.s32 s1, s6  }
0x26: {  	s6 =	sshll.u32 @p0 s6, $0xE  }
0x27: {  	s6 =	sadd.s32 @p0 $0x11B8D, s6;
	s7 =	sshll.u32 @p0 s5, $0x11  }
0x28: {  	s6 =	sor.u32 @p0 s7, s6  }
0x29: {  	[sflag:s6] =	ssyncadd.remote.s32 @p0 $0x1;
	_ =	sdelay $0x1  }
0x2a: {  	s6 =	simm.s32 @p0 $0x1B8D  }
0x2b: {  	_ =	swait.eq @p0 [sflag:s6], $0x1  }
0x2c: {  	[sflag:s6] =	ssyncadd.s32 @p0 $0xFFFFFFFF  }
0x2d: {  	s7 =	sshll.u32 @!p0 s1, $0xE  }
0x2e: {  	s7 =	sor.u32 @!p0 $0x4000, s7;
	s6 =	simm.s32 @!p0 $0x1B8D  }
0x2f: {  	s5 =	sshll.u32 @!p0 s5, $0x11;
	s7 =	sadd.s32 @!p0 $0x11B8D, s7;
	_ =	swait.eq @!p0 [sflag:s6], $0x1  }
0x30: {  	s5 =	sor.u32 @!p0 s5, s7;
	[sflag:s6] =	ssyncadd.s32 @!p0 $0xFFFFFFFF  }
0x31: {  	s26 =	simm.s32 $0x1B8E;
	s25 =	sld [smem:$0x3FFE];
	[sflag:s5] =	ssyncadd.remote.s32 @!p0 $0x1  }
0x32: {  	s27 =	simm.s32 $execute0_lowered;
	[smem:$0x3FD2] =	sst s26  }
0x33: {  	s6 =	sshll.u32 s27, $0x1;
	_ =	strace $0x80000052;
	[dreg:$0x1] =	wrdreg $0xFFFFFFFF  }
0x34: {  	s28 =	simm.s32 $_size_execute0_lowered;
	s4 =	sadd.s32 s4, s6;
	[dreg:$0x0] =	wrdreg $0x0  }
0x35: {  	s6 =	sshll.u32 s28, $0x1;
	[dreg:$0x2] =	wrdreg s4  }
0x36: {  	[dreg:$0x3] =	wrdreg s6  }
0x37: {  	[dreg:$0x4] =	wrdreg $0xC0  }
0x38: {  	_ =	task [dreg:s23], $0x5FFFF  }
0x39: {  	[dreg:$0x1] =	wrdreg $0xFFFFFFFF  }
0x3a: {  	[dreg:$0x0] =	wrdreg $0x60  }
0x3b: {  	[dreg:$0x2] =	wrdreg s25  }
0x3c: {  	[dreg:$0x3] =	wrdreg s18  }
0x3d: {  	[dreg:$0x4] =	wrdreg $0x9  }
0x3e: {  	_ =	task.clear_ibuf [dreg:s23], $0x5FFFF;
	_ =	strace $0x90000052  }
0x3f: {  	s29 =	simm.s32 $0x9;
	_ =	strace $0x80000054  }
0x40: {  	_ =	swait.ge [sflag:s29], $0x1  }
0x41: {  	[sflag:s29] =	ssyncadd.s32 $0xFFFFFFFF  }
0x42: {  	_ =	strace $0x90000054  }
0x43: {  	_ =	sfence  }
0x44: {  	s30 =	sld [smem:$0x0];
	_ =	sdelay $0x2  }
0x45: {  	s31 =	sshll.u32 s1, $0xD;
	s1 =	sshrl.u32 s1, $0x2  }
0x46: {  	s4 =	sand.u32 $0x4000, s31;
	s1 =	sadd.s32 s1, s30  }
0x47: {  	s0 =	sor.u32 s4, s0;
	s1 =	sshll.u32 s1, $0x11  }
0x48: {  	s0 =	sor.u32 s1, s0  }
0x49: {  	s0 =	sadd.s32 $0x8F2B, s0  }
0x4a: {  	[sflag:s0] =	ssyncadd.remote.s32 $0x1  }
0x4b: {  	_ =	sfence.sel $0xFFFF  }
0x4c: {  	[dreg:$0x0] =	wrdreg $0xFFFFFFFF;
	(pc) =	sbr.abs _section_cstart, $3  }
0x4d: {  	[dreg:$0x1] =	wrdreg $0xFFFFFFFF  }
0x4e: {  	_ =	task.clear_ibuf [dreg:s23], $0x2FFFF;
	_ =	strace $0x9FFFFFFF  }
0x4f: {  	(tm) =	ssettm $0x7FFFFFFF  }
tec
execute0_lowered:
.L_overlay_start_1:
0x0: {  	(tag) =	ssettag $0x1  }
0x1: {  	s8 =	rddreg [dreg:$0x0]  }
0x2: {  	s2 =	rddreg [dreg:$0x1];
	s1 =	stileid.u32  }
0x3: {  	s4 =	srdreg.scid;
	s0 =	rddreg [dreg:$0x2];
	_ =	strace $0x80000053  }
0x4: {  	s9 =	simm.s32 $0x1;
	s31 =	simm.s32 $0x2;
	s16 =	simm.s32 $0x0  }
0x5: {  	s17 =	simm.s32 $0x0;
	s11 =	simm.s32 $0x0;
	s12 =	simm.s32 $0x0  }
0x6: {  	s15 =	simm.s32 $0x0;
	s3 =	sshll.u32 s1, $0x1;
	s4 =	sshll.u32 s4, $0x7  }
0x7: {  	s4 =	sand.u32 $0x80, s4;
	s5 =	ssub.s32 $0x20, s3;
	s14 =	smov.u32 s3  }
0x8: {  	s6 =	sshrl.u32 s5, $0x5;
	s5 =	sand.u32 $0x1E, s5;
	s7 =	ssub.s32 $0x4000, s4  }
0x9: {  	p0 =	sne.s32 s5, $0x0;
	s30 =	sshrl.u32 s7, $0x7;
	s7 =	sshrl.u32 s7, $0x8  }
.Ltmp0:
0xa: {  	s9 =	simm.s32 @!p0 $0x0;
	s10 =	sand.u32 $0x1, s30;
	(pc) =	sbr.rel .LBB1_1-.Ltmp0, $4  }
0xb: {  	s5 =	simm.s32 $0x1;
	s6 =	sadd.s32 s9, s6;
	s7 =	sadd.s32 s7, s10  }
0xc: {  	s13 =	smov.u32 s4;
	[sflag:s5] =	ssyncpa.u1 $0x0;
	s6 =	smul.u32 s6, s7  }
0xd: {  	p0 =	por $0x0, $0x0;
	[sflag:s31] =	ssyncpa.u1 $0x0;
	s10 =	simm.s32 $0x80000  }
0xe: {  	s7 =	sadd.s32 $0x801C00, s8;
	s8 =	sadd.s32 $0x841C00, s8;
	s9 =	sadd.s32 $0x1, s6  }
.LBB1_7:
0xf: {  	p1 =	slt.u32 s15, $0x2  }
0x10: {  	s19 =	smov.u32 s17;
	p2 =	sgt.s32 @!p1 s17, $0x1E;
	s18 =	sshra.s32 @!p1 s17, $0x1F  }
0x11: {  	p3 =	sgt.s32 @!p1 s16, $0x3F80;
	s20 =	sshra.s32 @!p1 s16, $0x1F;
	p2 =	por !p2, p1  }
0x12: {  	s17 =	sand.u32 @!p1 s18, s17;
	p3 =	por !p3, p1;
	s18 =	smov.u32 s16  }
0x13: {  	s16 =	sand.u32 @!p1 s20, s16;
	s19 =	simm.s32 @p2 $0x1E;
	s18 =	simm.s32 @p3 $0x3F80  }
0x14: {  	s20 =	smov.u32 s14;
	s17 =	ssub.s32 @!p1 s19, s17;
	s16 =	ssub.s32 @!p1 s18, s16  }
0x15: {  	s18 =	sadd.s32 @!p1 $0xFFFFFFE2, s17;
	s17 =	ssub.s32 @!p1 $0x20, s17;
	s19 =	sadd.s32 @!p1 $0xFFFFC080, s16  }
0x16: {  	p2 =	sgt.s32 @!p1 s18, $0x1;
	s17 =	smul.u32 @!p1 $0x32, s17;
	p3 =	sgt.s32 @!p1 s19, $0x7F  }
0x17: {  	s16 =	ssub.s32 @!p1 $0x4000, s16;
	p2 =	por !p2, p1;
	p3 =	por !p3, p1  }
0x18: {  	s18 =	sadd.s32 $0x100, s13;
	s17 =	simm.s32 @!p2 $0x0;
	s16 =	simm.s32 @!p3 $0x0  }
0x19: {  	p2 =	sgt.s32 s18, $0x3FFF;
	s16 =	smul.u32 @!p1 s16, s17;
	s17 =	sadd.s32 $0x20, s14  }
0x1a: {  	s20 =	smov.u32 @p2 s17  }
0x1b: {  	s18 =	smov.u32 @p2 s4;
	p2 =	sgt.s32 s20, $0x1F  }
0x1c: {  	s20 =	smov.u32 @p2 s3;
	p2 =	sne.s32 s15, s9  }
.Ltmp1:
0x1d: {  	p0 =	por !p0, !p0;
	s19 =	simm.s32 @!p1 $0x2;
	(pc) =	sbr.rel @!p2 .LBB1_8-.Ltmp1, $4  }
0x1e: {  	s17 =	smov.u32 s12;
	s12 =	smov.u32 s14;
	s16 =	sand.u32 @!p1 $0x3FFFFFFE, s16  }
0x1f: {  	_ =	swait.ge @!p1 [sflag:s19], s16;
	s21 =	ssub.s32 @!p1 $0x0, s16;
	s16 =	smov.u32 s11  }
0x20: {  	s15 =	sadd.s32 $0x1, s15;
	s11 =	smov.u32 s13;
	[sflag:s19] =	ssyncset.done @!p1 $0x0  }
0x21: {  	s13 =	smov.u32 s18;
	s14 =	smov.u32 s20;
	[sflag:s19] =	ssyncadd.s32 @!p1 s21  }
.LBB1_1:
0x22: {  	p1 =	sge.u32 s15, s6  }
0x23: {  	s18 =	sxor.u32 @!p1 $0xFFFFFFFF, s15;
	s19 =	sshll.u32 @!p1 s14, $0x12  }
0x24: {  	s20 =	sshll.u32 @!p1 s13, $0x4;
	s22 =	simm.s32 @!p1 $0x40;
	s23 =	simm.s32 @!p1 $0x80  }
0x25: {  	s18 =	sshll.u32 @!p1 s18, $0xE;
	s20 =	sand.u32 @!p1 $0x3FFF0, s20;
	s21 =	sadd.s32 @!p1 s7, s19  }
0x26: {  	s19 =	sadd.s32 @!p1 s19, s8;
	s18 =	sand.u32 @!p1 $0x4000, s18;
	s21 =	sadd.s32 @!p1 s20, s21  }
0x27: {  	[tilespmem:s18], [sflag:$0x1] =	stream.strided.gather @!p1 [hbm4b:s21+s22], $0x2000, s23, s22, $0x38;
	[tilespmem:$0x10100] =	vst v63  }
0x28: {  	s31 =	sadd.s32 $0xFFFFFFFF, s15;
	s19 =	sadd.s32 @!p1 s20, s19;
	s18 =	sor.u32 @!p1 $0x2000, s18  }
0x29: {  	[tilespmem:s18], [sflag:$0x1] =	stream.strided.gather @!p1 [hbm4b:s19+s22], $0x2000, s23, s22, $0x38;
	[tilespmem:$0x10100] =	vst v63  }
0x2a: {  	p1 =	sge.u32 s31, s6  }
.Ltmp2:
0x2b: {  	_ = 	snop;
	(pc) =	sbr.rel @p1 .LBB1_7-.Ltmp2, $1  }
0x2c: {  	_ =	sdelay $0x3  }
0x2d: {  	s18 =	simm.s32 $0x1;
	s20 =	sand.u32 $0x1, s15  }
0x2e: {  	_ =	swait.ge [sflag:s5], $0x4000;
	s18 =	simm.s32 @!p0 $0x0;
	s20 =	smul.u32 $0x10200, s20  }
0x2f: {  	p2 =	por $0x1, $0x1;
	[sflag:s5] =	ssyncset.done $0x0;
	s19 =	smul.u32 $0x10200, s18  }
0x30: {  	s21 =	sshll.u32 s18, $0x10;
	[sflag:s5] =	ssyncadd.s32 $0xFFFFC000;
	s30 =	sshrl.u32 s20, $0x2  }
0x31: {  	s31 =	sshrl.u32 s21, $0x2;
	s21 =	simm.s32 $0x0;
	s19 =	sshrl.u32 s19, $0x2  }
0x32: {  	s18 =	sor.u32 $0x8000, s30;
	s20 =	sadd.s32 $0x20, s31;
	s19 =	sor.u32 $0x8000, s19  }
.LBB1_3:
0x33: {  	s22 =	sshll.u32 s21, $0xD  }
0x34: {  	s22 =	sand.u32 $0x3FFFE000, s22  }
0x35: {  	s24 =	sadd.s32 s22, s20  }
0x36: {  	s31 =	smul.u32 $0x204, s21;
	v3 =	vld [tilespmem:s24+$0x10]  }
0x37: {  	v1 =	vld [tilespmem:s24+$0xFFFFFFF0]  }
0x38: {  	s21 =	sshra.s32 s31, $0x2;
	v0 =	vld [tilespmem:s24+$0x0]  }
0x39: {  	s21 =	sadd.s32 s21, s19;
	v2 =	vld [tilespmem:s24+$0xFFFFFFE0]  }
0x3a: {  	s22 =	sadd.s32 $0x0, s21  }
0x3b: {  	p1 =	por p2, p2;
	s23 =	simm.s32 $0x4;
	s24 =	sadd.s32 $0x40, s24;
	[tilespmem:s22+$0x3060 ss:$0x102] =	vst.msk $0xffff, v3  }
.LBB1_4:
0x3c: {  	v3 =	vld [tilespmem:s24+$0x10];
	p2 =	sne.s32 s23, $0x1FC;
	[tilespmem:s22+$0x1020 ss:$0x102] =	vst.msk $0xffff, v1;
	s25 =	smov.u32 s23;
	s23 =	sadd.s32 $0x4, s23  }
.Ltmp3:
0x3d: {  	v1 =	vld [tilespmem:s24+$0xFFFFFFF0];
	[tilespmem:s22+$0x2040 ss:$0x102] =	vst.msk $0xffff, v0;
	(pc) =	sbr.rel @p2 .LBB1_4-.Ltmp3, $4  }
0x3e: {  	v0 =	vld [tilespmem:s24+$0x0];
	[tilespmem:s22+$0x0 ss:$0x102] =	vst.msk $0xffff, v2  }
0x3f: {  	s22 =	sshra.s32 s25, $0x2;
	v2 =	vld [tilespmem:s24+$0xFFFFFFE0]  }
0x40: {  	s22 =	sadd.s32 s22, s21  }
0x41: {  	s24 =	sadd.s32 $0x40, s24;
	[tilespmem:s22+$0x3060 ss:$0x102] =	vst.msk $0xffff, v3  }
.Ltmp4:
0x42: {  	(pc) =	sbr.rel @p1 .LBB1_3-.Ltmp4, $4  }
0x43: {  	_ = 	snop  }
0x44: {  	[tilespmem:s22+$0x1020 ss:$0x102] =	vst.msk $0xffff, v1  }
0x45: {  	[tilespmem:s22+$0x2040 ss:$0x102] =	vst.msk $0xffff, v0  }
0x46: {  	s21 =	simm.s32 $0x1;
	p2 =	por $0x0, $0x0;
	[tilespmem:s22+$0x0 ss:$0x102] =	vst.msk $0xffff, v2  }
0x47: {  	s19 =	sand.u32 $0x78, s11;
	p1 =	sgt.s32 s12, $0x1E;
	s20 =	smov.u32 s12  }
0x48: {  	s21 =	sshra.s32 s12, $0x1F;
	s22 =	sshll.u32 s12, $0xE;
	s23 =	sshll.u32 s11, $0x3  }
0x49: {  	s30 =	sshra.s32 s11, $0x1F;
	s25 =	sshll.u32 s12, $0x7;
	s20 =	simm.s32 @!p1 $0x1E  }
0x4a: {  	s21 =	sand.u32 s21, s12;
	s22 =	sand.u32 $0x60000, s22;
	p1 =	sgt.s32 s11, $0x3F80  }
0x4b: {  	s25 =	sand.u32 $0x380, s25;
	s20 =	ssub.s32 s20, s21;
	s21 =	smov.u32 s11  }
0x4c: {  	s22 =	sadd.s32 s22, s23;
	s24 =	sadd.s32 $0xFFFFFFE2, s20;
	s21 =	simm.s32 @!p1 $0x3F80  }
0x4d: {  	s20 =	ssub.s32 $0x20, s20;
	p1 =	sgt.s32 s24, $0x1;
	s24 =	sand.u32 s30, s11  }
0x4e: {  	s23 =	sand.u32 $0x3C00, s23;
	s20 =	smul.u32 $0x32, s20;
	s21 =	ssub.s32 s21, s24  }
0x4f: {  	s19 =	sor.u32 s25, s19;
	s22 =	sand.u32 $0x7C000, s22;
	s24 =	sadd.s32 $0xFFFFC080, s21  }
0x50: {  	s20 =	simm.s32 @p1 $0x0;
	s21 =	ssub.s32 $0x4000, s21;
	p1 =	sgt.s32 s24, $0x7F  }
.Ltmp5:
0x51: {  	s19 =	sor.u32 s23, s19;
	s21 =	simm.s32 @p1 $0x0;
	(pc) =	sbr.rel .LBB1_7-.Ltmp5, $4  }
0x52: {  	s31 =	sand.u32 $0x7, s11;
	s19 =	sor.u32 s22, s19;
	s20 =	smul.u32 s21, s20  }
0x53: {  	s19 =	sshrl.u32 s19, $0x3;
	s21 =	sshll.u32 s31, $0x12  }
0x54: {  	s19 =	sadd.s32 s2, s19;
	s21 =	sor.u32 $0x100, s21;
	s20 =	sand.u32 $0x3FFFFFFE, s20  }
0x55: {  	[hbm4b:s19+s21] =	stream.strided.scatter [tilespmem:s18], [sflag:$0x2], s20, s10, s21, $0x20;
	[tilespmem:$0x10100] =	vst v63  }
.LBB1_8:
0x56: {  	_ =	sfence.sel $0x180000  }
0x57: {  	s2 =	simm.s32 $0x1;
	[bflag:$0x0] =	sbarrier.arrive $0xFFFF  }
0x58: {  	s31 =	simm.s32 $0x2;
	[sflag:s2] =	ssyncpa.u1 $0x1  }
0x59: {  	[sflag:s31] =	ssyncpa.u1 $0x1  }
0x5a: {  	p0 =	sne.s32 s1, $0x0;
	_ =	strace $0x90000053  }
0x5b: {  	s0 =	sadd.s32 @!p0 $0x100000, s0;
	[bflag:$0x2] =	sbarrier.arrive $0xFFFF  }
0x5c: {  	[sflag:s0] =	ssyncadd.tile.s32 @!p0 $0x1;
	_ =	shalt  }
.Lfunc_end1:
_tile_overlayer_lowered:
.L_overlay_start_2:
0x5d: {  	(tag) =	ssettag $0x2  }
0x5e: {  	s0 =	rddreg [dreg:$0x0];
	s2 =	stileid.u32  }
0x5f: {  	s1 =	rddreg [dreg:$0x1];
	p0 =	sne.s32 s2, $0x0  }
0x60: {  	s3 =	rddreg [dreg:$0x2];
	[bflag:$0x3] =	sbarrier.arrive $0xFFFF;
	s2 =	simm.s32 @!p0 $0x1C01  }
0x61: {  	[timem:s3], [sflag:s2] =	dma.local @!p0 [hbm:s0], s1  }
0x62: {  	s0 =	simm.s32 @!p0 $0x1  }
0x63: {  	_ =	swait.ge @!p0 [sflag:s0], s1  }
0x64: {  	s1 =	ssub.s32 @!p0 $0x0, s1;
	[sflag:s0] =	ssyncset.done @!p0 $0x0  }
0x65: {  	[sflag:s0] =	ssyncadd.s32 @!p0 s1  }
0x66: {  	[bflag:$0x3] =	sbarrier.arrive $0xFFFF  }
0x67: {  	_ =	shalt  }

</sc_bundles>
